<compile_context>
chip_gen: v7x
topology: tpu7x:2x2x1
jax: 0.10.2.dev20260603
libtpu: 0.0.44.dev20260713+nightly
codegen_flags: <defaults>
</compile_context>

<pallas_src>
import functools

import jax
import jax.numpy as jnp
from jax import lax
from jax.experimental import pallas as pl
from jax.experimental.pallas import tpu as pltpu
from jax.experimental.pallas import tpu_sc as plsc

T = 2048
D = 768
F = 3072
E = 8
TILE = 128
NT = 24
TP = NT * TILE


def _router_meta_body(x_ref, wr_ref, logits_ref, ei_ref, pw_ref, pos_ref,
                      inv_ref, blk_ref):
    x = x_ref[0]
    wr = wr_ref[...]
    logits = jnp.dot(x, wr, preferred_element_type=jnp.float32)
    logits_ref[...] = logits

    m = jnp.max(logits, axis=1, keepdims=True)
    pw = 1.0 / jnp.sum(jnp.exp(logits - m), axis=1, keepdims=True)
    pw_ref[...] = jnp.broadcast_to(pw, (T, 16))

    lane = lax.broadcasted_iota(jnp.int32, (T, E), 1)
    ei = jnp.min(jnp.where(logits == m, lane, E), axis=1, keepdims=True)
    ei_ref[...] = ei

    oh = (lane == ei).astype(jnp.float32)

    s = oh
    k = 1
    while k < T:
        s = s + jnp.concatenate(
            [jnp.zeros((k, E), jnp.float32), s[:T - k]], axis=0)
        k *= 2
    excl = s - oh
    rank = jnp.sum(excl * oh, axis=1, keepdims=True)

    counts = jnp.sum(oh, axis=0, keepdims=True)
    pc = jnp.bitwise_and(counts.astype(jnp.int32) + (TILE - 1),
                         ~(TILE - 1))
    r8 = lax.broadcasted_iota(jnp.int32, (E, E), 0)
    c8 = lax.broadcasted_iota(jnp.int32, (E, E), 1)
    upper = (r8 < c8).astype(jnp.float32)
    poff = jnp.dot(pc.astype(jnp.float32), upper,
                   preferred_element_type=jnp.float32,
                   precision=lax.Precision.HIGHEST)

    poff_t = jnp.sum(oh * poff, axis=1, keepdims=True)
    pos = (poff_t + rank).astype(jnp.int32)
    pos_ref[...] = pos

    poff_tile = poff.astype(jnp.int32) // TILE
    blk_ref[...] = jnp.zeros((1, 16), jnp.int32)
    blk_ref[:, 0:E] = poff_tile
    blk_ref[:, E:E + 1] = poff_tile[:, E - 1:E] + (pc[:, E - 1:E] // TILE)

    posf = pos.astype(jnp.float32)
    ids_i = lax.broadcasted_iota(jnp.int32, (1, T), 1)
    lhs = jnp.concatenate([
        (ids_i // 64).astype(jnp.float32),
        jnp.bitwise_and(ids_i, 63).astype(jnp.float32),
        jnp.ones((1, T), jnp.float32),
    ], axis=0)
    for c in range(NT):
        slots_i = (lax.broadcasted_iota(jnp.int32, (1, TILE), 1) + c * TILE)
        slots = slots_i.astype(jnp.float32)
        mk = (posf == slots).astype(jnp.float32)
        r = jnp.dot(lhs, mk, preferred_element_type=jnp.float32)
        invc = (r[0:1] * 64.0 + r[1:2]).astype(jnp.int32)
        valid = r[2:3] > 0.0
        fill = jnp.bitwise_and(slots_i, T - 1)
        inv_ref[:, c * TILE:(c + 1) * TILE] = jnp.where(valid, invc, fill)


_router_meta = pl.pallas_call(
    _router_meta_body,
    out_shape=[
        jax.ShapeDtypeStruct((T, E), jnp.float32),
        jax.ShapeDtypeStruct((T, 1), jnp.int32),
        jax.ShapeDtypeStruct((T, 16), jnp.float32),
        jax.ShapeDtypeStruct((T, 1), jnp.int32),
        jax.ShapeDtypeStruct((1, TP), jnp.int32),
        jax.ShapeDtypeStruct((1, 16), jnp.int32),
    ],
)


_NC, _NS = 2, 16
_NW = _NC * _NS
_RB = TP // _NW
_RC = T // _NW

def _dispatch_body(x_hbm, inv_hbm, xs_hbm, idx_v, rows_v, sem):
    wid = lax.axis_index("s") * _NC + lax.axis_index("c")
    base = wid * _RB
    pltpu.sync_copy(inv_hbm.at[pl.ds(base, _RB)], idx_v)
    pltpu.async_copy(x_hbm.at[0].at[idx_v], rows_v, sem).wait()
    pltpu.sync_copy(rows_v, xs_hbm.at[pl.ds(base, _RB)])


def _combine_body(ys_hbm, pos_hbm, pw_hbm, out_hbm, idx_v, rows_v, pw_v, sem):
    wid = lax.axis_index("s") * _NC + lax.axis_index("c")
    base = wid * _RC
    pltpu.sync_copy(pos_hbm.at[pl.ds(base, _RC)], idx_v)
    pltpu.sync_copy(pw_hbm.at[pl.ds(base, _RC)], pw_v)
    pltpu.async_copy(ys_hbm.at[idx_v], rows_v, sem).wait()

    def scale_row(r, carry):
        p = pw_v[r, 0:16]
        for j in range(D // 16):
            rows_v[r, 16 * j:16 * (j + 1)] = rows_v[r, 16 * j:16 * (j + 1)] * p
        return carry

    lax.fori_loop(0, _RC, scale_row, 0)
    pltpu.sync_copy(rows_v, out_hbm.at[pl.ds(base, _RC)])


@functools.cache
def _sc_kernels():
    mesh = plsc.VectorSubcoreMesh(core_axis_name="c", subcore_axis_name="s")
    dispatch = pl.kernel(
        _dispatch_body, mesh=mesh,
        out_type=jax.ShapeDtypeStruct((TP, D), jnp.float32),
        scratch_types=[pltpu.VMEM((_RB,), jnp.int32),
                       pltpu.VMEM((_RB, D), jnp.float32),
                       pltpu.SemaphoreType.DMA])
    combine = pl.kernel(
        _combine_body, mesh=mesh,
        out_type=jax.ShapeDtypeStruct((T, D), jnp.float32),
        scratch_types=[pltpu.VMEM((_RC,), jnp.int32),
                       pltpu.VMEM((_RC, D), jnp.float32),
                       pltpu.VMEM((_RC, 16), jnp.float32),
                       pltpu.SemaphoreType.DMA])
    return dispatch, combine


NF = 2
FB = F // NF


def _ffn_body(to_ref, xs_ref, w1_ref, b1_ref, w2_ref, b2_ref, ys_ref):
    e = pl.program_id(0)
    fi = pl.program_id(1)
    start = to_ref[e]
    end = to_ref[e + 1]

    @pl.when(fi == 0)
    def _():
        def tile0(t, carry):
            xt = xs_ref[pl.ds(t * TILE, TILE), :]
            h = jnp.dot(xt, w1_ref[0], preferred_element_type=jnp.float32)
            h = jnp.maximum(h + b1_ref[0], 0.0)
            y = jnp.dot(h, w2_ref[0], preferred_element_type=jnp.float32)
            ys_ref[pl.ds(t * TILE, TILE), :] = y
            return carry

        lax.fori_loop(start, end, tile0, 0)

    @pl.when(fi == NF - 1)
    def _():
        def tile1(t, carry):
            xt = xs_ref[pl.ds(t * TILE, TILE), :]
            h = jnp.dot(xt, w1_ref[0], preferred_element_type=jnp.float32)
            h = jnp.maximum(h + b1_ref[0], 0.0)
            y = jnp.dot(h, w2_ref[0], preferred_element_type=jnp.float32)
            ys_ref[pl.ds(t * TILE, TILE), :] = (
                ys_ref[pl.ds(t * TILE, TILE), :] + y + b2_ref[0])
            return carry

        lax.fori_loop(start, end, tile1, 0)


_ffn = pl.pallas_call(
    _ffn_body,
    grid_spec=pltpu.PrefetchScalarGridSpec(
        num_scalar_prefetch=1,
        grid=(E, NF),
        in_specs=[
            pl.BlockSpec((TP, D), lambda e, fi, to: (0, 0)),
            pl.BlockSpec((1, D, FB), lambda e, fi, to: (e, 0, fi)),
            pl.BlockSpec((1, 1, FB), lambda e, fi, to: (e, 0, fi)),
            pl.BlockSpec((1, FB, D), lambda e, fi, to: (e, fi, 0)),
            pl.BlockSpec((1, 1, D), lambda e, fi, to: (e, 0, 0)),
        ],
        out_specs=pl.BlockSpec((TP, D), lambda e, fi, to: (0, 0)),
    ),
    out_shape=jax.ShapeDtypeStruct((TP, D), jnp.float32),
    compiler_params=pltpu.CompilerParams(
        dimension_semantics=("arbitrary", "arbitrary")),
)


def kernel(hidden_states, W_router, W1, b1, W2, b2):
    shape = hidden_states.shape
    logits, ei, pwtab, pos, inv, blk = _router_meta(hidden_states, W_router)
    dispatch, combine = _sc_kernels()
    xs = dispatch(hidden_states, inv.reshape(TP))
    ys = _ffn(blk.reshape(16), xs, W1, b1.reshape(E, 1, F), W2,
              b2.reshape(E, 1, D))
    out = combine(ys, pos.reshape(T), pwtab)
    return out.reshape(shape), logits, ei.reshape(T)

# --- scband reference (transcript-rebuilt; emitter-appended) ---
"""Pipeline reference for scband-mo-elayer-51986284151414 (READ-ONLY COPY).

The authoritative reference and input builder live on the scoring server;
editing this copy changes nothing except your own understanding.
"""

import jax, jax.numpy as jnp
import numpy as np

B = 1
S = 2048
D_MODEL = 768
D_FF = 3072
E = 8


def setup_inputs(seed: int = 0) -> dict:
    key = jax.random.key(seed)
    ks = jax.random.split(key, 6)
    hidden_states = jax.random.normal(ks[0], (B, S, D_MODEL), dtype=jnp.float32)
    W_router = jax.random.normal(ks[1], (D_MODEL, E), dtype=jnp.float32) * 0.02
    W1 = jax.random.normal(ks[2], (E, D_MODEL, D_FF), dtype=jnp.float32) * 0.02
    b1 = jnp.zeros((E, D_FF), dtype=jnp.float32)
    W2 = jax.random.normal(ks[3], (E, D_FF, D_MODEL), dtype=jnp.float32) * 0.02
    b2 = jnp.zeros((E, D_MODEL), dtype=jnp.float32)
    return {
        "hidden_states": hidden_states,
        "W_router": W_router,
        "W1": W1,
        "b1": b1,
        "W2": W2,
        "b2": b2,
    }


def reference(hidden_states, W_router, W1, b1, W2, b2):
    # Faithful single-host (world_size=1) translation of MoELayer.forward:
    # 1) flatten tokens, 2) route (top-1 via argmax of router mask),
    # 3) dispatch tokens to their expert, 4) expert FFN compute,
    # 5) gather tokens back into position, 6) scale by router prob.
    original_shape = hidden_states.shape
    x = hidden_states.reshape(-1, D_MODEL)  # [T, d_model]

    # Router: linear -> softmax -> top-1 mask
    router_logits = x @ W_router                       # [T, E]
    probs_full = jax.nn.softmax(router_logits, axis=-1)
    expert_index = jnp.argmax(probs_full, axis=-1)     # [T]
    router_mask = jax.nn.one_hot(expert_index, E, dtype=x.dtype)  # [T, E]
    router_probs = jnp.max(probs_full, axis=-1, keepdims=True)    # [T, 1]

    # Dispatch: equivalent of distribute_tokens (tokens grouped per expert).
    # expert_inputs[e, t] = x[t] if token t routed to expert e else 0
    expert_inputs = jnp.einsum('te,td->etd', router_mask, x)  # [E, T, d]

    # Expert computation (FFN per expert) -- ExpertManager with masked experts.
    h = jax.nn.relu(jnp.einsum('etd,edf->etf', expert_inputs, W1) + b1[:, None, :])
    y = jnp.einsum('etf,efd->etd', h, W2) + b2[:, None, :]

    # Gather tokens back: combined[t] = y[expert_index[t], t]
    combined = jnp.einsum('te,etd->td', router_mask, y)  # [T, d]

    out = (router_probs * combined).reshape(original_shape)
    return out, router_logits, expert_index

if __name__ == "__main__":
    import jax
    _d = setup_inputs()
    print(jax.jit(kernel)(*tuple(_d.values())))

</pallas_src>

<mosaic_0001>
#map = affine_map<(d0, d1) -> (0, 0)>
#map1 = affine_map<(d0, d1) -> (0)>
module attributes {stable_mosaic.version = 14 : i64} {
  func.func @_combine_body(%arg0: i32, %arg1: i32, %arg2: memref<3072x768xf32, #tpu.memory_space<hbm>>, %arg3: memref<2048xi32, #tpu.memory_space<hbm>>, %arg4: memref<2048x16xf32, #tpu.memory_space<hbm>>, %arg5: memref<2048x768xf32, #tpu.memory_space<hbm>>, %arg6: memref<64xi32, #tpu.memory_space<vmem>>, %arg7: memref<64x768xf32, #tpu.memory_space<vmem>>, %arg8: memref<64x16xf32, #tpu.memory_space<vmem>>, %arg9: memref<!tpu.dma_semaphore, #tpu.memory_space<semaphore_mem>>) attributes {dimension_semantics = [#tpu.dimension_semantics<core_parallel>, #tpu.dimension_semantics<subcore_parallel>], iteration_bounds = array<i64: 2, 16>, scalar_prefetch = 0 : i64, scratch_operands = 4 : i64, tpu.core_type = #tpu.core_type<sc_vector_subcore>, window_params = [{transform_indices = #map}, {transform_indices = #map1}, {transform_indices = #map}, {transform_indices = #map}]} {
    %mul3A = arith.constant 2 : i32
    %mul3A_0 = arith.muli %arg1, %mul3A : i32
    %add3A = arith.addi %mul3A_0, %arg0 : i32
    %mul3A_1 = arith.constant 64 : i32
    %mul3A_2 = arith.muli %add3A, %mul3A_1 : i32
    "tpu.region"() ({
      %run_scoped3A = tpu.sem_alloc : memref<!tpu.dma_semaphore, #tpu.memory_space<semaphore_mem>>
      %dma_start3A_12 = tpu.memref_slice %arg3[%mul3A_2] : memref<2048xi32, #tpu.memory_space<hbm>> -> memref<64xi32, #tpu.memory_space<hbm>>
      %dma_start3A_13 = tpu.memref_slice %arg3[%mul3A_2] : memref<2048xi32, #tpu.memory_space<hbm>> -> memref<64xi32, #tpu.memory_space<hbm>>
      tpu.enqueue_dma source(%dma_start3A_13 : memref<64xi32, #tpu.memory_space<hbm>>) target(%arg6 : memref<64xi32, #tpu.memory_space<vmem>>) target_semaphore(%run_scoped3A : memref<!tpu.dma_semaphore, #tpu.memory_space<semaphore_mem>>)
      %dma_wait3A_14 = tpu.memref_slice %arg3[%mul3A_2] : memref<2048xi32, #tpu.memory_space<hbm>> -> memref<64xi32, #tpu.memory_space<hbm>>
      %dma_wait3A_15 = tpu.memref_slice %arg3[%mul3A_2] : memref<2048xi32, #tpu.memory_space<hbm>> -> memref<64xi32, #tpu.memory_space<hbm>>
      tpu.wait_dma2 semaphore(%run_scoped3A : memref<!tpu.dma_semaphore, #tpu.memory_space<semaphore_mem>>) src(%dma_wait3A_15 : memref<64xi32, #tpu.memory_space<hbm>>) dst(%arg6 : memref<64xi32, #tpu.memory_space<vmem>>)
      tpu.yield
    }) : () -> ()
    "tpu.region"() ({
      %run_scoped3A = tpu.sem_alloc : memref<!tpu.dma_semaphore, #tpu.memory_space<semaphore_mem>>
      %dma_start3A_12 = arith.constant 0 : i32
      %dma_start3A_13 = tpu.memref_slice %arg4[%mul3A_2, %dma_start3A_12] : memref<2048x16xf32, #tpu.memory_space<hbm>> -> memref<64x16xf32, #tpu.memory_space<hbm>>
      %dma_start3A_14 = arith.constant 0 : i32
      %dma_start3A_15 = tpu.memref_slice %arg4[%mul3A_2, %dma_start3A_14] : memref<2048x16xf32, #tpu.memory_space<hbm>> -> memref<64x16xf32, #tpu.memory_space<hbm>>
      tpu.enqueue_dma source(%dma_start3A_15 : memref<64x16xf32, #tpu.memory_space<hbm>>) target(%arg8 : memref<64x16xf32, #tpu.memory_space<vmem>>) target_semaphore(%run_scoped3A : memref<!tpu.dma_semaphore, #tpu.memory_space<semaphore_mem>>)
      %dma_wait3A_16 = arith.constant 0 : i32
      %dma_wait3A_17 = tpu.memref_slice %arg4[%mul3A_2, %dma_wait3A_16] : memref<2048x16xf32, #tpu.memory_space<hbm>> -> memref<64x16xf32, #tpu.memory_space<hbm>>
      %dma_wait3A_18 = arith.constant 0 : i32
      %dma_wait3A_19 = tpu.memref_slice %arg4[%mul3A_2, %dma_wait3A_18] : memref<2048x16xf32, #tpu.memory_space<hbm>> -> memref<64x16xf32, #tpu.memory_space<hbm>>
      tpu.wait_dma2 semaphore(%run_scoped3A : memref<!tpu.dma_semaphore, #tpu.memory_space<semaphore_mem>>) src(%dma_wait3A_19 : memref<64x16xf32, #tpu.memory_space<hbm>>) dst(%arg8 : memref<64x16xf32, #tpu.memory_space<vmem>>)
      tpu.yield
    }) : () -> ()
    %dma_start3A = arith.constant 0 : i32
    %dma_start3A_3 = arith.constant 0 : i32
    %dma_start3A_4 = tpu.memref_slice %arg2[%dma_start3A, %dma_start3A_3] : memref<3072x768xf32, #tpu.memory_space<hbm>> -> memref<3072x768xf32, #tpu.memory_space<hbm>>
    tpu.enqueue_indirect_dma source(%dma_start3A_4 : memref<3072x768xf32, #tpu.memory_space<hbm>>) target(%arg7 : memref<64x768xf32, #tpu.memory_space<vmem>>) offsets(%arg6 : memref<64xi32, #tpu.memory_space<vmem>>) semaphore(%arg9 : memref<!tpu.dma_semaphore, #tpu.memory_space<semaphore_mem>>)
    %dma_wait3A = arith.constant 0 : i32
    %dma_wait3A_5 = arith.constant 0 : i32
    %dma_wait3A_6 = tpu.memref_slice %arg2[%dma_wait3A, %dma_wait3A_5] : memref<3072x768xf32, #tpu.memory_space<hbm>> -> memref<3072x768xf32, #tpu.memory_space<hbm>>
    tpu.wait_indirect_dma semaphore(%arg9 : memref<!tpu.dma_semaphore, #tpu.memory_space<semaphore_mem>>) src(%dma_wait3A_6 : memref<3072x768xf32, #tpu.memory_space<hbm>>) dst(%arg7 : memref<64x768xf32, #tpu.memory_space<vmem>>)
    %scan3A = arith.constant 0 : i32
    %scan3A_7 = arith.constant 0 : i32
    %scan3A_8 = arith.constant 64 : i32
    %scan3A_9 = arith.addi %scan3A_7, %scan3A_8 : i32
    %scan3A_10 = arith.constant 1 : i32
    scf.for %scan3A_12 = %scan3A_7 to %scan3A_9 step %scan3A_10  : i32 {
      %get3A = arith.index_cast %scan3A_12 : i32 to index
      %get3A_13 = arith.constant 0 : index
      %get3A_14 = tpu.vector_load %arg8[%get3A, %get3A_13] {strides = array<i32>} : memref<64x16xf32, #tpu.memory_space<vmem>>, vector<1x16xf32>,
      %get3A_15 = vector.shape_cast %get3A_14 : vector<1x16xf32> to vector<16xf32>
      %get3A_16 = arith.index_cast %scan3A_12 : i32 to index
      %get3A_17 = arith.constant 0 : index
      %get3A_18 = tpu.vector_load %arg7[%get3A_16, %get3A_17] {strides = array<i32>} : memref<64x768xf32, #tpu.memory_space<vmem>>, vector<1x16xf32>,
      %get3A_19 = vector.shape_cast %get3A_18 : vector<1x16xf32> to vector<16xf32>
      %mul3A_20 = arith.mulf %get3A_19, %get3A_15 : vector<16xf32>
      %swap3A = arith.index_cast %scan3A_12 : i32 to index
      %swap3A_21 = arith.constant 0 : index
      %swap3A_22 = tpu.vector_load %arg7[%swap3A, %swap3A_21] {strides = array<i32>} : memref<64x768xf32, #tpu.memory_space<vmem>>, vector<1x16xf32>,
      %swap3A_23 = vector.shape_cast %swap3A_22 : vector<1x16xf32> to vector<16xf32>
      %swap3A_24 = vector.shape_cast %mul3A_20 : vector<16xf32> to vector<1x16xf32>
      tpu.vector_store %arg7[%swap3A, %swap3A_21], %swap3A_24 {strides = array<i32>} : memref<64x768xf32, #tpu.memory_space<vmem>>, vector<1x16xf32>,
      %get3A_25 = arith.index_cast %scan3A_12 : i32 to index
      %get3A_26 = arith.constant 16 : index
      %get3A_27 = tpu.vector_load %arg7[%get3A_25, %get3A_26] {strides = array<i32>} : memref<64x768xf32, #tpu.memory_space<vmem>>, vector<1x16xf32>,
      %get3A_28 = vector.shape_cast %get3A_27 : vector<1x16xf32> to vector<16xf32>
      %mul3A_29 = arith.mulf %get3A_28, %get3A_15 : vector<16xf32>
      %swap3A_30 = arith.index_cast %scan3A_12 : i32 to index
      %swap3A_31 = arith.constant 16 : index
      %swap3A_32 = tpu.vector_load %arg7[%swap3A_30, %swap3A_31] {strides = array<i32>} : memref<64x768xf32, #tpu.memory_space<vmem>>, vector<1x16xf32>,
      %swap3A_33 = vector.shape_cast %swap3A_32 : vector<1x16xf32> to vector<16xf32>
      %swap3A_34 = vector.shape_cast %mul3A_29 : vector<16xf32> to vector<1x16xf32>
      tpu.vector_store %arg7[%swap3A_30, %swap3A_31], %swap3A_34 {strides = array<i32>} : memref<64x768xf32, #tpu.memory_space<vmem>>, vector<1x16xf32>,
      %get3A_35 = arith.index_cast %scan3A_12 : i32 to index
      %get3A_36 = arith.constant 32 : index
      %get3A_37 = tpu.vector_load %arg7[%get3A_35, %get3A_36] {strides = array<i32>} : memref<64x768xf32, #tpu.memory_space<vmem>>, vector<1x16xf32>,
      %get3A_38 = vector.shape_cast %get3A_37 : vector<1x16xf32> to vector<16xf32>
      %mul3A_39 = arith.mulf %get3A_38, %get3A_15 : vector<16xf32>
      %swap3A_40 = arith.index_cast %scan3A_12 : i32 to index
      %swap3A_41 = arith.constant 32 : index
      %swap3A_42 = tpu.vector_load %arg7[%swap3A_40, %swap3A_41] {strides = array<i32>} : memref<64x768xf32, #tpu.memory_space<vmem>>, vector<1x16xf32>,
      %swap3A_43 = vector.shape_cast %swap3A_42 : vector<1x16xf32> to vector<16xf32>
      %swap3A_44 = vector.shape_cast %mul3A_39 : vector<16xf32> to vector<1x16xf32>
      tpu.vector_store %arg7[%swap3A_40, %swap3A_41], %swap3A_44 {strides = array<i32>} : memref<64x768xf32, #tpu.memory_space<vmem>>, vector<1x16xf32>,
      %get3A_45 = arith.index_cast %scan3A_12 : i32 to index
      %get3A_46 = arith.constant 48 : index
      %get3A_47 = tpu.vector_load %arg7[%get3A_45, %get3A_46] {strides = array<i32>} : memref<64x768xf32, #tpu.memory_space<vmem>>, vector<1x16xf32>,
      %get3A_48 = vector.shape_cast %get3A_47 : vector<1x16xf32> to vector<16xf32>
      %mul3A_49 = arith.mulf %get3A_48, %get3A_15 : vector<16xf32>
      %swap3A_50 = arith.index_cast %scan3A_12 : i32 to index
      %swap3A_51 = arith.constant 48 : index
      %swap3A_52 = tpu.vector_load %arg7[%swap3A_50, %swap3A_51] {strides = array<i32>} : memref<64x768xf32, #tpu.memory_space<vmem>>, vector<1x16xf32>,
      %swap3A_53 = vector.shape_cast %swap3A_52 : vector<1x16xf32> to vector<16xf32>
      %swap3A_54 = vector.shape_cast %mul3A_49 : vector<16xf32> to vector<1x16xf32>
      tpu.vector_store %arg7[%swap3A_50, %swap3A_51], %swap3A_54 {strides = array<i32>} : memref<64x768xf32, #tpu.memory_space<vmem>>, vector<1x16xf32>,
      %get3A_55 = arith.index_cast %scan3A_12 : i32 to index
      %get3A_56 = arith.constant 64 : index
      %get3A_57 = tpu.vector_load %arg7[%get3A_55, %get3A_56] {strides = array<i32>} : memref<64x768xf32, #tpu.memory_space<vmem>>, vector<1x16xf32>,
      %get3A_58 = vector.shape_cast %get3A_57 : vector<1x16xf32> to vector<16xf32>
      %mul3A_59 = arith.mulf %get3A_58, %get3A_15 : vector<16xf32>
      %swap3A_60 = arith.index_cast %scan3A_12 : i32 to index
      %swap3A_61 = arith.constant 64 : index
      %swap3A_62 = tpu.vector_load %arg7[%swap3A_60, %swap3A_61] {strides = array<i32>} : memref<64x768xf32, #tpu.memory_space<vmem>>, vector<1x16xf32>,
      %swap3A_63 = vector.shape_cast %swap3A_62 : vector<1x16xf32> to vector<16xf32>
      %swap3A_64 = vector.shape_cast %mul3A_59 : vector<16xf32> to vector<1x16xf32>
      tpu.vector_store %arg7[%swap3A_60, %swap3A_61], %swap3A_64 {strides = array<i32>} : memref<64x768xf32, #tpu.memory_space<vmem>>, vector<1x16xf32>,
      %get3A_65 = arith.index_cast %scan3A_12 : i32 to index
      %get3A_66 = arith.constant 80 : index
      %get3A_67 = tpu.vector_load %arg7[%get3A_65, %get3A_66] {strides = array<i32>} : memref<64x768xf32, #tpu.memory_space<vmem>>, vector<1x16xf32>,
      %get3A_68 = vector.shape_cast %get3A_67 : vector<1x16xf32> to vector<16xf32>
      %mul3A_69 = arith.mulf %get3A_68, %get3A_15 : vector<16xf32>
      %swap3A_70 = arith.index_cast %scan3A_12 : i32 to index
      %swap3A_71 = arith.constant 80 : index
      %swap3A_72 = tpu.vector_load %arg7[%swap3A_70, %swap3A_71] {strides = array<i32>} : memref<64x768xf32, #tpu.memory_space<vmem>>, vector<1x16xf32>,
      %swap3A_73 = vector.shape_cast %swap3A_72 : vector<1x16xf32> to vector<16xf32>
      %swap3A_74 = vector.shape_cast %mul3A_69 : vector<16xf32> to vector<1x16xf32>
      tpu.vector_store %arg7[%swap3A_70, %swap3A_71], %swap3A_74 {strides = array<i32>} : memref<64x768xf32, #tpu.memory_space<vmem>>, vector<1x16xf32>,
      %get3A_75 = arith.index_cast %scan3A_12 : i32 to index
      %get3A_76 = arith.constant 96 : index
      %get3A_77 = tpu.vector_load %arg7[%get3A_75, %get3A_76] {strides = array<i32>} : memref<64x768xf32, #tpu.memory_space<vmem>>, vector<1x16xf32>,
      %get3A_78 = vector.shape_cast %get3A_77 : vector<1x16xf32> to vector<16xf32>
      %mul3A_79 = arith.mulf %get3A_78, %get3A_15 : vector<16xf32>
      %swap3A_80 = arith.index_cast %scan3A_12 : i32 to index
      %swap3A_81 = arith.constant 96 : index
      %swap3A_82 = tpu.vector_load %arg7[%swap3A_80, %swap3A_81] {strides = array<i32>} : memref<64x768xf32, #tpu.memory_space<vmem>>, vector<1x16xf32>,
      %swap3A_83 = vector.shape_cast %swap3A_82 : vector<1x16xf32> to vector<16xf32>
      %swap3A_84 = vector.shape_cast %mul3A_79 : vector<16xf32> to vector<1x16xf32>
      tpu.vector_store %arg7[%swap3A_80, %swap3A_81], %swap3A_84 {strides = array<i32>} : memref<64x768xf32, #tpu.memory_space<vmem>>, vector<1x16xf32>,
      %get3A_85 = arith.index_cast %scan3A_12 : i32 to index
      %get3A_86 = arith.constant 112 : index
      %get3A_87 = tpu.vector_load %arg7[%get3A_85, %get3A_86] {strides = array<i32>} : memref<64x768xf32, #tpu.memory_space<vmem>>, vector<1x16xf32>,
      %get3A_88 = vector.shape_cast %get3A_87 : vector<1x16xf32> to vector<16xf32>
      %mul3A_89 = arith.mulf %get3A_88, %get3A_15 : vector<16xf32>
      %swap3A_90 = arith.index_cast %scan3A_12 : i32 to index
      %swap3A_91 = arith.constant 112 : index
      %swap3A_92 = tpu.vector_load %arg7[%swap3A_90, %swap3A_91] {strides = array<i32>} : memref<64x768xf32, #tpu.memory_space<vmem>>, vector<1x16xf32>,
      %swap3A_93 = vector.shape_cast %swap3A_92 : vector<1x16xf32> to vector<16xf32>
      %swap3A_94 = vector.shape_cast %mul3A_89 : vector<16xf32> to vector<1x16xf32>
      tpu.vector_store %arg7[%swap3A_90, %swap3A_91], %swap3A_94 {strides = array<i32>} : memref<64x768xf32, #tpu.memory_space<vmem>>, vector<1x16xf32>,
      %get3A_95 = arith.index_cast %scan3A_12 : i32 to index
      %get3A_96 = arith.constant 128 : index
      %get3A_97 = tpu.vector_load %arg7[%get3A_95, %get3A_96] {strides = array<i32>} : memref<64x768xf32, #tpu.memory_space<vmem>>, vector<1x16xf32>,
      %get3A_98 = vector.shape_cast %get3A_97 : vector<1x16xf32> to vector<16xf32>
      %mul3A_99 = arith.mulf %get3A_98, %get3A_15 : vector<16xf32>
      %swap3A_100 = arith.index_cast %scan3A_12 : i32 to index
      %swap3A_101 = arith.constant 128 : index
      %swap3A_102 = tpu.vector_load %arg7[%swap3A_100, %swap3A_101] {strides = array<i32>} : memref<64x768xf32, #tpu.memory_space<vmem>>, vector<1x16xf32>,
      %swap3A_103 = vector.shape_cast %swap3A_102 : vector<1x16xf32> to vector<16xf32>
      %swap3A_104 = vector.shape_cast %mul3A_99 : vector<16xf32> to vector<1x16xf32>
      tpu.vector_store %arg7[%swap3A_100, %swap3A_101], %swap3A_104 {strides = array<i32>} : memref<64x768xf32, #tpu.memory_space<vmem>>, vector<1x16xf32>,
      %get3A_105 = arith.index_cast %scan3A_12 : i32 to index
      %get3A_106 = arith.constant 144 : index
      %get3A_107 = tpu.vector_load %arg7[%get3A_105, %get3A_106] {strides = array<i32>} : memref<64x768xf32, #tpu.memory_space<vmem>>, vector<1x16xf32>,
      %get3A_108 = vector.shape_cast %get3A_107 : vector<1x16xf32> to vector<16xf32>
      %mul3A_109 = arith.mulf %get3A_108, %get3A_15 : vector<16xf32>
      %swap3A_110 = arith.index_cast %scan3A_12 : i32 to index
      %swap3A_111 = arith.constant 144 : index
      %swap3A_112 = tpu.vector_load %arg7[%swap3A_110, %swap3A_111] {strides = array<i32>} : memref<64x768xf32, #tpu.memory_space<vmem>>, vector<1x16xf32>,
      %swap3A_113 = vector.shape_cast %swap3A_112 : vector<1x16xf32> to vector<16xf32>
      %swap3A_114 = vector.shape_cast %mul3A_109 : vector<16xf32> to vector<1x16xf32>
      tpu.vector_store %arg7[%swap3A_110, %swap3A_111], %swap3A_114 {strides = array<i32>} : memref<64x768xf32, #tpu.memory_space<vmem>>, vector<1x16xf32>,
      %get3A_115 = arith.index_cast %scan3A_12 : i32 to index
      %get3A_116 = arith.constant 160 : index
      %get3A_117 = tpu.vector_load %arg7[%get3A_115, %get3A_116] {strides = array<i32>} : memref<64x768xf32, #tpu.memory_space<vmem>>, vector<1x16xf32>,
      %get3A_118 = vector.shape_cast %get3A_117 : vector<1x16xf32> to vector<16xf32>
      %mul3A_119 = arith.mulf %get3A_118, %get3A_15 : vector<16xf32>
      %swap3A_120 = arith.index_cast %scan3A_12 : i32 to index
      %swap3A_121 = arith.constant 160 : index
      %swap3A_122 = tpu.vector_load %arg7[%swap3A_120, %swap3A_121] {strides = array<i32>} : memref<64x768xf32, #tpu.memory_space<vmem>>, vector<1x16xf32>,
      %swap3A_123 = vector.shape_cast %swap3A_122 : vector<1x16xf32> to vector<16xf32>
      %swap3A_124 = vector.shape_cast %mul3A_119 : vector<16xf32> to vector<1x16xf32>
      tpu.vector_store %arg7[%swap3A_120, %swap3A_121], %swap3A_124 {strides = array<i32>} : memref<64x768xf32, #tpu.memory_space<vmem>>, vector<1x16xf32>,
      %get3A_125 = arith.index_cast %scan3A_12 : i32 to index
      %get3A_126 = arith.constant 176 : index
      %get3A_127 = tpu.vector_load %arg7[%get3A_125, %get3A_126] {strides = array<i32>} : memref<64x768xf32, #tpu.memory_space<vmem>>, vector<1x16xf32>,
      %get3A_128 = vector.shape_cast %get3A_127 : vector<1x16xf32> to vector<16xf32>
      %mul3A_129 = arith.mulf %get3A_128, %get3A_15 : vector<16xf32>
      %swap3A_130 = arith.index_cast %scan3A_12 : i32 to index
      %swap3A_131 = arith.constant 176 : index
      %swap3A_132 = tpu.vector_load %arg7[%swap3A_130, %swap3A_131] {strides = array<i32>} : memref<64x768xf32, #tpu.memory_space<vmem>>, vector<1x16xf32>,
      %swap3A_133 = vector.shape_cast %swap3A_132 : vector<1x16xf32> to vector<16xf32>
      %swap3A_134 = vector.shape_cast %mul3A_129 : vector<16xf32> to vector<1x16xf32>
      tpu.vector_store %arg7[%swap3A_130, %swap3A_131], %swap3A_134 {strides = array<i32>} : memref<64x768xf32, #tpu.memory_space<vmem>>, vector<1x16xf32>,
      %get3A_135 = arith.index_cast %scan3A_12 : i32 to index
      %get3A_136 = arith.constant 192 : index
      %get3A_137 = tpu.vector_load %arg7[%get3A_135, %get3A_136] {strides = array<i32>} : memref<64x768xf32, #tpu.memory_space<vmem>>, vector<1x16xf32>,
      %get3A_138 = vector.shape_cast %get3A_137 : vector<1x16xf32> to vector<16xf32>
      %mul3A_139 = arith.mulf %get3A_138, %get3A_15 : vector<16xf32>
      %swap3A_140 = arith.index_cast %scan3A_12 : i32 to index
      %swap3A_141 = arith.constant 192 : index
      %swap3A_142 = tpu.vector_load %arg7[%swap3A_140, %swap3A_141] {strides = array<i32>} : memref<64x768xf32, #tpu.memory_space<vmem>>, vector<1x16xf32>,
      %swap3A_143 = vector.shape_cast %swap3A_142 : vector<1x16xf32> to vector<16xf32>
      %swap3A_144 = vector.shape_cast %mul3A_139 : vector<16xf32> to vector<1x16xf32>
      tpu.vector_store %arg7[%swap3A_140, %swap3A_141], %swap3A_144 {strides = array<i32>} : memref<64x768xf32, #tpu.memory_space<vmem>>, vector<1x16xf32>,
      %get3A_145 = arith.index_cast %scan3A_12 : i32 to index
      %get3A_146 = arith.constant 208 : index
      %get3A_147 = tpu.vector_load %arg7[%get3A_145, %get3A_146] {strides = array<i32>} : memref<64x768xf32, #tpu.memory_space<vmem>>, vector<1x16xf32>,
      %get3A_148 = vector.shape_cast %get3A_147 : vector<1x16xf32> to vector<16xf32>
      %mul3A_149 = arith.mulf %get3A_148, %get3A_15 : vector<16xf32>
      %swap3A_150 = arith.index_cast %scan3A_12 : i32 to index
      %swap3A_151 = arith.constant 208 : index
      %swap3A_152 = tpu.vector_load %arg7[%swap3A_150, %swap3A_151] {strides = array<i32>} : memref<64x768xf32, #tpu.memory_space<vmem>>, vector<1x16xf32>,
      %swap3A_153 = vector.shape_cast %swap3A_152 : vector<1x16xf32> to vector<16xf32>
      %swap3A_154 = vector.shape_cast %mul3A_149 : vector<16xf32> to vector<1x16xf32>
      tpu.vector_store %arg7[%swap3A_150, %swap3A_151], %swap3A_154 {strides = array<i32>} : memref<64x768xf32, #tpu.memory_space<vmem>>, vector<1x16xf32>,
      %get3A_155 = arith.index_cast %scan3A_12 : i32 to index
      %get3A_156 = arith.constant 224 : index
      %get3A_157 = tpu.vector_load %arg7[%get3A_155, %get3A_156] {strides = array<i32>} : memref<64x768xf32, #tpu.memory_space<vmem>>, vector<1x16xf32>,
      %get3A_158 = vector.shape_cast %get3A_157 : vector<1x16xf32> to vector<16xf32>
      %mul3A_159 = arith.mulf %get3A_158, %get3A_15 : vector<16xf32>
      %swap3A_160 = arith.index_cast %scan3A_12 : i32 to index
      %swap3A_161 = arith.constant 224 : index
      %swap3A_162 = tpu.vector_load %arg7[%swap3A_160, %swap3A_161] {strides = array<i32>} : memref<64x768xf32, #tpu.memory_space<vmem>>, vector<1x16xf32>,
      %swap3A_163 = vector.shape_cast %swap3A_162 : vector<1x16xf32> to vector<16xf32>
      %swap3A_164 = vector.shape_cast %mul3A_159 : vector<16xf32> to vector<1x16xf32>
      tpu.vector_store %arg7[%swap3A_160, %swap3A_161], %swap3A_164 {strides = array<i32>} : memref<64x768xf32, #tpu.memory_space<vmem>>, vector<1x16xf32>,
      %get3A_165 = arith.index_cast %scan3A_12 : i32 to index
      %get3A_166 = arith.constant 240 : index
      %get3A_167 = tpu.vector_load %arg7[%get3A_165, %get3A_166] {strides = array<i32>} : memref<64x768xf32, #tpu.memory_space<vmem>>, vector<1x16xf32>,
      %get3A_168 = vector.shape_cast %get3A_167 : vector<1x16xf32> to vector<16xf32>
      %mul3A_169 = arith.mulf %get3A_168, %get3A_15 : vector<16xf32>
      %swap3A_170 = arith.index_cast %scan3A_12 : i32 to index
      %swap3A_171 = arith.constant 240 : index
      %swap3A_172 = tpu.vector_load %arg7[%swap3A_170, %swap3A_171] {strides = array<i32>} : memref<64x768xf32, #tpu.memory_space<vmem>>, vector<1x16xf32>,
      %swap3A_173 = vector.shape_cast %swap3A_172 : vector<1x16xf32> to vector<16xf32>
      %swap3A_174 = vector.shape_cast %mul3A_169 : vector<16xf32> to vector<1x16xf32>
      tpu.vector_store %arg7[%swap3A_170, %swap3A_171], %swap3A_174 {strides = array<i32>} : memref<64x768xf32, #tpu.memory_space<vmem>>, vector<1x16xf32>,
      %get3A_175 = arith.index_cast %scan3A_12 : i32 to index
      %get3A_176 = arith.constant 256 : index
      %get3A_177 = tpu.vector_load %arg7[%get3A_175, %get3A_176] {strides = array<i32>} : memref<64x768xf32, #tpu.memory_space<vmem>>, vector<1x16xf32>,
      %get3A_178 = vector.shape_cast %get3A_177 : vector<1x16xf32> to vector<16xf32>
      %mul3A_179 = arith.mulf %get3A_178, %get3A_15 : vector<16xf32>
      %swap3A_180 = arith.index_cast %scan3A_12 : i32 to index
      %swap3A_181 = arith.constant 256 : index
      %swap3A_182 = tpu.vector_load %arg7[%swap3A_180, %swap3A_181] {strides = array<i32>} : memref<64x768xf32, #tpu.memory_space<vmem>>, vector<1x16xf32>,
      %swap3A_183 = vector.shape_cast %swap3A_182 : vector<1x16xf32> to vector<16xf32>
      %swap3A_184 = vector.shape_cast %mul3A_179 : vector<16xf32> to vector<1x16xf32>
      tpu.vector_store %arg7[%swap3A_180, %swap3A_181], %swap3A_184 {strides = array<i32>} : memref<64x768xf32, #tpu.memory_space<vmem>>, vector<1x16xf32>,
      %get3A_185 = arith.index_cast %scan3A_12 : i32 to index
      %get3A_186 = arith.constant 272 : index
      %get3A_187 = tpu.vector_load %arg7[%get3A_185, %get3A_186] {strides = array<i32>} : memref<64x768xf32, #tpu.memory_space<vmem>>, vector<1x16xf32>,
      %get3A_188 = vector.shape_cast %get3A_187 : vector<1x16xf32> to vector<16xf32>
      %mul3A_189 = arith.mulf %get3A_188, %get3A_15 : vector<16xf32>
      %swap3A_190 = arith.index_cast %scan3A_12 : i32 to index
      %swap3A_191 = arith.constant 272 : index
      %swap3A_192 = tpu.vector_load %arg7[%swap3A_190, %swap3A_191] {strides = array<i32>} : memref<64x768xf32, #tpu.memory_space<vmem>>, vector<1x16xf32>,
      %swap3A_193 = vector.shape_cast %swap3A_192 : vector<1x16xf32> to vector<16xf32>
      %swap3A_194 = vector.shape_cast %mul3A_189 : vector<16xf32> to vector<1x16xf32>
      tpu.vector_store %arg7[%swap3A_190, %swap3A_191], %swap3A_194 {strides = array<i32>} : memref<64x768xf32, #tpu.memory_space<vmem>>, vector<1x16xf32>,
      %get3A_195 = arith.index_cast %scan3A_12 : i32 to index
      %get3A_196 = arith.constant 288 : index
      %get3A_197 = tpu.vector_load %arg7[%get3A_195, %get3A_196] {strides = array<i32>} : memref<64x768xf32, #tpu.memory_space<vmem>>, vector<1x16xf32>,
      %get3A_198 = vector.shape_cast %get3A_197 : vector<1x16xf32> to vector<16xf32>
      %mul3A_199 = arith.mulf %get3A_198, %get3A_15 : vector<16xf32>
      %swap3A_200 = arith.index_cast %scan3A_12 : i32 to index
      %swap3A_201 = arith.constant 288 : index
      %swap3A_202 = tpu.vector_load %arg7[%swap3A_200, %swap3A_201] {strides = array<i32>} : memref<64x768xf32, #tpu.memory_space<vmem>>, vector<1x16xf32>,
      %swap3A_203 = vector.shape_cast %swap3A_202 : vector<1x16xf32> to vector<16xf32>
      %swap3A_204 = vector.shape_cast %mul3A_199 : vector<16xf32> to vector<1x16xf32>
      tpu.vector_store %arg7[%swap3A_200, %swap3A_201], %swap3A_204 {strides = array<i32>} : memref<64x768xf32, #tpu.memory_space<vmem>>, vector<1x16xf32>,
      %get3A_205 = arith.index_cast %scan3A_12 : i32 to index
      %get3A_206 = arith.constant 304 : index
      %get3A_207 = tpu.vector_load %arg7[%get3A_205, %get3A_206] {strides = array<i32>} : memref<64x768xf32, #tpu.memory_space<vmem>>, vector<1x16xf32>,
      %get3A_208 = vector.shape_cast %get3A_207 : vector<1x16xf32> to vector<16xf32>
      %mul3A_209 = arith.mulf %get3A_208, %get3A_15 : vector<16xf32>
      %swap3A_210 = arith.index_cast %scan3A_12 : i32 to index
      %swap3A_211 = arith.constant 304 : index
      %swap3A_212 = tpu.vector_load %arg7[%swap3A_210, %swap3A_211] {strides = array<i32>} : memref<64x768xf32, #tpu.memory_space<vmem>>, vector<1x16xf32>,
      %swap3A_213 = vector.shape_cast %swap3A_212 : vector<1x16xf32> to vector<16xf32>
      %swap3A_214 = vector.shape_cast %mul3A_209 : vector<16xf32> to vector<1x16xf32>
      tpu.vector_store %arg7[%swap3A_210, %swap3A_211], %swap3A_214 {strides = array<i32>} : memref<64x768xf32, #tpu.memory_space<vmem>>, vector<1x16xf32>,
      %get3A_215 = arith.index_cast %scan3A_12 : i32 to index
      %get3A_216 = arith.constant 320 : index
      %get3A_217 = tpu.vector_load %arg7[%get3A_215, %get3A_216] {strides = array<i32>} : memref<64x768xf32, #tpu.memory_space<vmem>>, vector<1x16xf32>,
      %get3A_218 = vector.shape_cast %get3A_217 : vector<1x16xf32> to vector<16xf32>
      %mul3A_219 = arith.mulf %get3A_218, %get3A_15 : vector<16xf32>
      %swap3A_220 = arith.index_cast %scan3A_12 : i32 to index
      %swap3A_221 = arith.constant 320 : index
      %swap3A_222 = tpu.vector_load %arg7[%swap3A_220, %swap3A_221] {strides = array<i32>} : memref<64x768xf32, #tpu.memory_space<vmem>>, vector<1x16xf32>,
      %swap3A_223 = vector.shape_cast %swap3A_222 : vector<1x16xf32> to vector<16xf32>
      %swap3A_224 = vector.shape_cast %mul3A_219 : vector<16xf32> to vector<1x16xf32>
      tpu.vector_store %arg7[%swap3A_220, %swap3A_221], %swap3A_224 {strides = array<i32>} : memref<64x768xf32, #tpu.memory_space<vmem>>, vector<1x16xf32>,
      %get3A_225 = arith.index_cast %scan3A_12 : i32 to index
      %get3A_226 = arith.constant 336 : index
      %get3A_227 = tpu.vector_load %arg7[%get3A_225, %get3A_226] {strides = array<i32>} : memref<64x768xf32, #tpu.memory_space<vmem>>, vector<1x16xf32>,
      %get3A_228 = vector.shape_cast %get3A_227 : vector<1x16xf32> to vector<16xf32>
      %mul3A_229 = arith.mulf %get3A_228, %get3A_15 : vector<16xf32>
      %swap3A_230 = arith.index_cast %scan3A_12 : i32 to index
      %swap3A_231 = arith.constant 336 : index
      %swap3A_232 = tpu.vector_load %arg7[%swap3A_230, %swap3A_231] {strides = array<i32>} : memref<64x768xf32, #tpu.memory_space<vmem>>, vector<1x16xf32>,
      %swap3A_233 = vector.shape_cast %swap3A_232 : vector<1x16xf32> to vector<16xf32>
      %swap3A_234 = vector.shape_cast %mul3A_229 : vector<16xf32> to vector<1x16xf32>
      tpu.vector_store %arg7[%swap3A_230, %swap3A_231], %swap3A_234 {strides = array<i32>} : memref<64x768xf32, #tpu.memory_space<vmem>>, vector<1x16xf32>,
      %get3A_235 = arith.index_cast %scan3A_12 : i32 to index
      %get3A_236 = arith.constant 352 : index
      %get3A_237 = tpu.vector_load %arg7[%get3A_235, %get3A_236] {strides = array<i32>} : memref<64x768xf32, #tpu.memory_space<vmem>>, vector<1x16xf32>,
      %get3A_238 = vector.shape_cast %get3A_237 : vector<1x16xf32> to vector<16xf32>
      %mul3A_239 = arith.mulf %get3A_238, %get3A_15 : vector<16xf32>
      %swap3A_240 = arith.index_cast %scan3A_12 : i32 to index
      %swap3A_241 = arith.constant 352 : index
      %swap3A_242 = tpu.vector_load %arg7[%swap3A_240, %swap3A_241] {strides = array<i32>} : memref<64x768xf32, #tpu.memory_space<vmem>>, vector<1x16xf32>,
      %swap3A_243 = vector.shape_cast %swap3A_242 : vector<1x16xf32> to vector<16xf32>
      %swap3A_244 = vector.shape_cast %mul3A_239 : vector<16xf32> to vector<1x16xf32>
      tpu.vector_store %arg7[%swap3A_240, %swap3A_241], %swap3A_244 {strides = array<i32>} : memref<64x768xf32, #tpu.memory_space<vmem>>, vector<1x16xf32>,
      %get3A_245 = arith.index_cast %scan3A_12 : i32 to index
      %get3A_246 = arith.constant 368 : index
      %get3A_247 = tpu.vector_load %arg7[%get3A_245, %get3A_246] {strides = array<i32>} : memref<64x768xf32, #tpu.memory_space<vmem>>, vector<1x16xf32>,
      %get3A_248 = vector.shape_cast %get3A_247 : vector<1x16xf32> to vector<16xf32>
      %mul3A_249 = arith.mulf %get3A_248, %get3A_15 : vector<16xf32>
      %swap3A_250 = arith.index_cast %scan3A_12 : i32 to index
      %swap3A_251 = arith.constant 368 : index
      %swap3A_252 = tpu.vector_load %arg7[%swap3A_250, %swap3A_251] {strides = array<i32>} : memref<64x768xf32, #tpu.memory_space<vmem>>, vector<1x16xf32>,
      %swap3A_253 = vector.shape_cast %swap3A_252 : vector<1x16xf32> to vector<16xf32>
      %swap3A_254 = vector.shape_cast %mul3A_249 : vector<16xf32> to vector<1x16xf32>
      tpu.vector_store %arg7[%swap3A_250, %swap3A_251], %swap3A_254 {strides = array<i32>} : memref<64x768xf32, #tpu.memory_space<vmem>>, vector<1x16xf32>,
      %get3A_255 = arith.index_cast %scan3A_12 : i32 to index
      %get3A_256 = arith.constant 384 : index
      %get3A_257 = tpu.vector_load %arg7[%get3A_255, %get3A_256] {strides = array<i32>} : memref<64x768xf32, #tpu.memory_space<vmem>>, vector<1x16xf32>,
      %get3A_258 = vector.shape_cast %get3A_257 : vector<1x16xf32> to vector<16xf32>
      %mul3A_259 = arith.mulf %get3A_258, %get3A_15 : vector<16xf32>
      %swap3A_260 = arith.index_cast %scan3A_12 : i32 to index
      %swap3A_261 = arith.constant 384 : index
      %swap3A_262 = tpu.vector_load %arg7[%swap3A_260, %swap3A_261] {strides = array<i32>} : memref<64x768xf32, #tpu.memory_space<vmem>>, vector<1x16xf32>,
      %swap3A_263 = vector.shape_cast %swap3A_262 : vector<1x16xf32> to vector<16xf32>
      %swap3A_264 = vector.shape_cast %mul3A_259 : vector<16xf32> to vector<1x16xf32>
      tpu.vector_store %arg7[%swap3A_260, %swap3A_261], %swap3A_264 {strides = array<i32>} : memref<64x768xf32, #tpu.memory_space<vmem>>, vector<1x16xf32>,
      %get3A_265 = arith.index_cast %scan3A_12 : i32 to index
      %get3A_266 = arith.constant 400 : index
      %get3A_267 = tpu.vector_load %arg7[%get3A_265, %get3A_266] {strides = array<i32>} : memref<64x768xf32, #tpu.memory_space<vmem>>, vector<1x16xf32>,
      %get3A_268 = vector.shape_cast %get3A_267 : vector<1x16xf32> to vector<16xf32>
      %mul3A_269 = arith.mulf %get3A_268, %get3A_15 : vector<16xf32>
      %swap3A_270 = arith.index_cast %scan3A_12 : i32 to index
      %swap3A_271 = arith.constant 400 : index
      %swap3A_272 = tpu.vector_load %arg7[%swap3A_270, %swap3A_271] {strides = array<i32>} : memref<64x768xf32, #tpu.memory_space<vmem>>, vector<1x16xf32>,
      %swap3A_273 = vector.shape_cast %swap3A_272 : vector<1x16xf32> to vector<16xf32>
      %swap3A_274 = vector.shape_cast %mul3A_269 : vector<16xf32> to vector<1x16xf32>
      tpu.vector_store %arg7[%swap3A_270, %swap3A_271], %swap3A_274 {strides = array<i32>} : memref<64x768xf32, #tpu.memory_space<vmem>>, vector<1x16xf32>,
      %get3A_275 = arith.index_cast %scan3A_12 : i32 to index
      %get3A_276 = arith.constant 416 : index
      %get3A_277 = tpu.vector_load %arg7[%get3A_275, %get3A_276] {strides = array<i32>} : memref<64x768xf32, #tpu.memory_space<vmem>>, vector<1x16xf32>,
      %get3A_278 = vector.shape_cast %get3A_277 : vector<1x16xf32> to vector<16xf32>
      %mul3A_279 = arith.mulf %get3A_278, %get3A_15 : vector<16xf32>
      %swap3A_280 = arith.index_cast %scan3A_12 : i32 to index
      %swap3A_281 = arith.constant 416 : index
      %swap3A_282 = tpu.vector_load %arg7[%swap3A_280, %swap3A_281] {strides = array<i32>} : memref<64x768xf32, #tpu.memory_space<vmem>>, vector<1x16xf32>,
      %swap3A_283 = vector.shape_cast %swap3A_282 : vector<1x16xf32> to vector<16xf32>
      %swap3A_284 = vector.shape_cast %mul3A_279 : vector<16xf32> to vector<1x16xf32>
      tpu.vector_store %arg7[%swap3A_280, %swap3A_281], %swap3A_284 {strides = array<i32>} : memref<64x768xf32, #tpu.memory_space<vmem>>, vector<1x16xf32>,
      %get3A_285 = arith.index_cast %scan3A_12 : i32 to index
      %get3A_286 = arith.constant 432 : index
      %get3A_287 = tpu.vector_load %arg7[%get3A_285, %get3A_286] {strides = array<i32>} : memref<64x768xf32, #tpu.memory_space<vmem>>, vector<1x16xf32>,
      %get3A_288 = vector.shape_cast %get3A_287 : vector<1x16xf32> to vector<16xf32>
      %mul3A_289 = arith.mulf %get3A_288, %get3A_15 : vector<16xf32>
      %swap3A_290 = arith.index_cast %scan3A_12 : i32 to index
      %swap3A_291 = arith.constant 432 : index
      %swap3A_292 = tpu.vector_load %arg7[%swap3A_290, %swap3A_291] {strides = array<i32>} : memref<64x768xf32, #tpu.memory_space<vmem>>, vector<1x16xf32>,
      %swap3A_293 = vector.shape_cast %swap3A_292 : vector<1x16xf32> to vector<16xf32>
      %swap3A_294 = vector.shape_cast %mul3A_289 : vector<16xf32> to vector<1x16xf32>
      tpu.vector_store %arg7[%swap3A_290, %swap3A_291], %swap3A_294 {strides = array<i32>} : memref<64x768xf32, #tpu.memory_space<vmem>>, vector<1x16xf32>,
      %get3A_295 = arith.index_cast %scan3A_12 : i32 to index
      %get3A_296 = arith.constant 448 : index
      %get3A_297 = tpu.vector_load %arg7[%get3A_295, %get3A_296] {strides = array<i32>} : memref<64x768xf32, #tpu.memory_space<vmem>>, vector<1x16xf32>,
      %get3A_298 = vector.shape_cast %get3A_297 : vector<1x16xf32> to vector<16xf32>
      %mul3A_299 = arith.mulf %get3A_298, %get3A_15 : vector<16xf32>
      %swap3A_300 = arith.index_cast %scan3A_12 : i32 to index
      %swap3A_301 = arith.constant 448 : index
      %swap3A_302 = tpu.vector_load %arg7[%swap3A_300, %swap3A_301] {strides = array<i32>} : memref<64x768xf32, #tpu.memory_space<vmem>>, vector<1x16xf32>,
      %swap3A_303 = vector.shape_cast %swap3A_302 : vector<1x16xf32> to vector<16xf32>
      %swap3A_304 = vector.shape_cast %mul3A_299 : vector<16xf32> to vector<1x16xf32>
      tpu.vector_store %arg7[%swap3A_300, %swap3A_301], %swap3A_304 {strides = array<i32>} : memref<64x768xf32, #tpu.memory_space<vmem>>, vector<1x16xf32>,
      %get3A_305 = arith.index_cast %scan3A_12 : i32 to index
      %get3A_306 = arith.constant 464 : index
      %get3A_307 = tpu.vector_load %arg7[%get3A_305, %get3A_306] {strides = array<i32>} : memref<64x768xf32, #tpu.memory_space<vmem>>, vector<1x16xf32>,
      %get3A_308 = vector.shape_cast %get3A_307 : vector<1x16xf32> to vector<16xf32>
      %mul3A_309 = arith.mulf %get3A_308, %get3A_15 : vector<16xf32>
      %swap3A_310 = arith.index_cast %scan3A_12 : i32 to index
      %swap3A_311 = arith.constant 464 : index
      %swap3A_312 = tpu.vector_load %arg7[%swap3A_310, %swap3A_311] {strides = array<i32>} : memref<64x768xf32, #tpu.memory_space<vmem>>, vector<1x16xf32>,
      %swap3A_313 = vector.shape_cast %swap3A_312 : vector<1x16xf32> to vector<16xf32>
      %swap3A_314 = vector.shape_cast %mul3A_309 : vector<16xf32> to vector<1x16xf32>
      tpu.vector_store %arg7[%swap3A_310, %swap3A_311], %swap3A_314 {strides = array<i32>} : memref<64x768xf32, #tpu.memory_space<vmem>>, vector<1x16xf32>,
      %get3A_315 = arith.index_cast %scan3A_12 : i32 to index
      %get3A_316 = arith.constant 480 : index
      %get3A_317 = tpu.vector_load %arg7[%get3A_315, %get3A_316] {strides = array<i32>} : memref<64x768xf32, #tpu.memory_space<vmem>>, vector<1x16xf32>,
      %get3A_318 = vector.shape_cast %get3A_317 : vector<1x16xf32> to vector<16xf32>
      %mul3A_319 = arith.mulf %get3A_318, %get3A_15 : vector<16xf32>
      %swap3A_320 = arith.index_cast %scan3A_12 : i32 to index
      %swap3A_321 = arith.constant 480 : index
      %swap3A_322 = tpu.vector_load %arg7[%swap3A_320, %swap3A_321] {strides = array<i32>} : memref<64x768xf32, #tpu.memory_space<vmem>>, vector<1x16xf32>,
      %swap3A_323 = vector.shape_cast %swap3A_322 : vector<1x16xf32> to vector<16xf32>
      %swap3A_324 = vector.shape_cast %mul3A_319 : vector<16xf32> to vector<1x16xf32>
      tpu.vector_store %arg7[%swap3A_320, %swap3A_321], %swap3A_324 {strides = array<i32>} : memref<64x768xf32, #tpu.memory_space<vmem>>, vector<1x16xf32>,
      %get3A_325 = arith.index_cast %scan3A_12 : i32 to index
      %get3A_326 = arith.constant 496 : index
      %get3A_327 = tpu.vector_load %arg7[%get3A_325, %get3A_326] {strides = array<i32>} : memref<64x768xf32, #tpu.memory_space<vmem>>, vector<1x16xf32>,
      %get3A_328 = vector.shape_cast %get3A_327 : vector<1x16xf32> to vector<16xf32>
      %mul3A_329 = arith.mulf %get3A_328, %get3A_15 : vector<16xf32>
      %swap3A_330 = arith.index_cast %scan3A_12 : i32 to index
      %swap3A_331 = arith.constant 496 : index
      %swap3A_332 = tpu.vector_load %arg7[%swap3A_330, %swap3A_331] {strides = array<i32>} : memref<64x768xf32, #tpu.memory_space<vmem>>, vector<1x16xf32>,
      %swap3A_333 = vector.shape_cast %swap3A_332 : vector<1x16xf32> to vector<16xf32>
      %swap3A_334 = vector.shape_cast %mul3A_329 : vector<16xf32> to vector<1x16xf32>
      tpu.vector_store %arg7[%swap3A_330, %swap3A_331], %swap3A_334 {strides = array<i32>} : memref<64x768xf32, #tpu.memory_space<vmem>>, vector<1x16xf32>,
      %get3A_335 = arith.index_cast %scan3A_12 : i32 to index
      %get3A_336 = arith.constant 512 : index
      %get3A_337 = tpu.vector_load %arg7[%get3A_335, %get3A_336] {strides = array<i32>} : memref<64x768xf32, #tpu.memory_space<vmem>>, vector<1x16xf32>,
      %get3A_338 = vector.shape_cast %get3A_337 : vector<1x16xf32> to vector<16xf32>
      %mul3A_339 = arith.mulf %get3A_338, %get3A_15 : vector<16xf32>
      %swap3A_340 = arith.index_cast %scan3A_12 : i32 to index
      %swap3A_341 = arith.constant 512 : index
      %swap3A_342 = tpu.vector_load %arg7[%swap3A_340, %swap3A_341] {strides = array<i32>} : memref<64x768xf32, #tpu.memory_space<vmem>>, vector<1x16xf32>,
      %swap3A_343 = vector.shape_cast %swap3A_342 : vector<1x16xf32> to vector<16xf32>
      %swap3A_344 = vector.shape_cast %mul3A_339 : vector<16xf32> to vector<1x16xf32>
      tpu.vector_store %arg7[%swap3A_340, %swap3A_341], %swap3A_344 {strides = array<i32>} : memref<64x768xf32, #tpu.memory_space<vmem>>, vector<1x16xf32>,
      %get3A_345 = arith.index_cast %scan3A_12 : i32 to index
      %get3A_346 = arith.constant 528 : index
      %get3A_347 = tpu.vector_load %arg7[%get3A_345, %get3A_346] {strides = array<i32>} : memref<64x768xf32, #tpu.memory_space<vmem>>, vector<1x16xf32>,
      %get3A_348 = vector.shape_cast %get3A_347 : vector<1x16xf32> to vector<16xf32>
      %mul3A_349 = arith.mulf %get3A_348, %get3A_15 : vector<16xf32>
      %swap3A_350 = arith.index_cast %scan3A_12 : i32 to index
      %swap3A_351 = arith.constant 528 : index
      %swap3A_352 = tpu.vector_load %arg7[%swap3A_350, %swap3A_351] {strides = array<i32>} : memref<64x768xf32, #tpu.memory_space<vmem>>, vector<1x16xf32>,
      %swap3A_353 = vector.shape_cast %swap3A_352 : vector<1x16xf32> to vector<16xf32>
      %swap3A_354 = vector.shape_cast %mul3A_349 : vector<16xf32> to vector<1x16xf32>
      tpu.vector_store %arg7[%swap3A_350, %swap3A_351], %swap3A_354 {strides = array<i32>} : memref<64x768xf32, #tpu.memory_space<vmem>>, vector<1x16xf32>,
      %get3A_355 = arith.index_cast %scan3A_12 : i32 to index
      %get3A_356 = arith.constant 544 : index
      %get3A_357 = tpu.vector_load %arg7[%get3A_355, %get3A_356] {strides = array<i32>} : memref<64x768xf32, #tpu.memory_space<vmem>>, vector<1x16xf32>,
      %get3A_358 = vector.shape_cast %get3A_357 : vector<1x16xf32> to vector<16xf32>
      %mul3A_359 = arith.mulf %get3A_358, %get3A_15 : vector<16xf32>
      %swap3A_360 = arith.index_cast %scan3A_12 : i32 to index
      %swap3A_361 = arith.constant 544 : index
      %swap3A_362 = tpu.vector_load %arg7[%swap3A_360, %swap3A_361] {strides = array<i32>} : memref<64x768xf32, #tpu.memory_space<vmem>>, vector<1x16xf32>,
      %swap3A_363 = vector.shape_cast %swap3A_362 : vector<1x16xf32> to vector<16xf32>
      %swap3A_364 = vector.shape_cast %mul3A_359 : vector<16xf32> to vector<1x16xf32>
      tpu.vector_store %arg7[%swap3A_360, %swap3A_361], %swap3A_364 {strides = array<i32>} : memref<64x768xf32, #tpu.memory_space<vmem>>, vector<1x16xf32>,
      %get3A_365 = arith.index_cast %scan3A_12 : i32 to index
      %get3A_366 = arith.constant 560 : index
      %get3A_367 = tpu.vector_load %arg7[%get3A_365, %get3A_366] {strides = array<i32>} : memref<64x768xf32, #tpu.memory_space<vmem>>, vector<1x16xf32>,
      %get3A_368 = vector.shape_cast %get3A_367 : vector<1x16xf32> to vector<16xf32>
      %mul3A_369 = arith.mulf %get3A_368, %get3A_15 : vector<16xf32>
      %swap3A_370 = arith.index_cast %scan3A_12 : i32 to index
      %swap3A_371 = arith.constant 560 : index
      %swap3A_372 = tpu.vector_load %arg7[%swap3A_370, %swap3A_371] {strides = array<i32>} : memref<64x768xf32, #tpu.memory_space<vmem>>, vector<1x16xf32>,
      %swap3A_373 = vector.shape_cast %swap3A_372 : vector<1x16xf32> to vector<16xf32>
      %swap3A_374 = vector.shape_cast %mul3A_369 : vector<16xf32> to vector<1x16xf32>
      tpu.vector_store %arg7[%swap3A_370, %swap3A_371], %swap3A_374 {strides = array<i32>} : memref<64x768xf32, #tpu.memory_space<vmem>>, vector<1x16xf32>,
      %get3A_375 = arith.index_cast %scan3A_12 : i32 to index
      %get3A_376 = arith.constant 576 : index
      %get3A_377 = tpu.vector_load %arg7[%get3A_375, %get3A_376] {strides = array<i32>} : memref<64x768xf32, #tpu.memory_space<vmem>>, vector<1x16xf32>,
      %get3A_378 = vector.shape_cast %get3A_377 : vector<1x16xf32> to vector<16xf32>
      %mul3A_379 = arith.mulf %get3A_378, %get3A_15 : vector<16xf32>
      %swap3A_380 = arith.index_cast %scan3A_12 : i32 to index
      %swap3A_381 = arith.constant 576 : index
      %swap3A_382 = tpu.vector_load %arg7[%swap3A_380, %swap3A_381] {strides = array<i32>} : memref<64x768xf32, #tpu.memory_space<vmem>>, vector<1x16xf32>,
      %swap3A_383 = vector.shape_cast %swap3A_382 : vector<1x16xf32> to vector<16xf32>
      %swap3A_384 = vector.shape_cast %mul3A_379 : vector<16xf32> to vector<1x16xf32>
      tpu.vector_store %arg7[%swap3A_380, %swap3A_381], %swap3A_384 {strides = array<i32>} : memref<64x768xf32, #tpu.memory_space<vmem>>, vector<1x16xf32>,
      %get3A_385 = arith.index_cast %scan3A_12 : i32 to index
      %get3A_386 = arith.constant 592 : index
      %get3A_387 = tpu.vector_load %arg7[%get3A_385, %get3A_386] {strides = array<i32>} : memref<64x768xf32, #tpu.memory_space<vmem>>, vector<1x16xf32>,
      %get3A_388 = vector.shape_cast %get3A_387 : vector<1x16xf32> to vector<16xf32>
      %mul3A_389 = arith.mulf %get3A_388, %get3A_15 : vector<16xf32>
      %swap3A_390 = arith.index_cast %scan3A_12 : i32 to index
      %swap3A_391 = arith.constant 592 : index
      %swap3A_392 = tpu.vector_load %arg7[%swap3A_390, %swap3A_391] {strides = array<i32>} : memref<64x768xf32, #tpu.memory_space<vmem>>, vector<1x16xf32>,
      %swap3A_393 = vector.shape_cast %swap3A_392 : vector<1x16xf32> to vector<16xf32>
      %swap3A_394 = vector.shape_cast %mul3A_389 : vector<16xf32> to vector<1x16xf32>
      tpu.vector_store %arg7[%swap3A_390, %swap3A_391], %swap3A_394 {strides = array<i32>} : memref<64x768xf32, #tpu.memory_space<vmem>>, vector<1x16xf32>,
      %get3A_395 = arith.index_cast %scan3A_12 : i32 to index
      %get3A_396 = arith.constant 608 : index
      %get3A_397 = tpu.vector_load %arg7[%get3A_395, %get3A_396] {strides = array<i32>} : memref<64x768xf32, #tpu.memory_space<vmem>>, vector<1x16xf32>,
      %get3A_398 = vector.shape_cast %get3A_397 : vector<1x16xf32> to vector<16xf32>
      %mul3A_399 = arith.mulf %get3A_398, %get3A_15 : vector<16xf32>
      %swap3A_400 = arith.index_cast %scan3A_12 : i32 to index
      %swap3A_401 = arith.constant 608 : index
      %swap3A_402 = tpu.vector_load %arg7[%swap3A_400, %swap3A_401] {strides = array<i32>} : memref<64x768xf32, #tpu.memory_space<vmem>>, vector<1x16xf32>,
      %swap3A_403 = vector.shape_cast %swap3A_402 : vector<1x16xf32> to vector<16xf32>
      %swap3A_404 = vector.shape_cast %mul3A_399 : vector<16xf32> to vector<1x16xf32>
      tpu.vector_store %arg7[%swap3A_400, %swap3A_401], %swap3A_404 {strides = array<i32>} : memref<64x768xf32, #tpu.memory_space<vmem>>, vector<1x16xf32>,
      %get3A_405 = arith.index_cast %scan3A_12 : i32 to index
      %get3A_406 = arith.constant 624 : index
      %get3A_407 = tpu.vector_load %arg7[%get3A_405, %get3A_406] {strides = array<i32>} : memref<64x768xf32, #tpu.memory_space<vmem>>, vector<1x16xf32>,
      %get3A_408 = vector.shape_cast %get3A_407 : vector<1x16xf32> to vector<16xf32>
      %mul3A_409 = arith.mulf %get3A_408, %get3A_15 : vector<16xf32>
      %swap3A_410 = arith.index_cast %scan3A_12 : i32 to index
      %swap3A_411 = arith.constant 624 : index
      %swap3A_412 = tpu.vector_load %arg7[%swap3A_410, %swap3A_411] {strides = array<i32>} : memref<64x768xf32, #tpu.memory_space<vmem>>, vector<1x16xf32>,
      %swap3A_413 = vector.shape_cast %swap3A_412 : vector<1x16xf32> to vector<16xf32>
      %swap3A_414 = vector.shape_cast %mul3A_409 : vector<16xf32> to vector<1x16xf32>
      tpu.vector_store %arg7[%swap3A_410, %swap3A_411], %swap3A_414 {strides = array<i32>} : memref<64x768xf32, #tpu.memory_space<vmem>>, vector<1x16xf32>,
      %get3A_415 = arith.index_cast %scan3A_12 : i32 to index
      %get3A_416 = arith.constant 640 : index
      %get3A_417 = tpu.vector_load %arg7[%get3A_415, %get3A_416] {strides = array<i32>} : memref<64x768xf32, #tpu.memory_space<vmem>>, vector<1x16xf32>,
      %get3A_418 = vector.shape_cast %get3A_417 : vector<1x16xf32> to vector<16xf32>
      %mul3A_419 = arith.mulf %get3A_418, %get3A_15 : vector<16xf32>
      %swap3A_420 = arith.index_cast %scan3A_12 : i32 to index
      %swap3A_421 = arith.constant 640 : index
      %swap3A_422 = tpu.vector_load %arg7[%swap3A_420, %swap3A_421] {strides = array<i32>} : memref<64x768xf32, #tpu.memory_space<vmem>>, vector<1x16xf32>,
      %swap3A_423 = vector.shape_cast %swap3A_422 : vector<1x16xf32> to vector<16xf32>
      %swap3A_424 = vector.shape_cast %mul3A_419 : vector<16xf32> to vector<1x16xf32>
      tpu.vector_store %arg7[%swap3A_420, %swap3A_421], %swap3A_424 {strides = array<i32>} : memref<64x768xf32, #tpu.memory_space<vmem>>, vector<1x16xf32>,
      %get3A_425 = arith.index_cast %scan3A_12 : i32 to index
      %get3A_426 = arith.constant 656 : index
      %get3A_427 = tpu.vector_load %arg7[%get3A_425, %get3A_426] {strides = array<i32>} : memref<64x768xf32, #tpu.memory_space<vmem>>, vector<1x16xf32>,
      %get3A_428 = vector.shape_cast %get3A_427 : vector<1x16xf32> to vector<16xf32>
      %mul3A_429 = arith.mulf %get3A_428, %get3A_15 : vector<16xf32>
      %swap3A_430 = arith.index_cast %scan3A_12 : i32 to index
      %swap3A_431 = arith.constant 656 : index
      %swap3A_432 = tpu.vector_load %arg7[%swap3A_430, %swap3A_431] {strides = array<i32>} : memref<64x768xf32, #tpu.memory_space<vmem>>, vector<1x16xf32>,
      %swap3A_433 = vector.shape_cast %swap3A_432 : vector<1x16xf32> to vector<16xf32>
      %swap3A_434 = vector.shape_cast %mul3A_429 : vector<16xf32> to vector<1x16xf32>
      tpu.vector_store %arg7[%swap3A_430, %swap3A_431], %swap3A_434 {strides = array<i32>} : memref<64x768xf32, #tpu.memory_space<vmem>>, vector<1x16xf32>,
      %get3A_435 = arith.index_cast %scan3A_12 : i32 to index
      %get3A_436 = arith.constant 672 : index
      %get3A_437 = tpu.vector_load %arg7[%get3A_435, %get3A_436] {strides = array<i32>} : memref<64x768xf32, #tpu.memory_space<vmem>>, vector<1x16xf32>,
      %get3A_438 = vector.shape_cast %get3A_437 : vector<1x16xf32> to vector<16xf32>
      %mul3A_439 = arith.mulf %get3A_438, %get3A_15 : vector<16xf32>
      %swap3A_440 = arith.index_cast %scan3A_12 : i32 to index
      %swap3A_441 = arith.constant 672 : index
      %swap3A_442 = tpu.vector_load %arg7[%swap3A_440, %swap3A_441] {strides = array<i32>} : memref<64x768xf32, #tpu.memory_space<vmem>>, vector<1x16xf32>,
      %swap3A_443 = vector.shape_cast %swap3A_442 : vector<1x16xf32> to vector<16xf32>
      %swap3A_444 = vector.shape_cast %mul3A_439 : vector<16xf32> to vector<1x16xf32>
      tpu.vector_store %arg7[%swap3A_440, %swap3A_441], %swap3A_444 {strides = array<i32>} : memref<64x768xf32, #tpu.memory_space<vmem>>, vector<1x16xf32>,
      %get3A_445 = arith.index_cast %scan3A_12 : i32 to index
      %get3A_446 = arith.constant 688 : index
      %get3A_447 = tpu.vector_load %arg7[%get3A_445, %get3A_446] {strides = array<i32>} : memref<64x768xf32, #tpu.memory_space<vmem>>, vector<1x16xf32>,
      %get3A_448 = vector.shape_cast %get3A_447 : vector<1x16xf32> to vector<16xf32>
      %mul3A_449 = arith.mulf %get3A_448, %get3A_15 : vector<16xf32>
      %swap3A_450 = arith.index_cast %scan3A_12 : i32 to index
      %swap3A_451 = arith.constant 688 : index
      %swap3A_452 = tpu.vector_load %arg7[%swap3A_450, %swap3A_451] {strides = array<i32>} : memref<64x768xf32, #tpu.memory_space<vmem>>, vector<1x16xf32>,
      %swap3A_453 = vector.shape_cast %swap3A_452 : vector<1x16xf32> to vector<16xf32>
      %swap3A_454 = vector.shape_cast %mul3A_449 : vector<16xf32> to vector<1x16xf32>
      tpu.vector_store %arg7[%swap3A_450, %swap3A_451], %swap3A_454 {strides = array<i32>} : memref<64x768xf32, #tpu.memory_space<vmem>>, vector<1x16xf32>,
      %get3A_455 = arith.index_cast %scan3A_12 : i32 to index
      %get3A_456 = arith.constant 704 : index
      %get3A_457 = tpu.vector_load %arg7[%get3A_455, %get3A_456] {strides = array<i32>} : memref<64x768xf32, #tpu.memory_space<vmem>>, vector<1x16xf32>,
      %get3A_458 = vector.shape_cast %get3A_457 : vector<1x16xf32> to vector<16xf32>
      %mul3A_459 = arith.mulf %get3A_458, %get3A_15 : vector<16xf32>
      %swap3A_460 = arith.index_cast %scan3A_12 : i32 to index
      %swap3A_461 = arith.constant 704 : index
      %swap3A_462 = tpu.vector_load %arg7[%swap3A_460, %swap3A_461] {strides = array<i32>} : memref<64x768xf32, #tpu.memory_space<vmem>>, vector<1x16xf32>,
      %swap3A_463 = vector.shape_cast %swap3A_462 : vector<1x16xf32> to vector<16xf32>
      %swap3A_464 = vector.shape_cast %mul3A_459 : vector<16xf32> to vector<1x16xf32>
      tpu.vector_store %arg7[%swap3A_460, %swap3A_461], %swap3A_464 {strides = array<i32>} : memref<64x768xf32, #tpu.memory_space<vmem>>, vector<1x16xf32>,
      %get3A_465 = arith.index_cast %scan3A_12 : i32 to index
      %get3A_466 = arith.constant 720 : index
      %get3A_467 = tpu.vector_load %arg7[%get3A_465, %get3A_466] {strides = array<i32>} : memref<64x768xf32, #tpu.memory_space<vmem>>, vector<1x16xf32>,
      %get3A_468 = vector.shape_cast %get3A_467 : vector<1x16xf32> to vector<16xf32>
      %mul3A_469 = arith.mulf %get3A_468, %get3A_15 : vector<16xf32>
      %swap3A_470 = arith.index_cast %scan3A_12 : i32 to index
      %swap3A_471 = arith.constant 720 : index
      %swap3A_472 = tpu.vector_load %arg7[%swap3A_470, %swap3A_471] {strides = array<i32>} : memref<64x768xf32, #tpu.memory_space<vmem>>, vector<1x16xf32>,
      %swap3A_473 = vector.shape_cast %swap3A_472 : vector<1x16xf32> to vector<16xf32>
      %swap3A_474 = vector.shape_cast %mul3A_469 : vector<16xf32> to vector<1x16xf32>
      tpu.vector_store %arg7[%swap3A_470, %swap3A_471], %swap3A_474 {strides = array<i32>} : memref<64x768xf32, #tpu.memory_space<vmem>>, vector<1x16xf32>,
      %get3A_475 = arith.index_cast %scan3A_12 : i32 to index
      %get3A_476 = arith.constant 736 : index
      %get3A_477 = tpu.vector_load %arg7[%get3A_475, %get3A_476] {strides = array<i32>} : memref<64x768xf32, #tpu.memory_space<vmem>>, vector<1x16xf32>,
      %get3A_478 = vector.shape_cast %get3A_477 : vector<1x16xf32> to vector<16xf32>
      %mul3A_479 = arith.mulf %get3A_478, %get3A_15 : vector<16xf32>
      %swap3A_480 = arith.index_cast %scan3A_12 : i32 to index
      %swap3A_481 = arith.constant 736 : index
      %swap3A_482 = tpu.vector_load %arg7[%swap3A_480, %swap3A_481] {strides = array<i32>} : memref<64x768xf32, #tpu.memory_space<vmem>>, vector<1x16xf32>,
      %swap3A_483 = vector.shape_cast %swap3A_482 : vector<1x16xf32> to vector<16xf32>
      %swap3A_484 = vector.shape_cast %mul3A_479 : vector<16xf32> to vector<1x16xf32>
      tpu.vector_store %arg7[%swap3A_480, %swap3A_481], %swap3A_484 {strides = array<i32>} : memref<64x768xf32, #tpu.memory_space<vmem>>, vector<1x16xf32>,
      %get3A_485 = arith.index_cast %scan3A_12 : i32 to index
      %get3A_486 = arith.constant 752 : index
      %get3A_487 = tpu.vector_load %arg7[%get3A_485, %get3A_486] {strides = array<i32>} : memref<64x768xf32, #tpu.memory_space<vmem>>, vector<1x16xf32>,
      %get3A_488 = vector.shape_cast %get3A_487 : vector<1x16xf32> to vector<16xf32>
      %mul3A_489 = arith.mulf %get3A_488, %get3A_15 : vector<16xf32>
      %swap3A_490 = arith.index_cast %scan3A_12 : i32 to index
      %swap3A_491 = arith.constant 752 : index
      %swap3A_492 = tpu.vector_load %arg7[%swap3A_490, %swap3A_491] {strides = array<i32>} : memref<64x768xf32, #tpu.memory_space<vmem>>, vector<1x16xf32>,
      %swap3A_493 = vector.shape_cast %swap3A_492 : vector<1x16xf32> to vector<16xf32>
      %swap3A_494 = vector.shape_cast %mul3A_489 : vector<16xf32> to vector<1x16xf32>
      tpu.vector_store %arg7[%swap3A_490, %swap3A_491], %swap3A_494 {strides = array<i32>} : memref<64x768xf32, #tpu.memory_space<vmem>>, vector<1x16xf32>,
    }
    %scan3A_11 = arith.constant 64 : i32
    "tpu.region"() ({
      %run_scoped3A = tpu.sem_alloc : memref<!tpu.dma_semaphore, #tpu.memory_space<semaphore_mem>>
      %dma_start3A_12 = arith.constant 0 : i32
      %dma_start3A_13 = tpu.memref_slice %arg5[%mul3A_2, %dma_start3A_12] : memref<2048x768xf32, #tpu.memory_space<hbm>> -> memref<64x768xf32, #tpu.memory_space<hbm>>
      %dma_start3A_14 = arith.constant 0 : i32
      %dma_start3A_15 = tpu.memref_slice %arg5[%mul3A_2, %dma_start3A_14] : memref<2048x768xf32, #tpu.memory_space<hbm>> -> memref<64x768xf32, #tpu.memory_space<hbm>>
      tpu.enqueue_dma source(%arg7 : memref<64x768xf32, #tpu.memory_space<vmem>>) target(%dma_start3A_15 : memref<64x768xf32, #tpu.memory_space<hbm>>) target_semaphore(%run_scoped3A : memref<!tpu.dma_semaphore, #tpu.memory_space<semaphore_mem>>)
      %dma_wait3A_16 = arith.constant 0 : i32
      %dma_wait3A_17 = tpu.memref_slice %arg5[%mul3A_2, %dma_wait3A_16] : memref<2048x768xf32, #tpu.memory_space<hbm>> -> memref<64x768xf32, #tpu.memory_space<hbm>>
      %dma_wait3A_18 = arith.constant 0 : i32
      %dma_wait3A_19 = tpu.memref_slice %arg5[%mul3A_2, %dma_wait3A_18] : memref<2048x768xf32, #tpu.memory_space<hbm>> -> memref<64x768xf32, #tpu.memory_space<hbm>>
      tpu.wait_dma2 semaphore(%run_scoped3A : memref<!tpu.dma_semaphore, #tpu.memory_space<semaphore_mem>>) src(%arg7 : memref<64x768xf32, #tpu.memory_space<vmem>>) dst(%dma_wait3A_19 : memref<64x768xf32, #tpu.memory_space<hbm>>)
      tpu.yield
    }) : () -> ()
    return
  }
}

#map = affine_map<(d0, d1) -> (0, 0, 0)>
#map1 = affine_map<(d0, d1) -> (0)>
#map2 = affine_map<(d0, d1) -> (0, 0)>
module attributes {stable_mosaic.version = 14 : i64} {
  func.func @_dispatch_body(%arg0: i32, %arg1: i32, %arg2: memref<1x2048x768xf32, #tpu.memory_space<hbm>>, %arg3: memref<3072xi32, #tpu.memory_space<hbm>>, %arg4: memref<3072x768xf32, #tpu.memory_space<hbm>>, %arg5: memref<96xi32, #tpu.memory_space<vmem>>, %arg6: memref<96x768xf32, #tpu.memory_space<vmem>>, %arg7: memref<!tpu.dma_semaphore, #tpu.memory_space<semaphore_mem>>) attributes {dimension_semantics = [#tpu.dimension_semantics<core_parallel>, #tpu.dimension_semantics<subcore_parallel>], iteration_bounds = array<i64: 2, 16>, scalar_prefetch = 0 : i64, scratch_operands = 3 : i64, tpu.core_type = #tpu.core_type<sc_vector_subcore>, window_params = [{transform_indices = #map}, {transform_indices = #map1}, {transform_indices = #map2}]} {
    %mul3A = arith.constant 2 : i32
    %mul3A_0 = arith.muli %arg1, %mul3A : i32
    %add3A = arith.addi %mul3A_0, %arg0 : i32
    %mul3A_1 = arith.constant 96 : i32
    %mul3A_2 = arith.muli %add3A, %mul3A_1 : i32
    "tpu.region"() ({
      %run_scoped3A = tpu.sem_alloc : memref<!tpu.dma_semaphore, #tpu.memory_space<semaphore_mem>>
      %dma_start3A_17 = tpu.memref_slice %arg3[%mul3A_2] : memref<3072xi32, #tpu.memory_space<hbm>> -> memref<96xi32, #tpu.memory_space<hbm>>
      %dma_start3A_18 = tpu.memref_slice %arg3[%mul3A_2] : memref<3072xi32, #tpu.memory_space<hbm>> -> memref<96xi32, #tpu.memory_space<hbm>>
      tpu.enqueue_dma source(%dma_start3A_18 : memref<96xi32, #tpu.memory_space<hbm>>) target(%arg5 : memref<96xi32, #tpu.memory_space<vmem>>) target_semaphore(%run_scoped3A : memref<!tpu.dma_semaphore, #tpu.memory_space<semaphore_mem>>)
      %dma_wait3A_19 = tpu.memref_slice %arg3[%mul3A_2] : memref<3072xi32, #tpu.memory_space<hbm>> -> memref<96xi32, #tpu.memory_space<hbm>>
      %dma_wait3A_20 = tpu.memref_slice %arg3[%mul3A_2] : memref<3072xi32, #tpu.memory_space<hbm>> -> memref<96xi32, #tpu.memory_space<hbm>>
      tpu.wait_dma2 semaphore(%run_scoped3A : memref<!tpu.dma_semaphore, #tpu.memory_space<semaphore_mem>>) src(%dma_wait3A_20 : memref<96xi32, #tpu.memory_space<hbm>>) dst(%arg5 : memref<96xi32, #tpu.memory_space<vmem>>)
      tpu.yield
    }) : () -> ()
    %dma_start3A = arith.constant 0 : i32
    %dma_start3A_3 = arith.constant 0 : i32
    %dma_start3A_4 = arith.constant 0 : i32
    %dma_start3A_5 = tpu.memref_slice %arg2[%dma_start3A, %dma_start3A_3, %dma_start3A_4] : memref<1x2048x768xf32, #tpu.memory_space<hbm>> -> memref<1x2048x768xf32, #tpu.memory_space<hbm>>
    %dma_start3A_6 = tpu.memref_squeeze %dma_start3A_5 : memref<1x2048x768xf32, #tpu.memory_space<hbm>> -> memref<2048x768xf32, #tpu.memory_space<hbm>>
    %dma_start3A_7 = arith.constant 0 : i32
    %dma_start3A_8 = arith.constant 0 : i32
    %dma_start3A_9 = tpu.memref_slice %dma_start3A_6[%dma_start3A_7, %dma_start3A_8] : memref<2048x768xf32, #tpu.memory_space<hbm>> -> memref<2048x768xf32, #tpu.memory_space<hbm>>
    tpu.enqueue_indirect_dma source(%dma_start3A_9 : memref<2048x768xf32, #tpu.memory_space<hbm>>) target(%arg6 : memref<96x768xf32, #tpu.memory_space<vmem>>) offsets(%arg5 : memref<96xi32, #tpu.memory_space<vmem>>) semaphore(%arg7 : memref<!tpu.dma_semaphore, #tpu.memory_space<semaphore_mem>>)
    %dma_wait3A = arith.constant 0 : i32
    %dma_wait3A_10 = arith.constant 0 : i32
    %dma_wait3A_11 = arith.constant 0 : i32
    %dma_wait3A_12 = tpu.memref_slice %arg2[%dma_wait3A, %dma_wait3A_10, %dma_wait3A_11] : memref<1x2048x768xf32, #tpu.memory_space<hbm>> -> memref<1x2048x768xf32, #tpu.memory_space<hbm>>
    %dma_wait3A_13 = tpu.memref_squeeze %dma_wait3A_12 : memref<1x2048x768xf32, #tpu.memory_space<hbm>> -> memref<2048x768xf32, #tpu.memory_space<hbm>>
    %dma_wait3A_14 = arith.constant 0 : i32
    %dma_wait3A_15 = arith.constant 0 : i32
    %dma_wait3A_16 = tpu.memref_slice %dma_wait3A_13[%dma_wait3A_14, %dma_wait3A_15] : memref<2048x768xf32, #tpu.memory_space<hbm>> -> memref<2048x768xf32, #tpu.memory_space<hbm>>
    tpu.wait_indirect_dma semaphore(%arg7 : memref<!tpu.dma_semaphore, #tpu.memory_space<semaphore_mem>>) src(%dma_wait3A_16 : memref<2048x768xf32, #tpu.memory_space<hbm>>) dst(%arg6 : memref<96x768xf32, #tpu.memory_space<vmem>>)
    "tpu.region"() ({
      %run_scoped3A = tpu.sem_alloc : memref<!tpu.dma_semaphore, #tpu.memory_space<semaphore_mem>>
      %dma_start3A_17 = arith.constant 0 : i32
      %dma_start3A_18 = tpu.memref_slice %arg4[%mul3A_2, %dma_start3A_17] : memref<3072x768xf32, #tpu.memory_space<hbm>> -> memref<96x768xf32, #tpu.memory_space<hbm>>
      %dma_start3A_19 = arith.constant 0 : i32
      %dma_start3A_20 = tpu.memref_slice %arg4[%mul3A_2, %dma_start3A_19] : memref<3072x768xf32, #tpu.memory_space<hbm>> -> memref<96x768xf32, #tpu.memory_space<hbm>>
      tpu.enqueue_dma source(%arg6 : memref<96x768xf32, #tpu.memory_space<vmem>>) target(%dma_start3A_20 : memref<96x768xf32, #tpu.memory_space<hbm>>) target_semaphore(%run_scoped3A : memref<!tpu.dma_semaphore, #tpu.memory_space<semaphore_mem>>)
      %dma_wait3A_21 = arith.constant 0 : i32
      %dma_wait3A_22 = tpu.memref_slice %arg4[%mul3A_2, %dma_wait3A_21] : memref<3072x768xf32, #tpu.memory_space<hbm>> -> memref<96x768xf32, #tpu.memory_space<hbm>>
      %dma_wait3A_23 = arith.constant 0 : i32
      %dma_wait3A_24 = tpu.memref_slice %arg4[%mul3A_2, %dma_wait3A_23] : memref<3072x768xf32, #tpu.memory_space<hbm>> -> memref<96x768xf32, #tpu.memory_space<hbm>>
      tpu.wait_dma2 semaphore(%run_scoped3A : memref<!tpu.dma_semaphore, #tpu.memory_space<semaphore_mem>>) src(%arg6 : memref<96x768xf32, #tpu.memory_space<vmem>>) dst(%dma_wait3A_24 : memref<96x768xf32, #tpu.memory_space<hbm>>)
      tpu.yield
    }) : () -> ()
    return
  }
}

module attributes {stable_mosaic.version = 14 : i64} {
  func.func @_router_meta_body(%arg0: memref<1x2048x768xf32, #tpu.memory_space<vmem>>, %arg1: memref<768x8xf32, #tpu.memory_space<vmem>>, %arg2: memref<2048x8xf32, #tpu.memory_space<vmem>>, %arg3: memref<2048x1xi32, #tpu.memory_space<vmem>>, %arg4: memref<2048x16xf32, #tpu.memory_space<vmem>>, %arg5: memref<2048x1xi32, #tpu.memory_space<vmem>>, %arg6: memref<1x3072xi32, #tpu.memory_space<vmem>>, %arg7: memref<1x16xi32, #tpu.memory_space<vmem>>) attributes {dimension_semantics = [], scalar_prefetch = 0 : i64, scratch_operands = 0 : i64, tpu.core_type = #tpu.core_type<tc>} {
    %get3A = arith.constant 0 : index
    %get3A_0 = arith.constant 0 : index
    %get3A_1 = arith.constant 0 : index
    %get3A_2 = vector.load %arg0[%get3A, %get3A_0, %get3A_1] : memref<1x2048x768xf32, #tpu.memory_space<vmem>>, vector<1x2048x768xf32>
    %get3A_3 = vector.shape_cast %get3A_2 : vector<1x2048x768xf32> to vector<2048x768xf32>
    %get3A_4 = arith.constant 0 : index
    %get3A_5 = arith.constant 0 : index
    %get3A_6 = vector.load %arg1[%get3A_4, %get3A_5] : memref<768x8xf32, #tpu.memory_space<vmem>>, vector<768x8xf32>
    %dot_general3A = arith.constant dense<0.000000e+00> : vector<2048x8xf32>
    %dot_general3A_7 = tpu.matmul %get3A_3, %get3A_6, %dot_general3A {dimension_numbers = #tpu.dot_dimension_numbers<[1], [0], [0], [1], [0, 0, 1, 1], [], []>, transpose_lhs_hint = false} : vector<2048x768xf32>, vector<768x8xf32>, vector<2048x8xf32> -> vector<2048x8xf32>
    %swap3A = arith.constant 0 : index
    %swap3A_8 = arith.constant 0 : index
    %swap3A_9 = vector.load %arg2[%swap3A, %swap3A_8] : memref<2048x8xf32, #tpu.memory_space<vmem>>, vector<2048x8xf32>
    tpu.vector_store %arg2[%swap3A, %swap3A_8], %dot_general3A_7 {strides = array<i32>} : memref<2048x8xf32, #tpu.memory_space<vmem>>, vector<2048x8xf32>,
    %reduce_max3A = arith.constant dense<0xFF800000> : vector<2048xf32>
    %reduce_max3A_10 = vector.multi_reduction <maximumf>, %dot_general3A_7, %reduce_max3A [1] : vector<2048x8xf32> to vector<2048xf32>
    %broadcast_in_dim3A = vector.shape_cast %reduce_max3A_10 : vector<2048xf32> to vector<2048x1xf32>
    %sub3A = vector.broadcast %broadcast_in_dim3A : vector<2048x1xf32> to vector<2048x8xf32>
    %sub3A_11 = arith.subf %dot_general3A_7, %sub3A : vector<2048x8xf32>
    %exp3A = math.exp %sub3A_11 : vector<2048x8xf32>
    %reduce_sum3A = arith.constant dense<0.000000e+00> : vector<2048xf32>
    %reduce_sum3A_12 = vector.multi_reduction <add>, %exp3A, %reduce_sum3A [1] : vector<2048x8xf32> to vector<2048xf32>
    %broadcast_in_dim3A_13 = vector.shape_cast %reduce_sum3A_12 : vector<2048xf32> to vector<2048x1xf32>
    %div3A = arith.constant 1.000000e+00 : f32
    %div3A_14 = vector.broadcast %div3A : f32 to vector<2048x1xf32>
    %div3A_15 = arith.divf %div3A_14, %broadcast_in_dim3A_13 : vector<2048x1xf32>
    %broadcast_in_dim3A_16 = vector.shape_cast %div3A_15 : vector<2048x1xf32> to vector<2048x1xf32>
    %broadcast_in_dim3A_17 = vector.broadcast %broadcast_in_dim3A_16 : vector<2048x1xf32> to vector<2048x16xf32>
    %swap3A_18 = arith.constant 0 : index
    %swap3A_19 = arith.constant 0 : index
    %swap3A_20 = vector.load %arg4[%swap3A_18, %swap3A_19] : memref<2048x16xf32, #tpu.memory_space<vmem>>, vector<2048x16xf32>
    tpu.vector_store %arg4[%swap3A_18, %swap3A_19], %broadcast_in_dim3A_17 {strides = array<i32>} : memref<2048x16xf32, #tpu.memory_space<vmem>>, vector<2048x16xf32>,
    %iota3A = tpu.iota {dimensions = array<i32: 1>} : vector<2048x8xi32>
    %eq3A = vector.broadcast %broadcast_in_dim3A : vector<2048x1xf32> to vector<2048x8xf32>
    %eq3A_21 = arith.cmpf oeq, %dot_general3A_7, %eq3A : vector<2048x8xf32>
    %jit3A = arith.constant 8 : i32
    %broadcast_in_dim3A_22 = vector.broadcast %jit3A : i32 to vector<2048x8xi32>
    %select_n3A = arith.select %eq3A_21, %iota3A, %broadcast_in_dim3A_22 : vector<2048x8xi1>, vector<2048x8xi32>
    %reduce_min3A = arith.constant dense<2147483647> : vector<2048xi32>
    %reduce_min3A_23 = vector.multi_reduction <minsi>, %select_n3A, %reduce_min3A [1] : vector<2048x8xi32> to vector<2048xi32>
    %broadcast_in_dim3A_24 = vector.shape_cast %reduce_min3A_23 : vector<2048xi32> to vector<2048x1xi32>
    %swap3A_25 = arith.constant 0 : index
    %swap3A_26 = arith.constant 0 : index
    %swap3A_27 = vector.load %arg3[%swap3A_25, %swap3A_26] : memref<2048x1xi32, #tpu.memory_space<vmem>>, vector<2048x1xi32>
    tpu.vector_store %arg3[%swap3A_25, %swap3A_26], %broadcast_in_dim3A_24 {strides = array<i32>} : memref<2048x1xi32, #tpu.memory_space<vmem>>, vector<2048x1xi32>,
    %eq3A_28 = vector.broadcast %broadcast_in_dim3A_24 : vector<2048x1xi32> to vector<2048x8xi32>
    %eq3A_29 = arith.cmpi eq, %iota3A, %eq3A_28 : vector<2048x8xi32>
    %convert_element_type3A = arith.extui %eq3A_29 : vector<2048x8xi1> to vector<2048x8xi32>
    %convert_element_type3A_30 = arith.sitofp %convert_element_type3A : vector<2048x8xi32> to vector<2048x8xf32>
    %broadcast_in_dim3A_31 = arith.constant 0.000000e+00 : f32
    %broadcast_in_dim3A_32 = vector.broadcast %broadcast_in_dim3A_31 : f32 to vector<1x8xf32>
    %slice3A = vector.extract_strided_slice %convert_element_type3A_30 {offsets = [0, 0], sizes = [2047, 8], strides = [1, 1]} : vector<2048x8xf32> to vector<2047x8xf32>
    %concatenate3A = tpu.concatenate %broadcast_in_dim3A_32, %slice3A in 0 : vector<1x8xf32>, vector<2047x8xf32> -> vector<2048x8xf32>
    %add3A = arith.addf %convert_element_type3A_30, %concatenate3A : vector<2048x8xf32>
    %broadcast_in_dim3A_33 = arith.constant 0.000000e+00 : f32
    %broadcast_in_dim3A_34 = vector.broadcast %broadcast_in_dim3A_33 : f32 to vector<2x8xf32>
    %slice3A_35 = vector.extract_strided_slice %add3A {offsets = [0, 0], sizes = [2046, 8], strides = [1, 1]} : vector<2048x8xf32> to vector<2046x8xf32>
    %concatenate3A_36 = tpu.concatenate %broadcast_in_dim3A_34, %slice3A_35 in 0 : vector<2x8xf32>, vector<2046x8xf32> -> vector<2048x8xf32>
    %add3A_37 = arith.addf %add3A, %concatenate3A_36 : vector<2048x8xf32>
    %broadcast_in_dim3A_38 = arith.constant 0.000000e+00 : f32
    %broadcast_in_dim3A_39 = vector.broadcast %broadcast_in_dim3A_38 : f32 to vector<4x8xf32>
    %slice3A_40 = vector.extract_strided_slice %add3A_37 {offsets = [0, 0], sizes = [2044, 8], strides = [1, 1]} : vector<2048x8xf32> to vector<2044x8xf32>
    %concatenate3A_41 = tpu.concatenate %broadcast_in_dim3A_39, %slice3A_40 in 0 : vector<4x8xf32>, vector<2044x8xf32> -> vector<2048x8xf32>
    %add3A_42 = arith.addf %add3A_37, %concatenate3A_41 : vector<2048x8xf32>
    %broadcast_in_dim3A_43 = arith.constant 0.000000e+00 : f32
    %broadcast_in_dim3A_44 = vector.broadcast %broadcast_in_dim3A_43 : f32 to vector<8x8xf32>
    %slice3A_45 = vector.extract_strided_slice %add3A_42 {offsets = [0, 0], sizes = [2040, 8], strides = [1, 1]} : vector<2048x8xf32> to vector<2040x8xf32>
    %concatenate3A_46 = tpu.concatenate %broadcast_in_dim3A_44, %slice3A_45 in 0 : vector<8x8xf32>, vector<2040x8xf32> -> vector<2048x8xf32>
    %add3A_47 = arith.addf %add3A_42, %concatenate3A_46 : vector<2048x8xf32>
    %broadcast_in_dim3A_48 = arith.constant 0.000000e+00 : f32
    %broadcast_in_dim3A_49 = vector.broadcast %broadcast_in_dim3A_48 : f32 to vector<16x8xf32>
    %slice3A_50 = vector.extract_strided_slice %add3A_47 {offsets = [0, 0], sizes = [2032, 8], strides = [1, 1]} : vector<2048x8xf32> to vector<2032x8xf32>
    %concatenate3A_51 = tpu.concatenate %broadcast_in_dim3A_49, %slice3A_50 in 0 : vector<16x8xf32>, vector<2032x8xf32> -> vector<2048x8xf32>
    %add3A_52 = arith.addf %add3A_47, %concatenate3A_51 : vector<2048x8xf32>
    %broadcast_in_dim3A_53 = arith.constant 0.000000e+00 : f32
    %broadcast_in_dim3A_54 = vector.broadcast %broadcast_in_dim3A_53 : f32 to vector<32x8xf32>
    %slice3A_55 = vector.extract_strided_slice %add3A_52 {offsets = [0, 0], sizes = [2016, 8], strides = [1, 1]} : vector<2048x8xf32> to vector<2016x8xf32>
    %concatenate3A_56 = tpu.concatenate %broadcast_in_dim3A_54, %slice3A_55 in 0 : vector<32x8xf32>, vector<2016x8xf32> -> vector<2048x8xf32>
    %add3A_57 = arith.addf %add3A_52, %concatenate3A_56 : vector<2048x8xf32>
    %broadcast_in_dim3A_58 = arith.constant 0.000000e+00 : f32
    %broadcast_in_dim3A_59 = vector.broadcast %broadcast_in_dim3A_58 : f32 to vector<64x8xf32>
    %slice3A_60 = vector.extract_strided_slice %add3A_57 {offsets = [0, 0], sizes = [1984, 8], strides = [1, 1]} : vector<2048x8xf32> to vector<1984x8xf32>
    %concatenate3A_61 = tpu.concatenate %broadcast_in_dim3A_59, %slice3A_60 in 0 : vector<64x8xf32>, vector<1984x8xf32> -> vector<2048x8xf32>
    %add3A_62 = arith.addf %add3A_57, %concatenate3A_61 : vector<2048x8xf32>
    %broadcast_in_dim3A_63 = arith.constant 0.000000e+00 : f32
    %broadcast_in_dim3A_64 = vector.broadcast %broadcast_in_dim3A_63 : f32 to vector<128x8xf32>
    %slice3A_65 = vector.extract_strided_slice %add3A_62 {offsets = [0, 0], sizes = [1920, 8], strides = [1, 1]} : vector<2048x8xf32> to vector<1920x8xf32>
    %concatenate3A_66 = tpu.concatenate %broadcast_in_dim3A_64, %slice3A_65 in 0 : vector<128x8xf32>, vector<1920x8xf32> -> vector<2048x8xf32>
    %add3A_67 = arith.addf %add3A_62, %concatenate3A_66 : vector<2048x8xf32>
    %broadcast_in_dim3A_68 = arith.constant 0.000000e+00 : f32
    %broadcast_in_dim3A_69 = vector.broadcast %broadcast_in_dim3A_68 : f32 to vector<256x8xf32>
    %slice3A_70 = vector.extract_strided_slice %add3A_67 {offsets = [0, 0], sizes = [1792, 8], strides = [1, 1]} : vector<2048x8xf32> to vector<1792x8xf32>
    %concatenate3A_71 = tpu.concatenate %broadcast_in_dim3A_69, %slice3A_70 in 0 : vector<256x8xf32>, vector<1792x8xf32> -> vector<2048x8xf32>
    %add3A_72 = arith.addf %add3A_67, %concatenate3A_71 : vector<2048x8xf32>
    %broadcast_in_dim3A_73 = arith.constant 0.000000e+00 : f32
    %broadcast_in_dim3A_74 = vector.broadcast %broadcast_in_dim3A_73 : f32 to vector<512x8xf32>
    %slice3A_75 = vector.extract_strided_slice %add3A_72 {offsets = [0, 0], sizes = [1536, 8], strides = [1, 1]} : vector<2048x8xf32> to vector<1536x8xf32>
    %concatenate3A_76 = tpu.concatenate %broadcast_in_dim3A_74, %slice3A_75 in 0 : vector<512x8xf32>, vector<1536x8xf32> -> vector<2048x8xf32>
    %add3A_77 = arith.addf %add3A_72, %concatenate3A_76 : vector<2048x8xf32>
    %broadcast_in_dim3A_78 = arith.constant 0.000000e+00 : f32
    %broadcast_in_dim3A_79 = vector.broadcast %broadcast_in_dim3A_78 : f32 to vector<1024x8xf32>
    %slice3A_80 = vector.extract_strided_slice %add3A_77 {offsets = [0, 0], sizes = [1024, 8], strides = [1, 1]} : vector<2048x8xf32> to vector<1024x8xf32>
    %concatenate3A_81 = tpu.concatenate %broadcast_in_dim3A_79, %slice3A_80 in 0 : vector<1024x8xf32>, vector<1024x8xf32> -> vector<2048x8xf32>
    %add3A_82 = arith.addf %add3A_77, %concatenate3A_81 : vector<2048x8xf32>
    %sub3A_83 = arith.subf %add3A_82, %convert_element_type3A_30 : vector<2048x8xf32>
    %mul3A = arith.mulf %sub3A_83, %convert_element_type3A_30 : vector<2048x8xf32>
    %reduce_sum3A_84 = arith.constant dense<0.000000e+00> : vector<2048xf32>
    %reduce_sum3A_85 = vector.multi_reduction <add>, %mul3A, %reduce_sum3A_84 [1] : vector<2048x8xf32> to vector<2048xf32>
    %broadcast_in_dim3A_86 = vector.shape_cast %reduce_sum3A_85 : vector<2048xf32> to vector<2048x1xf32>
    %reduce_sum3A_87 = arith.constant dense<0.000000e+00> : vector<8xf32>
    %reduce_sum3A_88 = vector.multi_reduction <add>, %convert_element_type3A_30, %reduce_sum3A_87 [0] : vector<2048x8xf32> to vector<8xf32>
    %broadcast_in_dim3A_89 = vector.shape_cast %reduce_sum3A_88 : vector<8xf32> to vector<1x8xf32>
    %convert_element_type3A_90 = arith.fptosi %broadcast_in_dim3A_89 : vector<1x8xf32> to vector<1x8xi32>
    %add3A_91 = arith.constant 127 : i32
    %add3A_92 = vector.broadcast %add3A_91 : i32 to vector<1x8xi32>
    %add3A_93 = arith.addi %convert_element_type3A_90, %add3A_92 : vector<1x8xi32>
    %and3A = arith.constant -128 : i32
    %and3A_94 = vector.broadcast %and3A : i32 to vector<1x8xi32>
    %and3A_95 = arith.andi %add3A_93, %and3A_94 : vector<1x8xi32>
    %iota3A_96 = tpu.iota {dimensions = array<i32: 0>} : vector<8x8xi32>
    %iota3A_97 = tpu.iota {dimensions = array<i32: 1>} : vector<8x8xi32>
    %lt3A = arith.cmpi slt, %iota3A_96, %iota3A_97 : vector<8x8xi32>
    %convert_element_type3A_98 = arith.extui %lt3A : vector<8x8xi1> to vector<8x8xi32>
    %convert_element_type3A_99 = arith.sitofp %convert_element_type3A_98 : vector<8x8xi32> to vector<8x8xf32>
    %convert_element_type3A_100 = arith.sitofp %and3A_95 : vector<1x8xi32> to vector<1x8xf32>
    %dot_general3A_101 = arith.constant dense<0.000000e+00> : vector<1x8xf32>
    %dot_general3A_102 = tpu.matmul %convert_element_type3A_100, %convert_element_type3A_99, %dot_general3A_101 {dimension_numbers = #tpu.dot_dimension_numbers<[1], [0], [0], [1], [0, 0, 1, 1], [], []>, precision = #tpu.contract_precision<fp32>, transpose_lhs_hint = false} : vector<1x8xf32>, vector<8x8xf32>, vector<1x8xf32> -> vector<1x8xf32>
    %mul3A_103 = vector.broadcast %dot_general3A_102 : vector<1x8xf32> to vector<2048x8xf32>
    %mul3A_104 = arith.mulf %convert_element_type3A_30, %mul3A_103 : vector<2048x8xf32>
    %reduce_sum3A_105 = arith.constant dense<0.000000e+00> : vector<2048xf32>
    %reduce_sum3A_106 = vector.multi_reduction <add>, %mul3A_104, %reduce_sum3A_105 [1] : vector<2048x8xf32> to vector<2048xf32>
    %broadcast_in_dim3A_107 = vector.shape_cast %reduce_sum3A_106 : vector<2048xf32> to vector<2048x1xf32>
    %add3A_108 = arith.addf %broadcast_in_dim3A_107, %broadcast_in_dim3A_86 : vector<2048x1xf32>
    %convert_element_type3A_109 = arith.fptosi %add3A_108 : vector<2048x1xf32> to vector<2048x1xi32>
    %swap3A_110 = arith.constant 0 : index
    %swap3A_111 = arith.constant 0 : index
    %swap3A_112 = vector.load %arg5[%swap3A_110, %swap3A_111] : memref<2048x1xi32, #tpu.memory_space<vmem>>, vector<2048x1xi32>
    tpu.vector_store %arg5[%swap3A_110, %swap3A_111], %convert_element_type3A_109 {strides = array<i32>} : memref<2048x1xi32, #tpu.memory_space<vmem>>, vector<2048x1xi32>,
    %convert_element_type3A_113 = arith.fptosi %dot_general3A_102 : vector<1x8xf32> to vector<1x8xi32>
    %jit3A_114 = arith.constant 128 : i32
    %div3A_115 = vector.broadcast %jit3A_114 : i32 to vector<1x8xi32>
    %div3A_116 = arith.divsi %convert_element_type3A_113, %div3A_115 : vector<1x8xi32>
    %sign3A = arith.constant 0 : i32
    %sign3A_117 = vector.broadcast %sign3A : i32 to vector<1x8xi32>
    %sign3A_118 = arith.cmpi sgt, %convert_element_type3A_113, %sign3A_117 : vector<1x8xi32>
    %sign3A_119 = arith.extui %sign3A_118 : vector<1x8xi1> to vector<1x8xi32>
    %sign3A_120 = arith.constant 0 : i32
    %sign3A_121 = vector.broadcast %sign3A_120 : i32 to vector<1x8xi32>
    %sign3A_122 = arith.cmpi slt, %convert_element_type3A_113, %sign3A_121 : vector<1x8xi32>
    %sign3A_123 = arith.extui %sign3A_122 : vector<1x8xi1> to vector<1x8xi32>
    %sign3A_124 = arith.subi %sign3A_119, %sign3A_123 : vector<1x8xi32>
    %sign3A_125 = arith.constant 0 : i32
    %sign3A_126 = arith.cmpi sgt, %jit3A_114, %sign3A_125 : i32
    %sign3A_127 = arith.extui %sign3A_126 : i1 to i32
    %sign3A_128 = arith.constant 0 : i32
    %sign3A_129 = arith.cmpi slt, %jit3A_114, %sign3A_128 : i32
    %sign3A_130 = arith.extui %sign3A_129 : i1 to i32
    %sign3A_131 = arith.subi %sign3A_127, %sign3A_130 : i32
    %ne3A = vector.broadcast %sign3A_131 : i32 to vector<1x8xi32>
    %ne3A_132 = arith.cmpi ne, %sign3A_124, %ne3A : vector<1x8xi32>
    %rem3A = vector.broadcast %jit3A_114 : i32 to vector<1x8xi32>
    %rem3A_133 = arith.remsi %convert_element_type3A_113, %rem3A : vector<1x8xi32>
    %ne3A_134 = arith.constant 0 : i32
    %ne3A_135 = vector.broadcast %ne3A_134 : i32 to vector<1x8xi32>
    %ne3A_136 = arith.cmpi ne, %rem3A_133, %ne3A_135 : vector<1x8xi32>
    %and3A_137 = arith.andi %ne3A_132, %ne3A_136 : vector<1x8xi1>
    %sub3A_138 = arith.constant 1 : i32
    %sub3A_139 = vector.broadcast %sub3A_138 : i32 to vector<1x8xi32>
    %sub3A_140 = arith.subi %div3A_116, %sub3A_139 : vector<1x8xi32>
    %select_n3A_141 = arith.select %and3A_137, %sub3A_140, %div3A_116 : vector<1x8xi1>, vector<1x8xi32>
    %broadcast_in_dim3A_142 = arith.constant 0 : i32
    %broadcast_in_dim3A_143 = vector.broadcast %broadcast_in_dim3A_142 : i32 to vector<1x16xi32>
    %swap3A_144 = arith.constant 0 : index
    %swap3A_145 = arith.constant 0 : index
    %swap3A_146 = vector.load %arg7[%swap3A_144, %swap3A_145] : memref<1x16xi32, #tpu.memory_space<vmem>>, vector<1x16xi32>
    tpu.vector_store %arg7[%swap3A_144, %swap3A_145], %broadcast_in_dim3A_143 {strides = array<i32>} : memref<1x16xi32, #tpu.memory_space<vmem>>, vector<1x16xi32>,
    %swap3A_147 = arith.constant 0 : index
    %swap3A_148 = arith.constant 0 : index
    %swap3A_149 = vector.load %arg7[%swap3A_147, %swap3A_148] : memref<1x16xi32, #tpu.memory_space<vmem>>, vector<1x8xi32>
    tpu.vector_store %arg7[%swap3A_147, %swap3A_148], %select_n3A_141 {strides = array<i32>} : memref<1x16xi32, #tpu.memory_space<vmem>>, vector<1x8xi32>,
    %slice3A_150 = vector.extract_strided_slice %select_n3A_141 {offsets = [0, 7], sizes = [1, 1], strides = [1, 1]} : vector<1x8xi32> to vector<1x1xi32>
    %slice3A_151 = vector.extract_strided_slice %and3A_95 {offsets = [0, 7], sizes = [1, 1], strides = [1, 1]} : vector<1x8xi32> to vector<1x1xi32>
    %jit3A_152 = arith.constant 128 : i32
    %div3A_153 = vector.broadcast %jit3A_152 : i32 to vector<1x1xi32>
    %div3A_154 = arith.divsi %slice3A_151, %div3A_153 : vector<1x1xi32>
    %sign3A_155 = arith.constant 0 : i32
    %sign3A_156 = vector.broadcast %sign3A_155 : i32 to vector<1x1xi32>
    %sign3A_157 = arith.cmpi sgt, %slice3A_151, %sign3A_156 : vector<1x1xi32>
    %sign3A_158 = arith.extui %sign3A_157 : vector<1x1xi1> to vector<1x1xi32>
    %sign3A_159 = arith.constant 0 : i32
    %sign3A_160 = vector.broadcast %sign3A_159 : i32 to vector<1x1xi32>
    %sign3A_161 = arith.cmpi slt, %slice3A_151, %sign3A_160 : vector<1x1xi32>
    %sign3A_162 = arith.extui %sign3A_161 : vector<1x1xi1> to vector<1x1xi32>
    %sign3A_163 = arith.subi %sign3A_158, %sign3A_162 : vector<1x1xi32>
    %sign3A_164 = arith.constant 0 : i32
    %sign3A_165 = arith.cmpi sgt, %jit3A_152, %sign3A_164 : i32
    %sign3A_166 = arith.extui %sign3A_165 : i1 to i32
    %sign3A_167 = arith.constant 0 : i32
    %sign3A_168 = arith.cmpi slt, %jit3A_152, %sign3A_167 : i32
    %sign3A_169 = arith.extui %sign3A_168 : i1 to i32
    %sign3A_170 = arith.subi %sign3A_166, %sign3A_169 : i32
    %ne3A_171 = vector.broadcast %sign3A_170 : i32 to vector<1x1xi32>
    %ne3A_172 = arith.cmpi ne, %sign3A_163, %ne3A_171 : vector<1x1xi32>
    %rem3A_173 = vector.broadcast %jit3A_152 : i32 to vector<1x1xi32>
    %rem3A_174 = arith.remsi %slice3A_151, %rem3A_173 : vector<1x1xi32>
    %ne3A_175 = arith.constant 0 : i32
    %ne3A_176 = vector.broadcast %ne3A_175 : i32 to vector<1x1xi32>
    %ne3A_177 = arith.cmpi ne, %rem3A_174, %ne3A_176 : vector<1x1xi32>
    %and3A_178 = arith.andi %ne3A_172, %ne3A_177 : vector<1x1xi1>
    %sub3A_179 = arith.constant 1 : i32
    %sub3A_180 = vector.broadcast %sub3A_179 : i32 to vector<1x1xi32>
    %sub3A_181 = arith.subi %div3A_154, %sub3A_180 : vector<1x1xi32>
    %select_n3A_182 = arith.select %and3A_178, %sub3A_181, %div3A_154 : vector<1x1xi1>, vector<1x1xi32>
    %add3A_183 = arith.addi %slice3A_150, %select_n3A_182 : vector<1x1xi32>
    %swap3A_184 = arith.constant 0 : index
    %swap3A_185 = arith.constant 8 : index
    %swap3A_186 = vector.load %arg7[%swap3A_184, %swap3A_185] : memref<1x16xi32, #tpu.memory_space<vmem>>, vector<1x1xi32>
    tpu.vector_store %arg7[%swap3A_184, %swap3A_185], %add3A_183 {strides = array<i32>} : memref<1x16xi32, #tpu.memory_space<vmem>>, vector<1x1xi32>,
    %convert_element_type3A_187 = arith.sitofp %convert_element_type3A_109 : vector<2048x1xi32> to vector<2048x1xf32>
    %iota3A_188 = tpu.iota {dimensions = array<i32: 1>} : vector<1x2048xi32>
    %jit3A_189 = arith.constant 64 : i32
    %div3A_190 = vector.broadcast %jit3A_189 : i32 to vector<1x2048xi32>
    %div3A_191 = arith.divsi %iota3A_188, %div3A_190 : vector<1x2048xi32>
    %sign3A_192 = arith.constant 0 : i32
    %sign3A_193 = vector.broadcast %sign3A_192 : i32 to vector<1x2048xi32>
    %sign3A_194 = arith.cmpi sgt, %iota3A_188, %sign3A_193 : vector<1x2048xi32>
    %sign3A_195 = arith.extui %sign3A_194 : vector<1x2048xi1> to vector<1x2048xi32>
    %sign3A_196 = arith.constant 0 : i32
    %sign3A_197 = vector.broadcast %sign3A_196 : i32 to vector<1x2048xi32>
    %sign3A_198 = arith.cmpi slt, %iota3A_188, %sign3A_197 : vector<1x2048xi32>
    %sign3A_199 = arith.extui %sign3A_198 : vector<1x2048xi1> to vector<1x2048xi32>
    %sign3A_200 = arith.subi %sign3A_195, %sign3A_199 : vector<1x2048xi32>
    %sign3A_201 = arith.constant 0 : i32
    %sign3A_202 = arith.cmpi sgt, %jit3A_189, %sign3A_201 : i32
    %sign3A_203 = arith.extui %sign3A_202 : i1 to i32
    %sign3A_204 = arith.constant 0 : i32
    %sign3A_205 = arith.cmpi slt, %jit3A_189, %sign3A_204 : i32
    %sign3A_206 = arith.extui %sign3A_205 : i1 to i32
    %sign3A_207 = arith.subi %sign3A_203, %sign3A_206 : i32
    %ne3A_208 = vector.broadcast %sign3A_207 : i32 to vector<1x2048xi32>
    %ne3A_209 = arith.cmpi ne, %sign3A_200, %ne3A_208 : vector<1x2048xi32>
    %rem3A_210 = vector.broadcast %jit3A_189 : i32 to vector<1x2048xi32>
    %rem3A_211 = arith.remsi %iota3A_188, %rem3A_210 : vector<1x2048xi32>
    %ne3A_212 = arith.constant 0 : i32
    %ne3A_213 = vector.broadcast %ne3A_212 : i32 to vector<1x2048xi32>
    %ne3A_214 = arith.cmpi ne, %rem3A_211, %ne3A_213 : vector<1x2048xi32>
    %and3A_215 = arith.andi %ne3A_209, %ne3A_214 : vector<1x2048xi1>
    %sub3A_216 = arith.constant 1 : i32
    %sub3A_217 = vector.broadcast %sub3A_216 : i32 to vector<1x2048xi32>
    %sub3A_218 = arith.subi %div3A_191, %sub3A_217 : vector<1x2048xi32>
    %select_n3A_219 = arith.select %and3A_215, %sub3A_218, %div3A_191 : vector<1x2048xi1>, vector<1x2048xi32>
    %convert_element_type3A_220 = arith.sitofp %select_n3A_219 : vector<1x2048xi32> to vector<1x2048xf32>
    %and3A_221 = arith.constant 63 : i32
    %and3A_222 = vector.broadcast %and3A_221 : i32 to vector<1x2048xi32>
    %and3A_223 = arith.andi %iota3A_188, %and3A_222 : vector<1x2048xi32>
    %convert_element_type3A_224 = arith.sitofp %and3A_223 : vector<1x2048xi32> to vector<1x2048xf32>
    %broadcast_in_dim3A_225 = arith.constant 1.000000e+00 : f32
    %broadcast_in_dim3A_226 = vector.broadcast %broadcast_in_dim3A_225 : f32 to vector<1x2048xf32>
    %concatenate3A_227 = tpu.concatenate %convert_element_type3A_220, %convert_element_type3A_224, %broadcast_in_dim3A_226 in 0 : vector<1x2048xf32>, vector<1x2048xf32>, vector<1x2048xf32> -> vector<3x2048xf32>
    %iota3A_228 = tpu.iota {dimensions = array<i32: 1>} : vector<1x128xi32>
    %add3A_229 = arith.constant 0 : i32
    %add3A_230 = vector.broadcast %add3A_229 : i32 to vector<1x128xi32>
    %add3A_231 = arith.addi %iota3A_228, %add3A_230 : vector<1x128xi32>
    %convert_element_type3A_232 = arith.sitofp %add3A_231 : vector<1x128xi32> to vector<1x128xf32>
    %eq3A_233 = vector.broadcast %convert_element_type3A_187 : vector<2048x1xf32> to vector<2048x128xf32>
    %eq3A_234 = vector.broadcast %convert_element_type3A_232 : vector<1x128xf32> to vector<2048x128xf32>
    %eq3A_235 = arith.cmpf oeq, %eq3A_233, %eq3A_234 : vector<2048x128xf32>
    %convert_element_type3A_236 = arith.extui %eq3A_235 : vector<2048x128xi1> to vector<2048x128xi32>
    %convert_element_type3A_237 = arith.sitofp %convert_element_type3A_236 : vector<2048x128xi32> to vector<2048x128xf32>
    %dot_general3A_238 = arith.constant dense<0.000000e+00> : vector<3x128xf32>
    %dot_general3A_239 = tpu.matmul %concatenate3A_227, %convert_element_type3A_237, %dot_general3A_238 {dimension_numbers = #tpu.dot_dimension_numbers<[1], [0], [0], [1], [0, 0, 1, 1], [], []>, transpose_lhs_hint = false} : vector<3x2048xf32>, vector<2048x128xf32>, vector<3x128xf32> -> vector<3x128xf32>
    %slice3A_240 = vector.extract_strided_slice %dot_general3A_239 {offsets = [0, 0], sizes = [1, 128], strides = [1, 1]} : vector<3x128xf32> to vector<1x128xf32>
    %mul3A_241 = arith.constant 6.400000e+01 : f32
    %mul3A_242 = vector.broadcast %mul3A_241 : f32 to vector<1x128xf32>
    %mul3A_243 = arith.mulf %slice3A_240, %mul3A_242 : vector<1x128xf32>
    %slice3A_244 = vector.extract_strided_slice %dot_general3A_239 {offsets = [1, 0], sizes = [1, 128], strides = [1, 1]} : vector<3x128xf32> to vector<1x128xf32>
    %add3A_245 = arith.addf %mul3A_243, %slice3A_244 : vector<1x128xf32>
    %convert_element_type3A_246 = arith.fptosi %add3A_245 : vector<1x128xf32> to vector<1x128xi32>
    %slice3A_247 = vector.extract_strided_slice %dot_general3A_239 {offsets = [2, 0], sizes = [1, 128], strides = [1, 1]} : vector<3x128xf32> to vector<1x128xf32>
    %gt3A = arith.constant 0.000000e+00 : f32
    %gt3A_248 = vector.broadcast %gt3A : f32 to vector<1x128xf32>
    %gt3A_249 = arith.cmpf ogt, %slice3A_247, %gt3A_248 : vector<1x128xf32>
    %and3A_250 = arith.constant 2047 : i32
    %and3A_251 = vector.broadcast %and3A_250 : i32 to vector<1x128xi32>
    %and3A_252 = arith.andi %add3A_231, %and3A_251 : vector<1x128xi32>
    %select_n3A_253 = arith.select %gt3A_249, %convert_element_type3A_246, %and3A_252 : vector<1x128xi1>, vector<1x128xi32>
    %swap3A_254 = arith.constant 0 : index
    %swap3A_255 = arith.constant 0 : index
    %swap3A_256 = vector.load %arg6[%swap3A_254, %swap3A_255] : memref<1x3072xi32, #tpu.memory_space<vmem>>, vector<1x128xi32>
    tpu.vector_store %arg6[%swap3A_254, %swap3A_255], %select_n3A_253 {strides = array<i32>} : memref<1x3072xi32, #tpu.memory_space<vmem>>, vector<1x128xi32>,
    %iota3A_257 = tpu.iota {dimensions = array<i32: 1>} : vector<1x128xi32>
    %add3A_258 = arith.constant 128 : i32
    %add3A_259 = vector.broadcast %add3A_258 : i32 to vector<1x128xi32>
    %add3A_260 = arith.addi %iota3A_257, %add3A_259 : vector<1x128xi32>
    %convert_element_type3A_261 = arith.sitofp %add3A_260 : vector<1x128xi32> to vector<1x128xf32>
    %eq3A_262 = vector.broadcast %convert_element_type3A_187 : vector<2048x1xf32> to vector<2048x128xf32>
    %eq3A_263 = vector.broadcast %convert_element_type3A_261 : vector<1x128xf32> to vector<2048x128xf32>
    %eq3A_264 = arith.cmpf oeq, %eq3A_262, %eq3A_263 : vector<2048x128xf32>
    %convert_element_type3A_265 = arith.extui %eq3A_264 : vector<2048x128xi1> to vector<2048x128xi32>
    %convert_element_type3A_266 = arith.sitofp %convert_element_type3A_265 : vector<2048x128xi32> to vector<2048x128xf32>
    %dot_general3A_267 = arith.constant dense<0.000000e+00> : vector<3x128xf32>
    %dot_general3A_268 = tpu.matmul %concatenate3A_227, %convert_element_type3A_266, %dot_general3A_267 {dimension_numbers = #tpu.dot_dimension_numbers<[1], [0], [0], [1], [0, 0, 1, 1], [], []>, transpose_lhs_hint = false} : vector<3x2048xf32>, vector<2048x128xf32>, vector<3x128xf32> -> vector<3x128xf32>
    %slice3A_269 = vector.extract_strided_slice %dot_general3A_268 {offsets = [0, 0], sizes = [1, 128], strides = [1, 1]} : vector<3x128xf32> to vector<1x128xf32>
    %mul3A_270 = arith.constant 6.400000e+01 : f32
    %mul3A_271 = vector.broadcast %mul3A_270 : f32 to vector<1x128xf32>
    %mul3A_272 = arith.mulf %slice3A_269, %mul3A_271 : vector<1x128xf32>
    %slice3A_273 = vector.extract_strided_slice %dot_general3A_268 {offsets = [1, 0], sizes = [1, 128], strides = [1, 1]} : vector<3x128xf32> to vector<1x128xf32>
    %add3A_274 = arith.addf %mul3A_272, %slice3A_273 : vector<1x128xf32>
    %convert_element_type3A_275 = arith.fptosi %add3A_274 : vector<1x128xf32> to vector<1x128xi32>
    %slice3A_276 = vector.extract_strided_slice %dot_general3A_268 {offsets = [2, 0], sizes = [1, 128], strides = [1, 1]} : vector<3x128xf32> to vector<1x128xf32>
    %gt3A_277 = arith.constant 0.000000e+00 : f32
    %gt3A_278 = vector.broadcast %gt3A_277 : f32 to vector<1x128xf32>
    %gt3A_279 = arith.cmpf ogt, %slice3A_276, %gt3A_278 : vector<1x128xf32>
    %and3A_280 = arith.constant 2047 : i32
    %and3A_281 = vector.broadcast %and3A_280 : i32 to vector<1x128xi32>
    %and3A_282 = arith.andi %add3A_260, %and3A_281 : vector<1x128xi32>
    %select_n3A_283 = arith.select %gt3A_279, %convert_element_type3A_275, %and3A_282 : vector<1x128xi1>, vector<1x128xi32>
    %swap3A_284 = arith.constant 0 : index
    %swap3A_285 = arith.constant 128 : index
    %swap3A_286 = vector.load %arg6[%swap3A_284, %swap3A_285] : memref<1x3072xi32, #tpu.memory_space<vmem>>, vector<1x128xi32>
    tpu.vector_store %arg6[%swap3A_284, %swap3A_285], %select_n3A_283 {strides = array<i32>} : memref<1x3072xi32, #tpu.memory_space<vmem>>, vector<1x128xi32>,
    %iota3A_287 = tpu.iota {dimensions = array<i32: 1>} : vector<1x128xi32>
    %add3A_288 = arith.constant 256 : i32
    %add3A_289 = vector.broadcast %add3A_288 : i32 to vector<1x128xi32>
    %add3A_290 = arith.addi %iota3A_287, %add3A_289 : vector<1x128xi32>
    %convert_element_type3A_291 = arith.sitofp %add3A_290 : vector<1x128xi32> to vector<1x128xf32>
    %eq3A_292 = vector.broadcast %convert_element_type3A_187 : vector<2048x1xf32> to vector<2048x128xf32>
    %eq3A_293 = vector.broadcast %convert_element_type3A_291 : vector<1x128xf32> to vector<2048x128xf32>
    %eq3A_294 = arith.cmpf oeq, %eq3A_292, %eq3A_293 : vector<2048x128xf32>
    %convert_element_type3A_295 = arith.extui %eq3A_294 : vector<2048x128xi1> to vector<2048x128xi32>
    %convert_element_type3A_296 = arith.sitofp %convert_element_type3A_295 : vector<2048x128xi32> to vector<2048x128xf32>
    %dot_general3A_297 = arith.constant dense<0.000000e+00> : vector<3x128xf32>
    %dot_general3A_298 = tpu.matmul %concatenate3A_227, %convert_element_type3A_296, %dot_general3A_297 {dimension_numbers = #tpu.dot_dimension_numbers<[1], [0], [0], [1], [0, 0, 1, 1], [], []>, transpose_lhs_hint = false} : vector<3x2048xf32>, vector<2048x128xf32>, vector<3x128xf32> -> vector<3x128xf32>
    %slice3A_299 = vector.extract_strided_slice %dot_general3A_298 {offsets = [0, 0], sizes = [1, 128], strides = [1, 1]} : vector<3x128xf32> to vector<1x128xf32>
    %mul3A_300 = arith.constant 6.400000e+01 : f32
    %mul3A_301 = vector.broadcast %mul3A_300 : f32 to vector<1x128xf32>
    %mul3A_302 = arith.mulf %slice3A_299, %mul3A_301 : vector<1x128xf32>
    %slice3A_303 = vector.extract_strided_slice %dot_general3A_298 {offsets = [1, 0], sizes = [1, 128], strides = [1, 1]} : vector<3x128xf32> to vector<1x128xf32>
    %add3A_304 = arith.addf %mul3A_302, %slice3A_303 : vector<1x128xf32>
    %convert_element_type3A_305 = arith.fptosi %add3A_304 : vector<1x128xf32> to vector<1x128xi32>
    %slice3A_306 = vector.extract_strided_slice %dot_general3A_298 {offsets = [2, 0], sizes = [1, 128], strides = [1, 1]} : vector<3x128xf32> to vector<1x128xf32>
    %gt3A_307 = arith.constant 0.000000e+00 : f32
    %gt3A_308 = vector.broadcast %gt3A_307 : f32 to vector<1x128xf32>
    %gt3A_309 = arith.cmpf ogt, %slice3A_306, %gt3A_308 : vector<1x128xf32>
    %and3A_310 = arith.constant 2047 : i32
    %and3A_311 = vector.broadcast %and3A_310 : i32 to vector<1x128xi32>
    %and3A_312 = arith.andi %add3A_290, %and3A_311 : vector<1x128xi32>
    %select_n3A_313 = arith.select %gt3A_309, %convert_element_type3A_305, %and3A_312 : vector<1x128xi1>, vector<1x128xi32>
    %swap3A_314 = arith.constant 0 : index
    %swap3A_315 = arith.constant 256 : index
    %swap3A_316 = vector.load %arg6[%swap3A_314, %swap3A_315] : memref<1x3072xi32, #tpu.memory_space<vmem>>, vector<1x128xi32>
    tpu.vector_store %arg6[%swap3A_314, %swap3A_315], %select_n3A_313 {strides = array<i32>} : memref<1x3072xi32, #tpu.memory_space<vmem>>, vector<1x128xi32>,
    %iota3A_317 = tpu.iota {dimensions = array<i32: 1>} : vector<1x128xi32>
    %add3A_318 = arith.constant 384 : i32
    %add3A_319 = vector.broadcast %add3A_318 : i32 to vector<1x128xi32>
    %add3A_320 = arith.addi %iota3A_317, %add3A_319 : vector<1x128xi32>
    %convert_element_type3A_321 = arith.sitofp %add3A_320 : vector<1x128xi32> to vector<1x128xf32>
    %eq3A_322 = vector.broadcast %convert_element_type3A_187 : vector<2048x1xf32> to vector<2048x128xf32>
    %eq3A_323 = vector.broadcast %convert_element_type3A_321 : vector<1x128xf32> to vector<2048x128xf32>
    %eq3A_324 = arith.cmpf oeq, %eq3A_322, %eq3A_323 : vector<2048x128xf32>
    %convert_element_type3A_325 = arith.extui %eq3A_324 : vector<2048x128xi1> to vector<2048x128xi32>
    %convert_element_type3A_326 = arith.sitofp %convert_element_type3A_325 : vector<2048x128xi32> to vector<2048x128xf32>
    %dot_general3A_327 = arith.constant dense<0.000000e+00> : vector<3x128xf32>
    %dot_general3A_328 = tpu.matmul %concatenate3A_227, %convert_element_type3A_326, %dot_general3A_327 {dimension_numbers = #tpu.dot_dimension_numbers<[1], [0], [0], [1], [0, 0, 1, 1], [], []>, transpose_lhs_hint = false} : vector<3x2048xf32>, vector<2048x128xf32>, vector<3x128xf32> -> vector<3x128xf32>
    %slice3A_329 = vector.extract_strided_slice %dot_general3A_328 {offsets = [0, 0], sizes = [1, 128], strides = [1, 1]} : vector<3x128xf32> to vector<1x128xf32>
    %mul3A_330 = arith.constant 6.400000e+01 : f32
    %mul3A_331 = vector.broadcast %mul3A_330 : f32 to vector<1x128xf32>
    %mul3A_332 = arith.mulf %slice3A_329, %mul3A_331 : vector<1x128xf32>
    %slice3A_333 = vector.extract_strided_slice %dot_general3A_328 {offsets = [1, 0], sizes = [1, 128], strides = [1, 1]} : vector<3x128xf32> to vector<1x128xf32>
    %add3A_334 = arith.addf %mul3A_332, %slice3A_333 : vector<1x128xf32>
    %convert_element_type3A_335 = arith.fptosi %add3A_334 : vector<1x128xf32> to vector<1x128xi32>
    %slice3A_336 = vector.extract_strided_slice %dot_general3A_328 {offsets = [2, 0], sizes = [1, 128], strides = [1, 1]} : vector<3x128xf32> to vector<1x128xf32>
    %gt3A_337 = arith.constant 0.000000e+00 : f32
    %gt3A_338 = vector.broadcast %gt3A_337 : f32 to vector<1x128xf32>
    %gt3A_339 = arith.cmpf ogt, %slice3A_336, %gt3A_338 : vector<1x128xf32>
    %and3A_340 = arith.constant 2047 : i32
    %and3A_341 = vector.broadcast %and3A_340 : i32 to vector<1x128xi32>
    %and3A_342 = arith.andi %add3A_320, %and3A_341 : vector<1x128xi32>
    %select_n3A_343 = arith.select %gt3A_339, %convert_element_type3A_335, %and3A_342 : vector<1x128xi1>, vector<1x128xi32>
    %swap3A_344 = arith.constant 0 : index
    %swap3A_345 = arith.constant 384 : index
    %swap3A_346 = vector.load %arg6[%swap3A_344, %swap3A_345] : memref<1x3072xi32, #tpu.memory_space<vmem>>, vector<1x128xi32>
    tpu.vector_store %arg6[%swap3A_344, %swap3A_345], %select_n3A_343 {strides = array<i32>} : memref<1x3072xi32, #tpu.memory_space<vmem>>, vector<1x128xi32>,
    %iota3A_347 = tpu.iota {dimensions = array<i32: 1>} : vector<1x128xi32>
    %add3A_348 = arith.constant 512 : i32
    %add3A_349 = vector.broadcast %add3A_348 : i32 to vector<1x128xi32>
    %add3A_350 = arith.addi %iota3A_347, %add3A_349 : vector<1x128xi32>
    %convert_element_type3A_351 = arith.sitofp %add3A_350 : vector<1x128xi32> to vector<1x128xf32>
    %eq3A_352 = vector.broadcast %convert_element_type3A_187 : vector<2048x1xf32> to vector<2048x128xf32>
    %eq3A_353 = vector.broadcast %convert_element_type3A_351 : vector<1x128xf32> to vector<2048x128xf32>
    %eq3A_354 = arith.cmpf oeq, %eq3A_352, %eq3A_353 : vector<2048x128xf32>
    %convert_element_type3A_355 = arith.extui %eq3A_354 : vector<2048x128xi1> to vector<2048x128xi32>
    %convert_element_type3A_356 = arith.sitofp %convert_element_type3A_355 : vector<2048x128xi32> to vector<2048x128xf32>
    %dot_general3A_357 = arith.constant dense<0.000000e+00> : vector<3x128xf32>
    %dot_general3A_358 = tpu.matmul %concatenate3A_227, %convert_element_type3A_356, %dot_general3A_357 {dimension_numbers = #tpu.dot_dimension_numbers<[1], [0], [0], [1], [0, 0, 1, 1], [], []>, transpose_lhs_hint = false} : vector<3x2048xf32>, vector<2048x128xf32>, vector<3x128xf32> -> vector<3x128xf32>
    %slice3A_359 = vector.extract_strided_slice %dot_general3A_358 {offsets = [0, 0], sizes = [1, 128], strides = [1, 1]} : vector<3x128xf32> to vector<1x128xf32>
    %mul3A_360 = arith.constant 6.400000e+01 : f32
    %mul3A_361 = vector.broadcast %mul3A_360 : f32 to vector<1x128xf32>
    %mul3A_362 = arith.mulf %slice3A_359, %mul3A_361 : vector<1x128xf32>
    %slice3A_363 = vector.extract_strided_slice %dot_general3A_358 {offsets = [1, 0], sizes = [1, 128], strides = [1, 1]} : vector<3x128xf32> to vector<1x128xf32>
    %add3A_364 = arith.addf %mul3A_362, %slice3A_363 : vector<1x128xf32>
    %convert_element_type3A_365 = arith.fptosi %add3A_364 : vector<1x128xf32> to vector<1x128xi32>
    %slice3A_366 = vector.extract_strided_slice %dot_general3A_358 {offsets = [2, 0], sizes = [1, 128], strides = [1, 1]} : vector<3x128xf32> to vector<1x128xf32>
    %gt3A_367 = arith.constant 0.000000e+00 : f32
    %gt3A_368 = vector.broadcast %gt3A_367 : f32 to vector<1x128xf32>
    %gt3A_369 = arith.cmpf ogt, %slice3A_366, %gt3A_368 : vector<1x128xf32>
    %and3A_370 = arith.constant 2047 : i32
    %and3A_371 = vector.broadcast %and3A_370 : i32 to vector<1x128xi32>
    %and3A_372 = arith.andi %add3A_350, %and3A_371 : vector<1x128xi32>
    %select_n3A_373 = arith.select %gt3A_369, %convert_element_type3A_365, %and3A_372 : vector<1x128xi1>, vector<1x128xi32>
    %swap3A_374 = arith.constant 0 : index
    %swap3A_375 = arith.constant 512 : index
    %swap3A_376 = vector.load %arg6[%swap3A_374, %swap3A_375] : memref<1x3072xi32, #tpu.memory_space<vmem>>, vector<1x128xi32>
    tpu.vector_store %arg6[%swap3A_374, %swap3A_375], %select_n3A_373 {strides = array<i32>} : memref<1x3072xi32, #tpu.memory_space<vmem>>, vector<1x128xi32>,
    %iota3A_377 = tpu.iota {dimensions = array<i32: 1>} : vector<1x128xi32>
    %add3A_378 = arith.constant 640 : i32
    %add3A_379 = vector.broadcast %add3A_378 : i32 to vector<1x128xi32>
    %add3A_380 = arith.addi %iota3A_377, %add3A_379 : vector<1x128xi32>
    %convert_element_type3A_381 = arith.sitofp %add3A_380 : vector<1x128xi32> to vector<1x128xf32>
    %eq3A_382 = vector.broadcast %convert_element_type3A_187 : vector<2048x1xf32> to vector<2048x128xf32>
    %eq3A_383 = vector.broadcast %convert_element_type3A_381 : vector<1x128xf32> to vector<2048x128xf32>
    %eq3A_384 = arith.cmpf oeq, %eq3A_382, %eq3A_383 : vector<2048x128xf32>
    %convert_element_type3A_385 = arith.extui %eq3A_384 : vector<2048x128xi1> to vector<2048x128xi32>
    %convert_element_type3A_386 = arith.sitofp %convert_element_type3A_385 : vector<2048x128xi32> to vector<2048x128xf32>
    %dot_general3A_387 = arith.constant dense<0.000000e+00> : vector<3x128xf32>
    %dot_general3A_388 = tpu.matmul %concatenate3A_227, %convert_element_type3A_386, %dot_general3A_387 {dimension_numbers = #tpu.dot_dimension_numbers<[1], [0], [0], [1], [0, 0, 1, 1], [], []>, transpose_lhs_hint = false} : vector<3x2048xf32>, vector<2048x128xf32>, vector<3x128xf32> -> vector<3x128xf32>
    %slice3A_389 = vector.extract_strided_slice %dot_general3A_388 {offsets = [0, 0], sizes = [1, 128], strides = [1, 1]} : vector<3x128xf32> to vector<1x128xf32>
    %mul3A_390 = arith.constant 6.400000e+01 : f32
    %mul3A_391 = vector.broadcast %mul3A_390 : f32 to vector<1x128xf32>
    %mul3A_392 = arith.mulf %slice3A_389, %mul3A_391 : vector<1x128xf32>
    %slice3A_393 = vector.extract_strided_slice %dot_general3A_388 {offsets = [1, 0], sizes = [1, 128], strides = [1, 1]} : vector<3x128xf32> to vector<1x128xf32>
    %add3A_394 = arith.addf %mul3A_392, %slice3A_393 : vector<1x128xf32>
    %convert_element_type3A_395 = arith.fptosi %add3A_394 : vector<1x128xf32> to vector<1x128xi32>
    %slice3A_396 = vector.extract_strided_slice %dot_general3A_388 {offsets = [2, 0], sizes = [1, 128], strides = [1, 1]} : vector<3x128xf32> to vector<1x128xf32>
    %gt3A_397 = arith.constant 0.000000e+00 : f32
    %gt3A_398 = vector.broadcast %gt3A_397 : f32 to vector<1x128xf32>
    %gt3A_399 = arith.cmpf ogt, %slice3A_396, %gt3A_398 : vector<1x128xf32>
    %and3A_400 = arith.constant 2047 : i32
    %and3A_401 = vector.broadcast %and3A_400 : i32 to vector<1x128xi32>
    %and3A_402 = arith.andi %add3A_380, %and3A_401 : vector<1x128xi32>
    %select_n3A_403 = arith.select %gt3A_399, %convert_element_type3A_395, %and3A_402 : vector<1x128xi1>, vector<1x128xi32>
    %swap3A_404 = arith.constant 0 : index
    %swap3A_405 = arith.constant 640 : index
    %swap3A_406 = vector.load %arg6[%swap3A_404, %swap3A_405] : memref<1x3072xi32, #tpu.memory_space<vmem>>, vector<1x128xi32>
    tpu.vector_store %arg6[%swap3A_404, %swap3A_405], %select_n3A_403 {strides = array<i32>} : memref<1x3072xi32, #tpu.memory_space<vmem>>, vector<1x128xi32>,
    %iota3A_407 = tpu.iota {dimensions = array<i32: 1>} : vector<1x128xi32>
    %add3A_408 = arith.constant 768 : i32
    %add3A_409 = vector.broadcast %add3A_408 : i32 to vector<1x128xi32>
    %add3A_410 = arith.addi %iota3A_407, %add3A_409 : vector<1x128xi32>
    %convert_element_type3A_411 = arith.sitofp %add3A_410 : vector<1x128xi32> to vector<1x128xf32>
    %eq3A_412 = vector.broadcast %convert_element_type3A_187 : vector<2048x1xf32> to vector<2048x128xf32>
    %eq3A_413 = vector.broadcast %convert_element_type3A_411 : vector<1x128xf32> to vector<2048x128xf32>
    %eq3A_414 = arith.cmpf oeq, %eq3A_412, %eq3A_413 : vector<2048x128xf32>
    %convert_element_type3A_415 = arith.extui %eq3A_414 : vector<2048x128xi1> to vector<2048x128xi32>
    %convert_element_type3A_416 = arith.sitofp %convert_element_type3A_415 : vector<2048x128xi32> to vector<2048x128xf32>
    %dot_general3A_417 = arith.constant dense<0.000000e+00> : vector<3x128xf32>
    %dot_general3A_418 = tpu.matmul %concatenate3A_227, %convert_element_type3A_416, %dot_general3A_417 {dimension_numbers = #tpu.dot_dimension_numbers<[1], [0], [0], [1], [0, 0, 1, 1], [], []>, transpose_lhs_hint = false} : vector<3x2048xf32>, vector<2048x128xf32>, vector<3x128xf32> -> vector<3x128xf32>
    %slice3A_419 = vector.extract_strided_slice %dot_general3A_418 {offsets = [0, 0], sizes = [1, 128], strides = [1, 1]} : vector<3x128xf32> to vector<1x128xf32>
    %mul3A_420 = arith.constant 6.400000e+01 : f32
    %mul3A_421 = vector.broadcast %mul3A_420 : f32 to vector<1x128xf32>
    %mul3A_422 = arith.mulf %slice3A_419, %mul3A_421 : vector<1x128xf32>
    %slice3A_423 = vector.extract_strided_slice %dot_general3A_418 {offsets = [1, 0], sizes = [1, 128], strides = [1, 1]} : vector<3x128xf32> to vector<1x128xf32>
    %add3A_424 = arith.addf %mul3A_422, %slice3A_423 : vector<1x128xf32>
    %convert_element_type3A_425 = arith.fptosi %add3A_424 : vector<1x128xf32> to vector<1x128xi32>
    %slice3A_426 = vector.extract_strided_slice %dot_general3A_418 {offsets = [2, 0], sizes = [1, 128], strides = [1, 1]} : vector<3x128xf32> to vector<1x128xf32>
    %gt3A_427 = arith.constant 0.000000e+00 : f32
    %gt3A_428 = vector.broadcast %gt3A_427 : f32 to vector<1x128xf32>
    %gt3A_429 = arith.cmpf ogt, %slice3A_426, %gt3A_428 : vector<1x128xf32>
    %and3A_430 = arith.constant 2047 : i32
    %and3A_431 = vector.broadcast %and3A_430 : i32 to vector<1x128xi32>
    %and3A_432 = arith.andi %add3A_410, %and3A_431 : vector<1x128xi32>
    %select_n3A_433 = arith.select %gt3A_429, %convert_element_type3A_425, %and3A_432 : vector<1x128xi1>, vector<1x128xi32>
    %swap3A_434 = arith.constant 0 : index
    %swap3A_435 = arith.constant 768 : index
    %swap3A_436 = vector.load %arg6[%swap3A_434, %swap3A_435] : memref<1x3072xi32, #tpu.memory_space<vmem>>, vector<1x128xi32>
    tpu.vector_store %arg6[%swap3A_434, %swap3A_435], %select_n3A_433 {strides = array<i32>} : memref<1x3072xi32, #tpu.memory_space<vmem>>, vector<1x128xi32>,
    %iota3A_437 = tpu.iota {dimensions = array<i32: 1>} : vector<1x128xi32>
    %add3A_438 = arith.constant 896 : i32
    %add3A_439 = vector.broadcast %add3A_438 : i32 to vector<1x128xi32>
    %add3A_440 = arith.addi %iota3A_437, %add3A_439 : vector<1x128xi32>
    %convert_element_type3A_441 = arith.sitofp %add3A_440 : vector<1x128xi32> to vector<1x128xf32>
    %eq3A_442 = vector.broadcast %convert_element_type3A_187 : vector<2048x1xf32> to vector<2048x128xf32>
    %eq3A_443 = vector.broadcast %convert_element_type3A_441 : vector<1x128xf32> to vector<2048x128xf32>
    %eq3A_444 = arith.cmpf oeq, %eq3A_442, %eq3A_443 : vector<2048x128xf32>
    %convert_element_type3A_445 = arith.extui %eq3A_444 : vector<2048x128xi1> to vector<2048x128xi32>
    %convert_element_type3A_446 = arith.sitofp %convert_element_type3A_445 : vector<2048x128xi32> to vector<2048x128xf32>
    %dot_general3A_447 = arith.constant dense<0.000000e+00> : vector<3x128xf32>
    %dot_general3A_448 = tpu.matmul %concatenate3A_227, %convert_element_type3A_446, %dot_general3A_447 {dimension_numbers = #tpu.dot_dimension_numbers<[1], [0], [0], [1], [0, 0, 1, 1], [], []>, transpose_lhs_hint = false} : vector<3x2048xf32>, vector<2048x128xf32>, vector<3x128xf32> -> vector<3x128xf32>
    %slice3A_449 = vector.extract_strided_slice %dot_general3A_448 {offsets = [0, 0], sizes = [1, 128], strides = [1, 1]} : vector<3x128xf32> to vector<1x128xf32>
    %mul3A_450 = arith.constant 6.400000e+01 : f32
    %mul3A_451 = vector.broadcast %mul3A_450 : f32 to vector<1x128xf32>
    %mul3A_452 = arith.mulf %slice3A_449, %mul3A_451 : vector<1x128xf32>
    %slice3A_453 = vector.extract_strided_slice %dot_general3A_448 {offsets = [1, 0], sizes = [1, 128], strides = [1, 1]} : vector<3x128xf32> to vector<1x128xf32>
    %add3A_454 = arith.addf %mul3A_452, %slice3A_453 : vector<1x128xf32>
    %convert_element_type3A_455 = arith.fptosi %add3A_454 : vector<1x128xf32> to vector<1x128xi32>
    %slice3A_456 = vector.extract_strided_slice %dot_general3A_448 {offsets = [2, 0], sizes = [1, 128], strides = [1, 1]} : vector<3x128xf32> to vector<1x128xf32>
    %gt3A_457 = arith.constant 0.000000e+00 : f32
    %gt3A_458 = vector.broadcast %gt3A_457 : f32 to vector<1x128xf32>
    %gt3A_459 = arith.cmpf ogt, %slice3A_456, %gt3A_458 : vector<1x128xf32>
    %and3A_460 = arith.constant 2047 : i32
    %and3A_461 = vector.broadcast %and3A_460 : i32 to vector<1x128xi32>
    %and3A_462 = arith.andi %add3A_440, %and3A_461 : vector<1x128xi32>
    %select_n3A_463 = arith.select %gt3A_459, %convert_element_type3A_455, %and3A_462 : vector<1x128xi1>, vector<1x128xi32>
    %swap3A_464 = arith.constant 0 : index
    %swap3A_465 = arith.constant 896 : index
    %swap3A_466 = vector.load %arg6[%swap3A_464, %swap3A_465] : memref<1x3072xi32, #tpu.memory_space<vmem>>, vector<1x128xi32>
    tpu.vector_store %arg6[%swap3A_464, %swap3A_465], %select_n3A_463 {strides = array<i32>} : memref<1x3072xi32, #tpu.memory_space<vmem>>, vector<1x128xi32>,
    %iota3A_467 = tpu.iota {dimensions = array<i32: 1>} : vector<1x128xi32>
    %add3A_468 = arith.constant 1024 : i32
    %add3A_469 = vector.broadcast %add3A_468 : i32 to vector<1x128xi32>
    %add3A_470 = arith.addi %iota3A_467, %add3A_469 : vector<1x128xi32>
    %convert_element_type3A_471 = arith.sitofp %add3A_470 : vector<1x128xi32> to vector<1x128xf32>
    %eq3A_472 = vector.broadcast %convert_element_type3A_187 : vector<2048x1xf32> to vector<2048x128xf32>
    %eq3A_473 = vector.broadcast %convert_element_type3A_471 : vector<1x128xf32> to vector<2048x128xf32>
    %eq3A_474 = arith.cmpf oeq, %eq3A_472, %eq3A_473 : vector<2048x128xf32>
    %convert_element_type3A_475 = arith.extui %eq3A_474 : vector<2048x128xi1> to vector<2048x128xi32>
    %convert_element_type3A_476 = arith.sitofp %convert_element_type3A_475 : vector<2048x128xi32> to vector<2048x128xf32>
    %dot_general3A_477 = arith.constant dense<0.000000e+00> : vector<3x128xf32>
    %dot_general3A_478 = tpu.matmul %concatenate3A_227, %convert_element_type3A_476, %dot_general3A_477 {dimension_numbers = #tpu.dot_dimension_numbers<[1], [0], [0], [1], [0, 0, 1, 1], [], []>, transpose_lhs_hint = false} : vector<3x2048xf32>, vector<2048x128xf32>, vector<3x128xf32> -> vector<3x128xf32>
    %slice3A_479 = vector.extract_strided_slice %dot_general3A_478 {offsets = [0, 0], sizes = [1, 128], strides = [1, 1]} : vector<3x128xf32> to vector<1x128xf32>
    %mul3A_480 = arith.constant 6.400000e+01 : f32
    %mul3A_481 = vector.broadcast %mul3A_480 : f32 to vector<1x128xf32>
    %mul3A_482 = arith.mulf %slice3A_479, %mul3A_481 : vector<1x128xf32>
    %slice3A_483 = vector.extract_strided_slice %dot_general3A_478 {offsets = [1, 0], sizes = [1, 128], strides = [1, 1]} : vector<3x128xf32> to vector<1x128xf32>
    %add3A_484 = arith.addf %mul3A_482, %slice3A_483 : vector<1x128xf32>
    %convert_element_type3A_485 = arith.fptosi %add3A_484 : vector<1x128xf32> to vector<1x128xi32>
    %slice3A_486 = vector.extract_strided_slice %dot_general3A_478 {offsets = [2, 0], sizes = [1, 128], strides = [1, 1]} : vector<3x128xf32> to vector<1x128xf32>
    %gt3A_487 = arith.constant 0.000000e+00 : f32
    %gt3A_488 = vector.broadcast %gt3A_487 : f32 to vector<1x128xf32>
    %gt3A_489 = arith.cmpf ogt, %slice3A_486, %gt3A_488 : vector<1x128xf32>
    %and3A_490 = arith.constant 2047 : i32
    %and3A_491 = vector.broadcast %and3A_490 : i32 to vector<1x128xi32>
    %and3A_492 = arith.andi %add3A_470, %and3A_491 : vector<1x128xi32>
    %select_n3A_493 = arith.select %gt3A_489, %convert_element_type3A_485, %and3A_492 : vector<1x128xi1>, vector<1x128xi32>
    %swap3A_494 = arith.constant 0 : index
    %swap3A_495 = arith.constant 1024 : index
    %swap3A_496 = vector.load %arg6[%swap3A_494, %swap3A_495] : memref<1x3072xi32, #tpu.memory_space<vmem>>, vector<1x128xi32>
    tpu.vector_store %arg6[%swap3A_494, %swap3A_495], %select_n3A_493 {strides = array<i32>} : memref<1x3072xi32, #tpu.memory_space<vmem>>, vector<1x128xi32>,
    %iota3A_497 = tpu.iota {dimensions = array<i32: 1>} : vector<1x128xi32>
    %add3A_498 = arith.constant 1152 : i32
    %add3A_499 = vector.broadcast %add3A_498 : i32 to vector<1x128xi32>
    %add3A_500 = arith.addi %iota3A_497, %add3A_499 : vector<1x128xi32>
    %convert_element_type3A_501 = arith.sitofp %add3A_500 : vector<1x128xi32> to vector<1x128xf32>
    %eq3A_502 = vector.broadcast %convert_element_type3A_187 : vector<2048x1xf32> to vector<2048x128xf32>
    %eq3A_503 = vector.broadcast %convert_element_type3A_501 : vector<1x128xf32> to vector<2048x128xf32>
    %eq3A_504 = arith.cmpf oeq, %eq3A_502, %eq3A_503 : vector<2048x128xf32>
    %convert_element_type3A_505 = arith.extui %eq3A_504 : vector<2048x128xi1> to vector<2048x128xi32>
    %convert_element_type3A_506 = arith.sitofp %convert_element_type3A_505 : vector<2048x128xi32> to vector<2048x128xf32>
    %dot_general3A_507 = arith.constant dense<0.000000e+00> : vector<3x128xf32>
    %dot_general3A_508 = tpu.matmul %concatenate3A_227, %convert_element_type3A_506, %dot_general3A_507 {dimension_numbers = #tpu.dot_dimension_numbers<[1], [0], [0], [1], [0, 0, 1, 1], [], []>, transpose_lhs_hint = false} : vector<3x2048xf32>, vector<2048x128xf32>, vector<3x128xf32> -> vector<3x128xf32>
    %slice3A_509 = vector.extract_strided_slice %dot_general3A_508 {offsets = [0, 0], sizes = [1, 128], strides = [1, 1]} : vector<3x128xf32> to vector<1x128xf32>
    %mul3A_510 = arith.constant 6.400000e+01 : f32
    %mul3A_511 = vector.broadcast %mul3A_510 : f32 to vector<1x128xf32>
    %mul3A_512 = arith.mulf %slice3A_509, %mul3A_511 : vector<1x128xf32>
    %slice3A_513 = vector.extract_strided_slice %dot_general3A_508 {offsets = [1, 0], sizes = [1, 128], strides = [1, 1]} : vector<3x128xf32> to vector<1x128xf32>
    %add3A_514 = arith.addf %mul3A_512, %slice3A_513 : vector<1x128xf32>
    %convert_element_type3A_515 = arith.fptosi %add3A_514 : vector<1x128xf32> to vector<1x128xi32>
    %slice3A_516 = vector.extract_strided_slice %dot_general3A_508 {offsets = [2, 0], sizes = [1, 128], strides = [1, 1]} : vector<3x128xf32> to vector<1x128xf32>
    %gt3A_517 = arith.constant 0.000000e+00 : f32
    %gt3A_518 = vector.broadcast %gt3A_517 : f32 to vector<1x128xf32>
    %gt3A_519 = arith.cmpf ogt, %slice3A_516, %gt3A_518 : vector<1x128xf32>
    %and3A_520 = arith.constant 2047 : i32
    %and3A_521 = vector.broadcast %and3A_520 : i32 to vector<1x128xi32>
    %and3A_522 = arith.andi %add3A_500, %and3A_521 : vector<1x128xi32>
    %select_n3A_523 = arith.select %gt3A_519, %convert_element_type3A_515, %and3A_522 : vector<1x128xi1>, vector<1x128xi32>
    %swap3A_524 = arith.constant 0 : index
    %swap3A_525 = arith.constant 1152 : index
    %swap3A_526 = vector.load %arg6[%swap3A_524, %swap3A_525] : memref<1x3072xi32, #tpu.memory_space<vmem>>, vector<1x128xi32>
    tpu.vector_store %arg6[%swap3A_524, %swap3A_525], %select_n3A_523 {strides = array<i32>} : memref<1x3072xi32, #tpu.memory_space<vmem>>, vector<1x128xi32>,
    %iota3A_527 = tpu.iota {dimensions = array<i32: 1>} : vector<1x128xi32>
    %add3A_528 = arith.constant 1280 : i32
    %add3A_529 = vector.broadcast %add3A_528 : i32 to vector<1x128xi32>
    %add3A_530 = arith.addi %iota3A_527, %add3A_529 : vector<1x128xi32>
    %convert_element_type3A_531 = arith.sitofp %add3A_530 : vector<1x128xi32> to vector<1x128xf32>
    %eq3A_532 = vector.broadcast %convert_element_type3A_187 : vector<2048x1xf32> to vector<2048x128xf32>
    %eq3A_533 = vector.broadcast %convert_element_type3A_531 : vector<1x128xf32> to vector<2048x128xf32>
    %eq3A_534 = arith.cmpf oeq, %eq3A_532, %eq3A_533 : vector<2048x128xf32>
    %convert_element_type3A_535 = arith.extui %eq3A_534 : vector<2048x128xi1> to vector<2048x128xi32>
    %convert_element_type3A_536 = arith.sitofp %convert_element_type3A_535 : vector<2048x128xi32> to vector<2048x128xf32>
    %dot_general3A_537 = arith.constant dense<0.000000e+00> : vector<3x128xf32>
    %dot_general3A_538 = tpu.matmul %concatenate3A_227, %convert_element_type3A_536, %dot_general3A_537 {dimension_numbers = #tpu.dot_dimension_numbers<[1], [0], [0], [1], [0, 0, 1, 1], [], []>, transpose_lhs_hint = false} : vector<3x2048xf32>, vector<2048x128xf32>, vector<3x128xf32> -> vector<3x128xf32>
    %slice3A_539 = vector.extract_strided_slice %dot_general3A_538 {offsets = [0, 0], sizes = [1, 128], strides = [1, 1]} : vector<3x128xf32> to vector<1x128xf32>
    %mul3A_540 = arith.constant 6.400000e+01 : f32
    %mul3A_541 = vector.broadcast %mul3A_540 : f32 to vector<1x128xf32>
    %mul3A_542 = arith.mulf %slice3A_539, %mul3A_541 : vector<1x128xf32>
    %slice3A_543 = vector.extract_strided_slice %dot_general3A_538 {offsets = [1, 0], sizes = [1, 128], strides = [1, 1]} : vector<3x128xf32> to vector<1x128xf32>
    %add3A_544 = arith.addf %mul3A_542, %slice3A_543 : vector<1x128xf32>
    %convert_element_type3A_545 = arith.fptosi %add3A_544 : vector<1x128xf32> to vector<1x128xi32>
    %slice3A_546 = vector.extract_strided_slice %dot_general3A_538 {offsets = [2, 0], sizes = [1, 128], strides = [1, 1]} : vector<3x128xf32> to vector<1x128xf32>
    %gt3A_547 = arith.constant 0.000000e+00 : f32
    %gt3A_548 = vector.broadcast %gt3A_547 : f32 to vector<1x128xf32>
    %gt3A_549 = arith.cmpf ogt, %slice3A_546, %gt3A_548 : vector<1x128xf32>
    %and3A_550 = arith.constant 2047 : i32
    %and3A_551 = vector.broadcast %and3A_550 : i32 to vector<1x128xi32>
    %and3A_552 = arith.andi %add3A_530, %and3A_551 : vector<1x128xi32>
    %select_n3A_553 = arith.select %gt3A_549, %convert_element_type3A_545, %and3A_552 : vector<1x128xi1>, vector<1x128xi32>
    %swap3A_554 = arith.constant 0 : index
    %swap3A_555 = arith.constant 1280 : index
    %swap3A_556 = vector.load %arg6[%swap3A_554, %swap3A_555] : memref<1x3072xi32, #tpu.memory_space<vmem>>, vector<1x128xi32>
    tpu.vector_store %arg6[%swap3A_554, %swap3A_555], %select_n3A_553 {strides = array<i32>} : memref<1x3072xi32, #tpu.memory_space<vmem>>, vector<1x128xi32>,
    %iota3A_557 = tpu.iota {dimensions = array<i32: 1>} : vector<1x128xi32>
    %add3A_558 = arith.constant 1408 : i32
    %add3A_559 = vector.broadcast %add3A_558 : i32 to vector<1x128xi32>
    %add3A_560 = arith.addi %iota3A_557, %add3A_559 : vector<1x128xi32>
    %convert_element_type3A_561 = arith.sitofp %add3A_560 : vector<1x128xi32> to vector<1x128xf32>
    %eq3A_562 = vector.broadcast %convert_element_type3A_187 : vector<2048x1xf32> to vector<2048x128xf32>
    %eq3A_563 = vector.broadcast %convert_element_type3A_561 : vector<1x128xf32> to vector<2048x128xf32>
    %eq3A_564 = arith.cmpf oeq, %eq3A_562, %eq3A_563 : vector<2048x128xf32>
    %convert_element_type3A_565 = arith.extui %eq3A_564 : vector<2048x128xi1> to vector<2048x128xi32>
    %convert_element_type3A_566 = arith.sitofp %convert_element_type3A_565 : vector<2048x128xi32> to vector<2048x128xf32>
    %dot_general3A_567 = arith.constant dense<0.000000e+00> : vector<3x128xf32>
    %dot_general3A_568 = tpu.matmul %concatenate3A_227, %convert_element_type3A_566, %dot_general3A_567 {dimension_numbers = #tpu.dot_dimension_numbers<[1], [0], [0], [1], [0, 0, 1, 1], [], []>, transpose_lhs_hint = false} : vector<3x2048xf32>, vector<2048x128xf32>, vector<3x128xf32> -> vector<3x128xf32>
    %slice3A_569 = vector.extract_strided_slice %dot_general3A_568 {offsets = [0, 0], sizes = [1, 128], strides = [1, 1]} : vector<3x128xf32> to vector<1x128xf32>
    %mul3A_570 = arith.constant 6.400000e+01 : f32
    %mul3A_571 = vector.broadcast %mul3A_570 : f32 to vector<1x128xf32>
    %mul3A_572 = arith.mulf %slice3A_569, %mul3A_571 : vector<1x128xf32>
    %slice3A_573 = vector.extract_strided_slice %dot_general3A_568 {offsets = [1, 0], sizes = [1, 128], strides = [1, 1]} : vector<3x128xf32> to vector<1x128xf32>
    %add3A_574 = arith.addf %mul3A_572, %slice3A_573 : vector<1x128xf32>
    %convert_element_type3A_575 = arith.fptosi %add3A_574 : vector<1x128xf32> to vector<1x128xi32>
    %slice3A_576 = vector.extract_strided_slice %dot_general3A_568 {offsets = [2, 0], sizes = [1, 128], strides = [1, 1]} : vector<3x128xf32> to vector<1x128xf32>
    %gt3A_577 = arith.constant 0.000000e+00 : f32
    %gt3A_578 = vector.broadcast %gt3A_577 : f32 to vector<1x128xf32>
    %gt3A_579 = arith.cmpf ogt, %slice3A_576, %gt3A_578 : vector<1x128xf32>
    %and3A_580 = arith.constant 2047 : i32
    %and3A_581 = vector.broadcast %and3A_580 : i32 to vector<1x128xi32>
    %and3A_582 = arith.andi %add3A_560, %and3A_581 : vector<1x128xi32>
    %select_n3A_583 = arith.select %gt3A_579, %convert_element_type3A_575, %and3A_582 : vector<1x128xi1>, vector<1x128xi32>
    %swap3A_584 = arith.constant 0 : index
    %swap3A_585 = arith.constant 1408 : index
    %swap3A_586 = vector.load %arg6[%swap3A_584, %swap3A_585] : memref<1x3072xi32, #tpu.memory_space<vmem>>, vector<1x128xi32>
    tpu.vector_store %arg6[%swap3A_584, %swap3A_585], %select_n3A_583 {strides = array<i32>} : memref<1x3072xi32, #tpu.memory_space<vmem>>, vector<1x128xi32>,
    %iota3A_587 = tpu.iota {dimensions = array<i32: 1>} : vector<1x128xi32>
    %add3A_588 = arith.constant 1536 : i32
    %add3A_589 = vector.broadcast %add3A_588 : i32 to vector<1x128xi32>
    %add3A_590 = arith.addi %iota3A_587, %add3A_589 : vector<1x128xi32>
    %convert_element_type3A_591 = arith.sitofp %add3A_590 : vector<1x128xi32> to vector<1x128xf32>
    %eq3A_592 = vector.broadcast %convert_element_type3A_187 : vector<2048x1xf32> to vector<2048x128xf32>
    %eq3A_593 = vector.broadcast %convert_element_type3A_591 : vector<1x128xf32> to vector<2048x128xf32>
    %eq3A_594 = arith.cmpf oeq, %eq3A_592, %eq3A_593 : vector<2048x128xf32>
    %convert_element_type3A_595 = arith.extui %eq3A_594 : vector<2048x128xi1> to vector<2048x128xi32>
    %convert_element_type3A_596 = arith.sitofp %convert_element_type3A_595 : vector<2048x128xi32> to vector<2048x128xf32>
    %dot_general3A_597 = arith.constant dense<0.000000e+00> : vector<3x128xf32>
    %dot_general3A_598 = tpu.matmul %concatenate3A_227, %convert_element_type3A_596, %dot_general3A_597 {dimension_numbers = #tpu.dot_dimension_numbers<[1], [0], [0], [1], [0, 0, 1, 1], [], []>, transpose_lhs_hint = false} : vector<3x2048xf32>, vector<2048x128xf32>, vector<3x128xf32> -> vector<3x128xf32>
    %slice3A_599 = vector.extract_strided_slice %dot_general3A_598 {offsets = [0, 0], sizes = [1, 128], strides = [1, 1]} : vector<3x128xf32> to vector<1x128xf32>
    %mul3A_600 = arith.constant 6.400000e+01 : f32
    %mul3A_601 = vector.broadcast %mul3A_600 : f32 to vector<1x128xf32>
    %mul3A_602 = arith.mulf %slice3A_599, %mul3A_601 : vector<1x128xf32>
    %slice3A_603 = vector.extract_strided_slice %dot_general3A_598 {offsets = [1, 0], sizes = [1, 128], strides = [1, 1]} : vector<3x128xf32> to vector<1x128xf32>
    %add3A_604 = arith.addf %mul3A_602, %slice3A_603 : vector<1x128xf32>
    %convert_element_type3A_605 = arith.fptosi %add3A_604 : vector<1x128xf32> to vector<1x128xi32>
    %slice3A_606 = vector.extract_strided_slice %dot_general3A_598 {offsets = [2, 0], sizes = [1, 128], strides = [1, 1]} : vector<3x128xf32> to vector<1x128xf32>
    %gt3A_607 = arith.constant 0.000000e+00 : f32
    %gt3A_608 = vector.broadcast %gt3A_607 : f32 to vector<1x128xf32>
    %gt3A_609 = arith.cmpf ogt, %slice3A_606, %gt3A_608 : vector<1x128xf32>
    %and3A_610 = arith.constant 2047 : i32
    %and3A_611 = vector.broadcast %and3A_610 : i32 to vector<1x128xi32>
    %and3A_612 = arith.andi %add3A_590, %and3A_611 : vector<1x128xi32>
    %select_n3A_613 = arith.select %gt3A_609, %convert_element_type3A_605, %and3A_612 : vector<1x128xi1>, vector<1x128xi32>
    %swap3A_614 = arith.constant 0 : index
    %swap3A_615 = arith.constant 1536 : index
    %swap3A_616 = vector.load %arg6[%swap3A_614, %swap3A_615] : memref<1x3072xi32, #tpu.memory_space<vmem>>, vector<1x128xi32>
    tpu.vector_store %arg6[%swap3A_614, %swap3A_615], %select_n3A_613 {strides = array<i32>} : memref<1x3072xi32, #tpu.memory_space<vmem>>, vector<1x128xi32>,
    %iota3A_617 = tpu.iota {dimensions = array<i32: 1>} : vector<1x128xi32>
    %add3A_618 = arith.constant 1664 : i32
    %add3A_619 = vector.broadcast %add3A_618 : i32 to vector<1x128xi32>
    %add3A_620 = arith.addi %iota3A_617, %add3A_619 : vector<1x128xi32>
    %convert_element_type3A_621 = arith.sitofp %add3A_620 : vector<1x128xi32> to vector<1x128xf32>
    %eq3A_622 = vector.broadcast %convert_element_type3A_187 : vector<2048x1xf32> to vector<2048x128xf32>
    %eq3A_623 = vector.broadcast %convert_element_type3A_621 : vector<1x128xf32> to vector<2048x128xf32>
    %eq3A_624 = arith.cmpf oeq, %eq3A_622, %eq3A_623 : vector<2048x128xf32>
    %convert_element_type3A_625 = arith.extui %eq3A_624 : vector<2048x128xi1> to vector<2048x128xi32>
    %convert_element_type3A_626 = arith.sitofp %convert_element_type3A_625 : vector<2048x128xi32> to vector<2048x128xf32>
    %dot_general3A_627 = arith.constant dense<0.000000e+00> : vector<3x128xf32>
    %dot_general3A_628 = tpu.matmul %concatenate3A_227, %convert_element_type3A_626, %dot_general3A_627 {dimension_numbers = #tpu.dot_dimension_numbers<[1], [0], [0], [1], [0, 0, 1, 1], [], []>, transpose_lhs_hint = false} : vector<3x2048xf32>, vector<2048x128xf32>, vector<3x128xf32> -> vector<3x128xf32>
    %slice3A_629 = vector.extract_strided_slice %dot_general3A_628 {offsets = [0, 0], sizes = [1, 128], strides = [1, 1]} : vector<3x128xf32> to vector<1x128xf32>
    %mul3A_630 = arith.constant 6.400000e+01 : f32
    %mul3A_631 = vector.broadcast %mul3A_630 : f32 to vector<1x128xf32>
    %mul3A_632 = arith.mulf %slice3A_629, %mul3A_631 : vector<1x128xf32>
    %slice3A_633 = vector.extract_strided_slice %dot_general3A_628 {offsets = [1, 0], sizes = [1, 128], strides = [1, 1]} : vector<3x128xf32> to vector<1x128xf32>
    %add3A_634 = arith.addf %mul3A_632, %slice3A_633 : vector<1x128xf32>
    %convert_element_type3A_635 = arith.fptosi %add3A_634 : vector<1x128xf32> to vector<1x128xi32>
    %slice3A_636 = vector.extract_strided_slice %dot_general3A_628 {offsets = [2, 0], sizes = [1, 128], strides = [1, 1]} : vector<3x128xf32> to vector<1x128xf32>
    %gt3A_637 = arith.constant 0.000000e+00 : f32
    %gt3A_638 = vector.broadcast %gt3A_637 : f32 to vector<1x128xf32>
    %gt3A_639 = arith.cmpf ogt, %slice3A_636, %gt3A_638 : vector<1x128xf32>
    %and3A_640 = arith.constant 2047 : i32
    %and3A_641 = vector.broadcast %and3A_640 : i32 to vector<1x128xi32>
    %and3A_642 = arith.andi %add3A_620, %and3A_641 : vector<1x128xi32>
    %select_n3A_643 = arith.select %gt3A_639, %convert_element_type3A_635, %and3A_642 : vector<1x128xi1>, vector<1x128xi32>
    %swap3A_644 = arith.constant 0 : index
    %swap3A_645 = arith.constant 1664 : index
    %swap3A_646 = vector.load %arg6[%swap3A_644, %swap3A_645] : memref<1x3072xi32, #tpu.memory_space<vmem>>, vector<1x128xi32>
    tpu.vector_store %arg6[%swap3A_644, %swap3A_645], %select_n3A_643 {strides = array<i32>} : memref<1x3072xi32, #tpu.memory_space<vmem>>, vector<1x128xi32>,
    %iota3A_647 = tpu.iota {dimensions = array<i32: 1>} : vector<1x128xi32>
    %add3A_648 = arith.constant 1792 : i32
    %add3A_649 = vector.broadcast %add3A_648 : i32 to vector<1x128xi32>
    %add3A_650 = arith.addi %iota3A_647, %add3A_649 : vector<1x128xi32>
    %convert_element_type3A_651 = arith.sitofp %add3A_650 : vector<1x128xi32> to vector<1x128xf32>
    %eq3A_652 = vector.broadcast %convert_element_type3A_187 : vector<2048x1xf32> to vector<2048x128xf32>
    %eq3A_653 = vector.broadcast %convert_element_type3A_651 : vector<1x128xf32> to vector<2048x128xf32>
    %eq3A_654 = arith.cmpf oeq, %eq3A_652, %eq3A_653 : vector<2048x128xf32>
    %convert_element_type3A_655 = arith.extui %eq3A_654 : vector<2048x128xi1> to vector<2048x128xi32>
    %convert_element_type3A_656 = arith.sitofp %convert_element_type3A_655 : vector<2048x128xi32> to vector<2048x128xf32>
    %dot_general3A_657 = arith.constant dense<0.000000e+00> : vector<3x128xf32>
    %dot_general3A_658 = tpu.matmul %concatenate3A_227, %convert_element_type3A_656, %dot_general3A_657 {dimension_numbers = #tpu.dot_dimension_numbers<[1], [0], [0], [1], [0, 0, 1, 1], [], []>, transpose_lhs_hint = false} : vector<3x2048xf32>, vector<2048x128xf32>, vector<3x128xf32> -> vector<3x128xf32>
    %slice3A_659 = vector.extract_strided_slice %dot_general3A_658 {offsets = [0, 0], sizes = [1, 128], strides = [1, 1]} : vector<3x128xf32> to vector<1x128xf32>
    %mul3A_660 = arith.constant 6.400000e+01 : f32
    %mul3A_661 = vector.broadcast %mul3A_660 : f32 to vector<1x128xf32>
    %mul3A_662 = arith.mulf %slice3A_659, %mul3A_661 : vector<1x128xf32>
    %slice3A_663 = vector.extract_strided_slice %dot_general3A_658 {offsets = [1, 0], sizes = [1, 128], strides = [1, 1]} : vector<3x128xf32> to vector<1x128xf32>
    %add3A_664 = arith.addf %mul3A_662, %slice3A_663 : vector<1x128xf32>
    %convert_element_type3A_665 = arith.fptosi %add3A_664 : vector<1x128xf32> to vector<1x128xi32>
    %slice3A_666 = vector.extract_strided_slice %dot_general3A_658 {offsets = [2, 0], sizes = [1, 128], strides = [1, 1]} : vector<3x128xf32> to vector<1x128xf32>
    %gt3A_667 = arith.constant 0.000000e+00 : f32
    %gt3A_668 = vector.broadcast %gt3A_667 : f32 to vector<1x128xf32>
    %gt3A_669 = arith.cmpf ogt, %slice3A_666, %gt3A_668 : vector<1x128xf32>
    %and3A_670 = arith.constant 2047 : i32
    %and3A_671 = vector.broadcast %and3A_670 : i32 to vector<1x128xi32>
    %and3A_672 = arith.andi %add3A_650, %and3A_671 : vector<1x128xi32>
    %select_n3A_673 = arith.select %gt3A_669, %convert_element_type3A_665, %and3A_672 : vector<1x128xi1>, vector<1x128xi32>
    %swap3A_674 = arith.constant 0 : index
    %swap3A_675 = arith.constant 1792 : index
    %swap3A_676 = vector.load %arg6[%swap3A_674, %swap3A_675] : memref<1x3072xi32, #tpu.memory_space<vmem>>, vector<1x128xi32>
    tpu.vector_store %arg6[%swap3A_674, %swap3A_675], %select_n3A_673 {strides = array<i32>} : memref<1x3072xi32, #tpu.memory_space<vmem>>, vector<1x128xi32>,
    %iota3A_677 = tpu.iota {dimensions = array<i32: 1>} : vector<1x128xi32>
    %add3A_678 = arith.constant 1920 : i32
    %add3A_679 = vector.broadcast %add3A_678 : i32 to vector<1x128xi32>
    %add3A_680 = arith.addi %iota3A_677, %add3A_679 : vector<1x128xi32>
    %convert_element_type3A_681 = arith.sitofp %add3A_680 : vector<1x128xi32> to vector<1x128xf32>
    %eq3A_682 = vector.broadcast %convert_element_type3A_187 : vector<2048x1xf32> to vector<2048x128xf32>
    %eq3A_683 = vector.broadcast %convert_element_type3A_681 : vector<1x128xf32> to vector<2048x128xf32>
    %eq3A_684 = arith.cmpf oeq, %eq3A_682, %eq3A_683 : vector<2048x128xf32>
    %convert_element_type3A_685 = arith.extui %eq3A_684 : vector<2048x128xi1> to vector<2048x128xi32>
    %convert_element_type3A_686 = arith.sitofp %convert_element_type3A_685 : vector<2048x128xi32> to vector<2048x128xf32>
    %dot_general3A_687 = arith.constant dense<0.000000e+00> : vector<3x128xf32>
    %dot_general3A_688 = tpu.matmul %concatenate3A_227, %convert_element_type3A_686, %dot_general3A_687 {dimension_numbers = #tpu.dot_dimension_numbers<[1], [0], [0], [1], [0, 0, 1, 1], [], []>, transpose_lhs_hint = false} : vector<3x2048xf32>, vector<2048x128xf32>, vector<3x128xf32> -> vector<3x128xf32>
    %slice3A_689 = vector.extract_strided_slice %dot_general3A_688 {offsets = [0, 0], sizes = [1, 128], strides = [1, 1]} : vector<3x128xf32> to vector<1x128xf32>
    %mul3A_690 = arith.constant 6.400000e+01 : f32
    %mul3A_691 = vector.broadcast %mul3A_690 : f32 to vector<1x128xf32>
    %mul3A_692 = arith.mulf %slice3A_689, %mul3A_691 : vector<1x128xf32>
    %slice3A_693 = vector.extract_strided_slice %dot_general3A_688 {offsets = [1, 0], sizes = [1, 128], strides = [1, 1]} : vector<3x128xf32> to vector<1x128xf32>
    %add3A_694 = arith.addf %mul3A_692, %slice3A_693 : vector<1x128xf32>
    %convert_element_type3A_695 = arith.fptosi %add3A_694 : vector<1x128xf32> to vector<1x128xi32>
    %slice3A_696 = vector.extract_strided_slice %dot_general3A_688 {offsets = [2, 0], sizes = [1, 128], strides = [1, 1]} : vector<3x128xf32> to vector<1x128xf32>
    %gt3A_697 = arith.constant 0.000000e+00 : f32
    %gt3A_698 = vector.broadcast %gt3A_697 : f32 to vector<1x128xf32>
    %gt3A_699 = arith.cmpf ogt, %slice3A_696, %gt3A_698 : vector<1x128xf32>
    %and3A_700 = arith.constant 2047 : i32
    %and3A_701 = vector.broadcast %and3A_700 : i32 to vector<1x128xi32>
    %and3A_702 = arith.andi %add3A_680, %and3A_701 : vector<1x128xi32>
    %select_n3A_703 = arith.select %gt3A_699, %convert_element_type3A_695, %and3A_702 : vector<1x128xi1>, vector<1x128xi32>
    %swap3A_704 = arith.constant 0 : index
    %swap3A_705 = arith.constant 1920 : index
    %swap3A_706 = vector.load %arg6[%swap3A_704, %swap3A_705] : memref<1x3072xi32, #tpu.memory_space<vmem>>, vector<1x128xi32>
    tpu.vector_store %arg6[%swap3A_704, %swap3A_705], %select_n3A_703 {strides = array<i32>} : memref<1x3072xi32, #tpu.memory_space<vmem>>, vector<1x128xi32>,
    %iota3A_707 = tpu.iota {dimensions = array<i32: 1>} : vector<1x128xi32>
    %add3A_708 = arith.constant 2048 : i32
    %add3A_709 = vector.broadcast %add3A_708 : i32 to vector<1x128xi32>
    %add3A_710 = arith.addi %iota3A_707, %add3A_709 : vector<1x128xi32>
    %convert_element_type3A_711 = arith.sitofp %add3A_710 : vector<1x128xi32> to vector<1x128xf32>
    %eq3A_712 = vector.broadcast %convert_element_type3A_187 : vector<2048x1xf32> to vector<2048x128xf32>
    %eq3A_713 = vector.broadcast %convert_element_type3A_711 : vector<1x128xf32> to vector<2048x128xf32>
    %eq3A_714 = arith.cmpf oeq, %eq3A_712, %eq3A_713 : vector<2048x128xf32>
    %convert_element_type3A_715 = arith.extui %eq3A_714 : vector<2048x128xi1> to vector<2048x128xi32>
    %convert_element_type3A_716 = arith.sitofp %convert_element_type3A_715 : vector<2048x128xi32> to vector<2048x128xf32>
    %dot_general3A_717 = arith.constant dense<0.000000e+00> : vector<3x128xf32>
    %dot_general3A_718 = tpu.matmul %concatenate3A_227, %convert_element_type3A_716, %dot_general3A_717 {dimension_numbers = #tpu.dot_dimension_numbers<[1], [0], [0], [1], [0, 0, 1, 1], [], []>, transpose_lhs_hint = false} : vector<3x2048xf32>, vector<2048x128xf32>, vector<3x128xf32> -> vector<3x128xf32>
    %slice3A_719 = vector.extract_strided_slice %dot_general3A_718 {offsets = [0, 0], sizes = [1, 128], strides = [1, 1]} : vector<3x128xf32> to vector<1x128xf32>
    %mul3A_720 = arith.constant 6.400000e+01 : f32
    %mul3A_721 = vector.broadcast %mul3A_720 : f32 to vector<1x128xf32>
    %mul3A_722 = arith.mulf %slice3A_719, %mul3A_721 : vector<1x128xf32>
    %slice3A_723 = vector.extract_strided_slice %dot_general3A_718 {offsets = [1, 0], sizes = [1, 128], strides = [1, 1]} : vector<3x128xf32> to vector<1x128xf32>
    %add3A_724 = arith.addf %mul3A_722, %slice3A_723 : vector<1x128xf32>
    %convert_element_type3A_725 = arith.fptosi %add3A_724 : vector<1x128xf32> to vector<1x128xi32>
    %slice3A_726 = vector.extract_strided_slice %dot_general3A_718 {offsets = [2, 0], sizes = [1, 128], strides = [1, 1]} : vector<3x128xf32> to vector<1x128xf32>
    %gt3A_727 = arith.constant 0.000000e+00 : f32
    %gt3A_728 = vector.broadcast %gt3A_727 : f32 to vector<1x128xf32>
    %gt3A_729 = arith.cmpf ogt, %slice3A_726, %gt3A_728 : vector<1x128xf32>
    %and3A_730 = arith.constant 2047 : i32
    %and3A_731 = vector.broadcast %and3A_730 : i32 to vector<1x128xi32>
    %and3A_732 = arith.andi %add3A_710, %and3A_731 : vector<1x128xi32>
    %select_n3A_733 = arith.select %gt3A_729, %convert_element_type3A_725, %and3A_732 : vector<1x128xi1>, vector<1x128xi32>
    %swap3A_734 = arith.constant 0 : index
    %swap3A_735 = arith.constant 2048 : index
    %swap3A_736 = vector.load %arg6[%swap3A_734, %swap3A_735] : memref<1x3072xi32, #tpu.memory_space<vmem>>, vector<1x128xi32>
    tpu.vector_store %arg6[%swap3A_734, %swap3A_735], %select_n3A_733 {strides = array<i32>} : memref<1x3072xi32, #tpu.memory_space<vmem>>, vector<1x128xi32>,
    %iota3A_737 = tpu.iota {dimensions = array<i32: 1>} : vector<1x128xi32>
    %add3A_738 = arith.constant 2176 : i32
    %add3A_739 = vector.broadcast %add3A_738 : i32 to vector<1x128xi32>
    %add3A_740 = arith.addi %iota3A_737, %add3A_739 : vector<1x128xi32>
    %convert_element_type3A_741 = arith.sitofp %add3A_740 : vector<1x128xi32> to vector<1x128xf32>
    %eq3A_742 = vector.broadcast %convert_element_type3A_187 : vector<2048x1xf32> to vector<2048x128xf32>
    %eq3A_743 = vector.broadcast %convert_element_type3A_741 : vector<1x128xf32> to vector<2048x128xf32>
    %eq3A_744 = arith.cmpf oeq, %eq3A_742, %eq3A_743 : vector<2048x128xf32>
    %convert_element_type3A_745 = arith.extui %eq3A_744 : vector<2048x128xi1> to vector<2048x128xi32>
    %convert_element_type3A_746 = arith.sitofp %convert_element_type3A_745 : vector<2048x128xi32> to vector<2048x128xf32>
    %dot_general3A_747 = arith.constant dense<0.000000e+00> : vector<3x128xf32>
    %dot_general3A_748 = tpu.matmul %concatenate3A_227, %convert_element_type3A_746, %dot_general3A_747 {dimension_numbers = #tpu.dot_dimension_numbers<[1], [0], [0], [1], [0, 0, 1, 1], [], []>, transpose_lhs_hint = false} : vector<3x2048xf32>, vector<2048x128xf32>, vector<3x128xf32> -> vector<3x128xf32>
    %slice3A_749 = vector.extract_strided_slice %dot_general3A_748 {offsets = [0, 0], sizes = [1, 128], strides = [1, 1]} : vector<3x128xf32> to vector<1x128xf32>
    %mul3A_750 = arith.constant 6.400000e+01 : f32
    %mul3A_751 = vector.broadcast %mul3A_750 : f32 to vector<1x128xf32>
    %mul3A_752 = arith.mulf %slice3A_749, %mul3A_751 : vector<1x128xf32>
    %slice3A_753 = vector.extract_strided_slice %dot_general3A_748 {offsets = [1, 0], sizes = [1, 128], strides = [1, 1]} : vector<3x128xf32> to vector<1x128xf32>
    %add3A_754 = arith.addf %mul3A_752, %slice3A_753 : vector<1x128xf32>
    %convert_element_type3A_755 = arith.fptosi %add3A_754 : vector<1x128xf32> to vector<1x128xi32>
    %slice3A_756 = vector.extract_strided_slice %dot_general3A_748 {offsets = [2, 0], sizes = [1, 128], strides = [1, 1]} : vector<3x128xf32> to vector<1x128xf32>
    %gt3A_757 = arith.constant 0.000000e+00 : f32
    %gt3A_758 = vector.broadcast %gt3A_757 : f32 to vector<1x128xf32>
    %gt3A_759 = arith.cmpf ogt, %slice3A_756, %gt3A_758 : vector<1x128xf32>
    %and3A_760 = arith.constant 2047 : i32
    %and3A_761 = vector.broadcast %and3A_760 : i32 to vector<1x128xi32>
    %and3A_762 = arith.andi %add3A_740, %and3A_761 : vector<1x128xi32>
    %select_n3A_763 = arith.select %gt3A_759, %convert_element_type3A_755, %and3A_762 : vector<1x128xi1>, vector<1x128xi32>
    %swap3A_764 = arith.constant 0 : index
    %swap3A_765 = arith.constant 2176 : index
    %swap3A_766 = vector.load %arg6[%swap3A_764, %swap3A_765] : memref<1x3072xi32, #tpu.memory_space<vmem>>, vector<1x128xi32>
    tpu.vector_store %arg6[%swap3A_764, %swap3A_765], %select_n3A_763 {strides = array<i32>} : memref<1x3072xi32, #tpu.memory_space<vmem>>, vector<1x128xi32>,
    %iota3A_767 = tpu.iota {dimensions = array<i32: 1>} : vector<1x128xi32>
    %add3A_768 = arith.constant 2304 : i32
    %add3A_769 = vector.broadcast %add3A_768 : i32 to vector<1x128xi32>
    %add3A_770 = arith.addi %iota3A_767, %add3A_769 : vector<1x128xi32>
    %convert_element_type3A_771 = arith.sitofp %add3A_770 : vector<1x128xi32> to vector<1x128xf32>
    %eq3A_772 = vector.broadcast %convert_element_type3A_187 : vector<2048x1xf32> to vector<2048x128xf32>
    %eq3A_773 = vector.broadcast %convert_element_type3A_771 : vector<1x128xf32> to vector<2048x128xf32>
    %eq3A_774 = arith.cmpf oeq, %eq3A_772, %eq3A_773 : vector<2048x128xf32>
    %convert_element_type3A_775 = arith.extui %eq3A_774 : vector<2048x128xi1> to vector<2048x128xi32>
    %convert_element_type3A_776 = arith.sitofp %convert_element_type3A_775 : vector<2048x128xi32> to vector<2048x128xf32>
    %dot_general3A_777 = arith.constant dense<0.000000e+00> : vector<3x128xf32>
    %dot_general3A_778 = tpu.matmul %concatenate3A_227, %convert_element_type3A_776, %dot_general3A_777 {dimension_numbers = #tpu.dot_dimension_numbers<[1], [0], [0], [1], [0, 0, 1, 1], [], []>, transpose_lhs_hint = false} : vector<3x2048xf32>, vector<2048x128xf32>, vector<3x128xf32> -> vector<3x128xf32>
    %slice3A_779 = vector.extract_strided_slice %dot_general3A_778 {offsets = [0, 0], sizes = [1, 128], strides = [1, 1]} : vector<3x128xf32> to vector<1x128xf32>
    %mul3A_780 = arith.constant 6.400000e+01 : f32
    %mul3A_781 = vector.broadcast %mul3A_780 : f32 to vector<1x128xf32>
    %mul3A_782 = arith.mulf %slice3A_779, %mul3A_781 : vector<1x128xf32>
    %slice3A_783 = vector.extract_strided_slice %dot_general3A_778 {offsets = [1, 0], sizes = [1, 128], strides = [1, 1]} : vector<3x128xf32> to vector<1x128xf32>
    %add3A_784 = arith.addf %mul3A_782, %slice3A_783 : vector<1x128xf32>
    %convert_element_type3A_785 = arith.fptosi %add3A_784 : vector<1x128xf32> to vector<1x128xi32>
    %slice3A_786 = vector.extract_strided_slice %dot_general3A_778 {offsets = [2, 0], sizes = [1, 128], strides = [1, 1]} : vector<3x128xf32> to vector<1x128xf32>
    %gt3A_787 = arith.constant 0.000000e+00 : f32
    %gt3A_788 = vector.broadcast %gt3A_787 : f32 to vector<1x128xf32>
    %gt3A_789 = arith.cmpf ogt, %slice3A_786, %gt3A_788 : vector<1x128xf32>
    %and3A_790 = arith.constant 2047 : i32
    %and3A_791 = vector.broadcast %and3A_790 : i32 to vector<1x128xi32>
    %and3A_792 = arith.andi %add3A_770, %and3A_791 : vector<1x128xi32>
    %select_n3A_793 = arith.select %gt3A_789, %convert_element_type3A_785, %and3A_792 : vector<1x128xi1>, vector<1x128xi32>
    %swap3A_794 = arith.constant 0 : index
    %swap3A_795 = arith.constant 2304 : index
    %swap3A_796 = vector.load %arg6[%swap3A_794, %swap3A_795] : memref<1x3072xi32, #tpu.memory_space<vmem>>, vector<1x128xi32>
    tpu.vector_store %arg6[%swap3A_794, %swap3A_795], %select_n3A_793 {strides = array<i32>} : memref<1x3072xi32, #tpu.memory_space<vmem>>, vector<1x128xi32>,
    %iota3A_797 = tpu.iota {dimensions = array<i32: 1>} : vector<1x128xi32>
    %add3A_798 = arith.constant 2432 : i32
    %add3A_799 = vector.broadcast %add3A_798 : i32 to vector<1x128xi32>
    %add3A_800 = arith.addi %iota3A_797, %add3A_799 : vector<1x128xi32>
    %convert_element_type3A_801 = arith.sitofp %add3A_800 : vector<1x128xi32> to vector<1x128xf32>
    %eq3A_802 = vector.broadcast %convert_element_type3A_187 : vector<2048x1xf32> to vector<2048x128xf32>
    %eq3A_803 = vector.broadcast %convert_element_type3A_801 : vector<1x128xf32> to vector<2048x128xf32>
    %eq3A_804 = arith.cmpf oeq, %eq3A_802, %eq3A_803 : vector<2048x128xf32>
    %convert_element_type3A_805 = arith.extui %eq3A_804 : vector<2048x128xi1> to vector<2048x128xi32>
    %convert_element_type3A_806 = arith.sitofp %convert_element_type3A_805 : vector<2048x128xi32> to vector<2048x128xf32>
    %dot_general3A_807 = arith.constant dense<0.000000e+00> : vector<3x128xf32>
    %dot_general3A_808 = tpu.matmul %concatenate3A_227, %convert_element_type3A_806, %dot_general3A_807 {dimension_numbers = #tpu.dot_dimension_numbers<[1], [0], [0], [1], [0, 0, 1, 1], [], []>, transpose_lhs_hint = false} : vector<3x2048xf32>, vector<2048x128xf32>, vector<3x128xf32> -> vector<3x128xf32>
    %slice3A_809 = vector.extract_strided_slice %dot_general3A_808 {offsets = [0, 0], sizes = [1, 128], strides = [1, 1]} : vector<3x128xf32> to vector<1x128xf32>
    %mul3A_810 = arith.constant 6.400000e+01 : f32
    %mul3A_811 = vector.broadcast %mul3A_810 : f32 to vector<1x128xf32>
    %mul3A_812 = arith.mulf %slice3A_809, %mul3A_811 : vector<1x128xf32>
    %slice3A_813 = vector.extract_strided_slice %dot_general3A_808 {offsets = [1, 0], sizes = [1, 128], strides = [1, 1]} : vector<3x128xf32> to vector<1x128xf32>
    %add3A_814 = arith.addf %mul3A_812, %slice3A_813 : vector<1x128xf32>
    %convert_element_type3A_815 = arith.fptosi %add3A_814 : vector<1x128xf32> to vector<1x128xi32>
    %slice3A_816 = vector.extract_strided_slice %dot_general3A_808 {offsets = [2, 0], sizes = [1, 128], strides = [1, 1]} : vector<3x128xf32> to vector<1x128xf32>
    %gt3A_817 = arith.constant 0.000000e+00 : f32
    %gt3A_818 = vector.broadcast %gt3A_817 : f32 to vector<1x128xf32>
    %gt3A_819 = arith.cmpf ogt, %slice3A_816, %gt3A_818 : vector<1x128xf32>
    %and3A_820 = arith.constant 2047 : i32
    %and3A_821 = vector.broadcast %and3A_820 : i32 to vector<1x128xi32>
    %and3A_822 = arith.andi %add3A_800, %and3A_821 : vector<1x128xi32>
    %select_n3A_823 = arith.select %gt3A_819, %convert_element_type3A_815, %and3A_822 : vector<1x128xi1>, vector<1x128xi32>
    %swap3A_824 = arith.constant 0 : index
    %swap3A_825 = arith.constant 2432 : index
    %swap3A_826 = vector.load %arg6[%swap3A_824, %swap3A_825] : memref<1x3072xi32, #tpu.memory_space<vmem>>, vector<1x128xi32>
    tpu.vector_store %arg6[%swap3A_824, %swap3A_825], %select_n3A_823 {strides = array<i32>} : memref<1x3072xi32, #tpu.memory_space<vmem>>, vector<1x128xi32>,
    %iota3A_827 = tpu.iota {dimensions = array<i32: 1>} : vector<1x128xi32>
    %add3A_828 = arith.constant 2560 : i32
    %add3A_829 = vector.broadcast %add3A_828 : i32 to vector<1x128xi32>
    %add3A_830 = arith.addi %iota3A_827, %add3A_829 : vector<1x128xi32>
    %convert_element_type3A_831 = arith.sitofp %add3A_830 : vector<1x128xi32> to vector<1x128xf32>
    %eq3A_832 = vector.broadcast %convert_element_type3A_187 : vector<2048x1xf32> to vector<2048x128xf32>
    %eq3A_833 = vector.broadcast %convert_element_type3A_831 : vector<1x128xf32> to vector<2048x128xf32>
    %eq3A_834 = arith.cmpf oeq, %eq3A_832, %eq3A_833 : vector<2048x128xf32>
    %convert_element_type3A_835 = arith.extui %eq3A_834 : vector<2048x128xi1> to vector<2048x128xi32>
    %convert_element_type3A_836 = arith.sitofp %convert_element_type3A_835 : vector<2048x128xi32> to vector<2048x128xf32>
    %dot_general3A_837 = arith.constant dense<0.000000e+00> : vector<3x128xf32>
    %dot_general3A_838 = tpu.matmul %concatenate3A_227, %convert_element_type3A_836, %dot_general3A_837 {dimension_numbers = #tpu.dot_dimension_numbers<[1], [0], [0], [1], [0, 0, 1, 1], [], []>, transpose_lhs_hint = false} : vector<3x2048xf32>, vector<2048x128xf32>, vector<3x128xf32> -> vector<3x128xf32>
    %slice3A_839 = vector.extract_strided_slice %dot_general3A_838 {offsets = [0, 0], sizes = [1, 128], strides = [1, 1]} : vector<3x128xf32> to vector<1x128xf32>
    %mul3A_840 = arith.constant 6.400000e+01 : f32
    %mul3A_841 = vector.broadcast %mul3A_840 : f32 to vector<1x128xf32>
    %mul3A_842 = arith.mulf %slice3A_839, %mul3A_841 : vector<1x128xf32>
    %slice3A_843 = vector.extract_strided_slice %dot_general3A_838 {offsets = [1, 0], sizes = [1, 128], strides = [1, 1]} : vector<3x128xf32> to vector<1x128xf32>
    %add3A_844 = arith.addf %mul3A_842, %slice3A_843 : vector<1x128xf32>
    %convert_element_type3A_845 = arith.fptosi %add3A_844 : vector<1x128xf32> to vector<1x128xi32>
    %slice3A_846 = vector.extract_strided_slice %dot_general3A_838 {offsets = [2, 0], sizes = [1, 128], strides = [1, 1]} : vector<3x128xf32> to vector<1x128xf32>
    %gt3A_847 = arith.constant 0.000000e+00 : f32
    %gt3A_848 = vector.broadcast %gt3A_847 : f32 to vector<1x128xf32>
    %gt3A_849 = arith.cmpf ogt, %slice3A_846, %gt3A_848 : vector<1x128xf32>
    %and3A_850 = arith.constant 2047 : i32
    %and3A_851 = vector.broadcast %and3A_850 : i32 to vector<1x128xi32>
    %and3A_852 = arith.andi %add3A_830, %and3A_851 : vector<1x128xi32>
    %select_n3A_853 = arith.select %gt3A_849, %convert_element_type3A_845, %and3A_852 : vector<1x128xi1>, vector<1x128xi32>
    %swap3A_854 = arith.constant 0 : index
    %swap3A_855 = arith.constant 2560 : index
    %swap3A_856 = vector.load %arg6[%swap3A_854, %swap3A_855] : memref<1x3072xi32, #tpu.memory_space<vmem>>, vector<1x128xi32>
    tpu.vector_store %arg6[%swap3A_854, %swap3A_855], %select_n3A_853 {strides = array<i32>} : memref<1x3072xi32, #tpu.memory_space<vmem>>, vector<1x128xi32>,
    %iota3A_857 = tpu.iota {dimensions = array<i32: 1>} : vector<1x128xi32>
    %add3A_858 = arith.constant 2688 : i32
    %add3A_859 = vector.broadcast %add3A_858 : i32 to vector<1x128xi32>
    %add3A_860 = arith.addi %iota3A_857, %add3A_859 : vector<1x128xi32>
    %convert_element_type3A_861 = arith.sitofp %add3A_860 : vector<1x128xi32> to vector<1x128xf32>
    %eq3A_862 = vector.broadcast %convert_element_type3A_187 : vector<2048x1xf32> to vector<2048x128xf32>
    %eq3A_863 = vector.broadcast %convert_element_type3A_861 : vector<1x128xf32> to vector<2048x128xf32>
    %eq3A_864 = arith.cmpf oeq, %eq3A_862, %eq3A_863 : vector<2048x128xf32>
    %convert_element_type3A_865 = arith.extui %eq3A_864 : vector<2048x128xi1> to vector<2048x128xi32>
    %convert_element_type3A_866 = arith.sitofp %convert_element_type3A_865 : vector<2048x128xi32> to vector<2048x128xf32>
    %dot_general3A_867 = arith.constant dense<0.000000e+00> : vector<3x128xf32>
    %dot_general3A_868 = tpu.matmul %concatenate3A_227, %convert_element_type3A_866, %dot_general3A_867 {dimension_numbers = #tpu.dot_dimension_numbers<[1], [0], [0], [1], [0, 0, 1, 1], [], []>, transpose_lhs_hint = false} : vector<3x2048xf32>, vector<2048x128xf32>, vector<3x128xf32> -> vector<3x128xf32>
    %slice3A_869 = vector.extract_strided_slice %dot_general3A_868 {offsets = [0, 0], sizes = [1, 128], strides = [1, 1]} : vector<3x128xf32> to vector<1x128xf32>
    %mul3A_870 = arith.constant 6.400000e+01 : f32
    %mul3A_871 = vector.broadcast %mul3A_870 : f32 to vector<1x128xf32>
    %mul3A_872 = arith.mulf %slice3A_869, %mul3A_871 : vector<1x128xf32>
    %slice3A_873 = vector.extract_strided_slice %dot_general3A_868 {offsets = [1, 0], sizes = [1, 128], strides = [1, 1]} : vector<3x128xf32> to vector<1x128xf32>
    %add3A_874 = arith.addf %mul3A_872, %slice3A_873 : vector<1x128xf32>
    %convert_element_type3A_875 = arith.fptosi %add3A_874 : vector<1x128xf32> to vector<1x128xi32>
    %slice3A_876 = vector.extract_strided_slice %dot_general3A_868 {offsets = [2, 0], sizes = [1, 128], strides = [1, 1]} : vector<3x128xf32> to vector<1x128xf32>
    %gt3A_877 = arith.constant 0.000000e+00 : f32
    %gt3A_878 = vector.broadcast %gt3A_877 : f32 to vector<1x128xf32>
    %gt3A_879 = arith.cmpf ogt, %slice3A_876, %gt3A_878 : vector<1x128xf32>
    %and3A_880 = arith.constant 2047 : i32
    %and3A_881 = vector.broadcast %and3A_880 : i32 to vector<1x128xi32>
    %and3A_882 = arith.andi %add3A_860, %and3A_881 : vector<1x128xi32>
    %select_n3A_883 = arith.select %gt3A_879, %convert_element_type3A_875, %and3A_882 : vector<1x128xi1>, vector<1x128xi32>
    %swap3A_884 = arith.constant 0 : index
    %swap3A_885 = arith.constant 2688 : index
    %swap3A_886 = vector.load %arg6[%swap3A_884, %swap3A_885] : memref<1x3072xi32, #tpu.memory_space<vmem>>, vector<1x128xi32>
    tpu.vector_store %arg6[%swap3A_884, %swap3A_885], %select_n3A_883 {strides = array<i32>} : memref<1x3072xi32, #tpu.memory_space<vmem>>, vector<1x128xi32>,
    %iota3A_887 = tpu.iota {dimensions = array<i32: 1>} : vector<1x128xi32>
    %add3A_888 = arith.constant 2816 : i32
    %add3A_889 = vector.broadcast %add3A_888 : i32 to vector<1x128xi32>
    %add3A_890 = arith.addi %iota3A_887, %add3A_889 : vector<1x128xi32>
    %convert_element_type3A_891 = arith.sitofp %add3A_890 : vector<1x128xi32> to vector<1x128xf32>
    %eq3A_892 = vector.broadcast %convert_element_type3A_187 : vector<2048x1xf32> to vector<2048x128xf32>
    %eq3A_893 = vector.broadcast %convert_element_type3A_891 : vector<1x128xf32> to vector<2048x128xf32>
    %eq3A_894 = arith.cmpf oeq, %eq3A_892, %eq3A_893 : vector<2048x128xf32>
    %convert_element_type3A_895 = arith.extui %eq3A_894 : vector<2048x128xi1> to vector<2048x128xi32>
    %convert_element_type3A_896 = arith.sitofp %convert_element_type3A_895 : vector<2048x128xi32> to vector<2048x128xf32>
    %dot_general3A_897 = arith.constant dense<0.000000e+00> : vector<3x128xf32>
    %dot_general3A_898 = tpu.matmul %concatenate3A_227, %convert_element_type3A_896, %dot_general3A_897 {dimension_numbers = #tpu.dot_dimension_numbers<[1], [0], [0], [1], [0, 0, 1, 1], [], []>, transpose_lhs_hint = false} : vector<3x2048xf32>, vector<2048x128xf32>, vector<3x128xf32> -> vector<3x128xf32>
    %slice3A_899 = vector.extract_strided_slice %dot_general3A_898 {offsets = [0, 0], sizes = [1, 128], strides = [1, 1]} : vector<3x128xf32> to vector<1x128xf32>
    %mul3A_900 = arith.constant 6.400000e+01 : f32
    %mul3A_901 = vector.broadcast %mul3A_900 : f32 to vector<1x128xf32>
    %mul3A_902 = arith.mulf %slice3A_899, %mul3A_901 : vector<1x128xf32>
    %slice3A_903 = vector.extract_strided_slice %dot_general3A_898 {offsets = [1, 0], sizes = [1, 128], strides = [1, 1]} : vector<3x128xf32> to vector<1x128xf32>
    %add3A_904 = arith.addf %mul3A_902, %slice3A_903 : vector<1x128xf32>
    %convert_element_type3A_905 = arith.fptosi %add3A_904 : vector<1x128xf32> to vector<1x128xi32>
    %slice3A_906 = vector.extract_strided_slice %dot_general3A_898 {offsets = [2, 0], sizes = [1, 128], strides = [1, 1]} : vector<3x128xf32> to vector<1x128xf32>
    %gt3A_907 = arith.constant 0.000000e+00 : f32
    %gt3A_908 = vector.broadcast %gt3A_907 : f32 to vector<1x128xf32>
    %gt3A_909 = arith.cmpf ogt, %slice3A_906, %gt3A_908 : vector<1x128xf32>
    %and3A_910 = arith.constant 2047 : i32
    %and3A_911 = vector.broadcast %and3A_910 : i32 to vector<1x128xi32>
    %and3A_912 = arith.andi %add3A_890, %and3A_911 : vector<1x128xi32>
    %select_n3A_913 = arith.select %gt3A_909, %convert_element_type3A_905, %and3A_912 : vector<1x128xi1>, vector<1x128xi32>
    %swap3A_914 = arith.constant 0 : index
    %swap3A_915 = arith.constant 2816 : index
    %swap3A_916 = vector.load %arg6[%swap3A_914, %swap3A_915] : memref<1x3072xi32, #tpu.memory_space<vmem>>, vector<1x128xi32>
    tpu.vector_store %arg6[%swap3A_914, %swap3A_915], %select_n3A_913 {strides = array<i32>} : memref<1x3072xi32, #tpu.memory_space<vmem>>, vector<1x128xi32>,
    %iota3A_917 = tpu.iota {dimensions = array<i32: 1>} : vector<1x128xi32>
    %add3A_918 = arith.constant 2944 : i32
    %add3A_919 = vector.broadcast %add3A_918 : i32 to vector<1x128xi32>
    %add3A_920 = arith.addi %iota3A_917, %add3A_919 : vector<1x128xi32>
    %convert_element_type3A_921 = arith.sitofp %add3A_920 : vector<1x128xi32> to vector<1x128xf32>
    %eq3A_922 = vector.broadcast %convert_element_type3A_187 : vector<2048x1xf32> to vector<2048x128xf32>
    %eq3A_923 = vector.broadcast %convert_element_type3A_921 : vector<1x128xf32> to vector<2048x128xf32>
    %eq3A_924 = arith.cmpf oeq, %eq3A_922, %eq3A_923 : vector<2048x128xf32>
    %convert_element_type3A_925 = arith.extui %eq3A_924 : vector<2048x128xi1> to vector<2048x128xi32>
    %convert_element_type3A_926 = arith.sitofp %convert_element_type3A_925 : vector<2048x128xi32> to vector<2048x128xf32>
    %dot_general3A_927 = arith.constant dense<0.000000e+00> : vector<3x128xf32>
    %dot_general3A_928 = tpu.matmul %concatenate3A_227, %convert_element_type3A_926, %dot_general3A_927 {dimension_numbers = #tpu.dot_dimension_numbers<[1], [0], [0], [1], [0, 0, 1, 1], [], []>, transpose_lhs_hint = false} : vector<3x2048xf32>, vector<2048x128xf32>, vector<3x128xf32> -> vector<3x128xf32>
    %slice3A_929 = vector.extract_strided_slice %dot_general3A_928 {offsets = [0, 0], sizes = [1, 128], strides = [1, 1]} : vector<3x128xf32> to vector<1x128xf32>
    %mul3A_930 = arith.constant 6.400000e+01 : f32
    %mul3A_931 = vector.broadcast %mul3A_930 : f32 to vector<1x128xf32>
    %mul3A_932 = arith.mulf %slice3A_929, %mul3A_931 : vector<1x128xf32>
    %slice3A_933 = vector.extract_strided_slice %dot_general3A_928 {offsets = [1, 0], sizes = [1, 128], strides = [1, 1]} : vector<3x128xf32> to vector<1x128xf32>
    %add3A_934 = arith.addf %mul3A_932, %slice3A_933 : vector<1x128xf32>
    %convert_element_type3A_935 = arith.fptosi %add3A_934 : vector<1x128xf32> to vector<1x128xi32>
    %slice3A_936 = vector.extract_strided_slice %dot_general3A_928 {offsets = [2, 0], sizes = [1, 128], strides = [1, 1]} : vector<3x128xf32> to vector<1x128xf32>
    %gt3A_937 = arith.constant 0.000000e+00 : f32
    %gt3A_938 = vector.broadcast %gt3A_937 : f32 to vector<1x128xf32>
    %gt3A_939 = arith.cmpf ogt, %slice3A_936, %gt3A_938 : vector<1x128xf32>
    %and3A_940 = arith.constant 2047 : i32
    %and3A_941 = vector.broadcast %and3A_940 : i32 to vector<1x128xi32>
    %and3A_942 = arith.andi %add3A_920, %and3A_941 : vector<1x128xi32>
    %select_n3A_943 = arith.select %gt3A_939, %convert_element_type3A_935, %and3A_942 : vector<1x128xi1>, vector<1x128xi32>
    %swap3A_944 = arith.constant 0 : index
    %swap3A_945 = arith.constant 2944 : index
    %swap3A_946 = vector.load %arg6[%swap3A_944, %swap3A_945] : memref<1x3072xi32, #tpu.memory_space<vmem>>, vector<1x128xi32>
    tpu.vector_store %arg6[%swap3A_944, %swap3A_945], %select_n3A_943 {strides = array<i32>} : memref<1x3072xi32, #tpu.memory_space<vmem>>, vector<1x128xi32>,
    return
  }
}

module attributes {stable_mosaic.version = 14 : i64} {
  func.func @_ffn_body(%arg0: i32, %arg1: i32, %arg2: memref<16xi32, #tpu.memory_space<smem>>, %arg3: memref<3072x768xf32, #tpu.memory_space<vmem>>, %arg4: memref<1x768x1536xf32, #tpu.memory_space<vmem>>, %arg5: memref<1x1x1536xf32, #tpu.memory_space<vmem>>, %arg6: memref<1x1536x768xf32, #tpu.memory_space<vmem>>, %arg7: memref<1x1x768xf32, #tpu.memory_space<vmem>>, %arg8: memref<3072x768xf32, #tpu.memory_space<vmem>>) attributes {dimension_semantics = [#tpu.dimension_semantics<arbitrary>, #tpu.dimension_semantics<arbitrary>], iteration_bounds = array<i64: 8, 2>, scalar_prefetch = 1 : i64, scratch_operands = 0 : i64, tpu.core_type = #tpu.core_type<tc>, window_params = [{pipeline_mode = #tpu.pipeline_mode<synchronous>, transform_indices = @transform_0, window_bounds = array<i64: 3072, 768>}, {transform_indices = @transform_1, window_bounds = array<i64: 1, 768, 1536>}, {transform_indices = @transform_2, window_bounds = array<i64: 1, 1, 1536>}, {transform_indices = @transform_3, window_bounds = array<i64: 1, 1536, 768>}, {transform_indices = @transform_4, window_bounds = array<i64: 1, 1, 768>}, {pipeline_mode = #tpu.pipeline_mode<synchronous>, transform_indices = @transform_5, window_bounds = array<i64: 3072, 768>}]} {
    %get3A = arith.index_cast %arg0 : i32 to index
    %get3A_0 = memref.load %arg2[%get3A] : memref<16xi32, #tpu.memory_space<smem>>
    %add3A = arith.constant 1 : i32
    %add3A_1 = arith.addi %arg0, %add3A : i32
    %get3A_2 = arith.index_cast %add3A_1 : i32 to index
    %get3A_3 = memref.load %arg2[%get3A_2] : memref<16xi32, #tpu.memory_space<smem>>
    %eq3A = arith.constant 0 : i32
    %eq3A_4 = arith.cmpi eq, %arg1, %eq3A : i32
    %convert_element_type3A = arith.extui %eq3A_4 : i1 to i32
    %cond3A = arith.constant 0 : i32
    %cond3A_5 = arith.cmpi ne, %convert_element_type3A, %cond3A : i32
    scf.if %cond3A_5 {
      %while3A = arith.constant 0 : i32
      %while3A_11 = arith.subi %get3A_3, %get3A_0 : i32
      %while3A_12 = arith.addi %get3A_0, %while3A_11 : i32
      %while3A_13 = arith.constant 1 : i32
      %while3A_14 = arith.divsi %while3A_11, %while3A_13 : i32
      %while3A_15 = arith.muli %while3A_14, %while3A_13 : i32
      %while3A_16 = arith.addi %get3A_0, %while3A_15 : i32
      %while3A_17 = arith.constant 1 : i32
      scf.for %while3A_19 = %get3A_0 to %while3A_16 step %while3A_17  : i32 {
        %mul3A = arith.constant 128 : i32
        %mul3A_20 = arith.muli %while3A_19, %mul3A : i32
        %get3A_21 = arith.index_cast %mul3A_20 : i32 to index
        %get3A_22 = arith.constant 0 : index
        %get3A_23 = vector.load %arg3[%get3A_21, %get3A_22] : memref<3072x768xf32, #tpu.memory_space<vmem>>, vector<128x768xf32>
        %get3A_24 = arith.constant 0 : index
        %get3A_25 = arith.constant 0 : index
        %get3A_26 = arith.constant 0 : index
        %get3A_27 = vector.load %arg4[%get3A_24, %get3A_25, %get3A_26] : memref<1x768x1536xf32, #tpu.memory_space<vmem>>, vector<1x768x1536xf32>
        %get3A_28 = vector.shape_cast %get3A_27 : vector<1x768x1536xf32> to vector<768x1536xf32>
        %dot_general3A = arith.constant dense<0.000000e+00> : vector<128x1536xf32>
        %dot_general3A_29 = tpu.matmul %get3A_23, %get3A_28, %dot_general3A {dimension_numbers = #tpu.dot_dimension_numbers<[1], [0], [0], [1], [0, 0, 1, 1], [], []>, transpose_lhs_hint = false} : vector<128x768xf32>, vector<768x1536xf32>, vector<128x1536xf32> -> vector<128x1536xf32>
        %get3A_30 = arith.constant 0 : index
        %get3A_31 = arith.constant 0 : index
        %get3A_32 = arith.constant 0 : index
        %get3A_33 = vector.load %arg5[%get3A_30, %get3A_31, %get3A_32] : memref<1x1x1536xf32, #tpu.memory_space<vmem>>, vector<1x1x1536xf32>
        %get3A_34 = vector.shape_cast %get3A_33 : vector<1x1x1536xf32> to vector<1x1536xf32>
        %add3A_35 = vector.broadcast %get3A_34 : vector<1x1536xf32> to vector<128x1536xf32>
        %add3A_36 = arith.addf %dot_general3A_29, %add3A_35 : vector<128x1536xf32>
        %max3A = arith.constant 0.000000e+00 : f32
        %max3A_37 = vector.broadcast %max3A : f32 to vector<128x1536xf32>
        %max3A_38 = arith.maximumf %add3A_36, %max3A_37 : vector<128x1536xf32>
        %get3A_39 = arith.constant 0 : index
        %get3A_40 = arith.constant 0 : index
        %get3A_41 = arith.constant 0 : index
        %get3A_42 = vector.load %arg6[%get3A_39, %get3A_40, %get3A_41] : memref<1x1536x768xf32, #tpu.memory_space<vmem>>, vector<1x1536x768xf32>
        %get3A_43 = vector.shape_cast %get3A_42 : vector<1x1536x768xf32> to vector<1536x768xf32>
        %dot_general3A_44 = arith.constant dense<0.000000e+00> : vector<128x768xf32>
        %dot_general3A_45 = tpu.matmul %max3A_38, %get3A_43, %dot_general3A_44 {dimension_numbers = #tpu.dot_dimension_numbers<[1], [0], [0], [1], [0, 0, 1, 1], [], []>, transpose_lhs_hint = false} : vector<128x1536xf32>, vector<1536x768xf32>, vector<128x768xf32> -> vector<128x768xf32>
        %mul3A_46 = arith.constant 128 : i32
        %mul3A_47 = arith.muli %while3A_19, %mul3A_46 : i32
        %swap3A = arith.index_cast %mul3A_47 : i32 to index
        %swap3A_48 = arith.constant 0 : index
        %swap3A_49 = vector.load %arg8[%swap3A, %swap3A_48] : memref<3072x768xf32, #tpu.memory_space<vmem>>, vector<128x768xf32>
        tpu.vector_store %arg8[%swap3A, %swap3A_48], %dot_general3A_45 {strides = array<i32>} : memref<3072x768xf32, #tpu.memory_space<vmem>>, vector<128x768xf32>,
      }
      %while3A_18 = arith.constant 1 : i32
      scf.for %while3A_19 = %while3A_16 to %while3A_12 step %while3A_18  : i32 {
        %mul3A = arith.constant 128 : i32
        %mul3A_20 = arith.muli %while3A_19, %mul3A : i32
        %get3A_21 = arith.index_cast %mul3A_20 : i32 to index
        %get3A_22 = arith.constant 0 : index
        %get3A_23 = vector.load %arg3[%get3A_21, %get3A_22] : memref<3072x768xf32, #tpu.memory_space<vmem>>, vector<128x768xf32>
        %get3A_24 = arith.constant 0 : index
        %get3A_25 = arith.constant 0 : index
        %get3A_26 = arith.constant 0 : index
        %get3A_27 = vector.load %arg4[%get3A_24, %get3A_25, %get3A_26] : memref<1x768x1536xf32, #tpu.memory_space<vmem>>, vector<1x768x1536xf32>
        %get3A_28 = vector.shape_cast %get3A_27 : vector<1x768x1536xf32> to vector<768x1536xf32>
        %dot_general3A = arith.constant dense<0.000000e+00> : vector<128x1536xf32>
        %dot_general3A_29 = tpu.matmul %get3A_23, %get3A_28, %dot_general3A {dimension_numbers = #tpu.dot_dimension_numbers<[1], [0], [0], [1], [0, 0, 1, 1], [], []>, transpose_lhs_hint = false} : vector<128x768xf32>, vector<768x1536xf32>, vector<128x1536xf32> -> vector<128x1536xf32>
        %get3A_30 = arith.constant 0 : index
        %get3A_31 = arith.constant 0 : index
        %get3A_32 = arith.constant 0 : index
        %get3A_33 = vector.load %arg5[%get3A_30, %get3A_31, %get3A_32] : memref<1x1x1536xf32, #tpu.memory_space<vmem>>, vector<1x1x1536xf32>
        %get3A_34 = vector.shape_cast %get3A_33 : vector<1x1x1536xf32> to vector<1x1536xf32>
        %add3A_35 = vector.broadcast %get3A_34 : vector<1x1536xf32> to vector<128x1536xf32>
        %add3A_36 = arith.addf %dot_general3A_29, %add3A_35 : vector<128x1536xf32>
        %max3A = arith.constant 0.000000e+00 : f32
        %max3A_37 = vector.broadcast %max3A : f32 to vector<128x1536xf32>
        %max3A_38 = arith.maximumf %add3A_36, %max3A_37 : vector<128x1536xf32>
        %get3A_39 = arith.constant 0 : index
        %get3A_40 = arith.constant 0 : index
        %get3A_41 = arith.constant 0 : index
        %get3A_42 = vector.load %arg6[%get3A_39, %get3A_40, %get3A_41] : memref<1x1536x768xf32, #tpu.memory_space<vmem>>, vector<1x1536x768xf32>
        %get3A_43 = vector.shape_cast %get3A_42 : vector<1x1536x768xf32> to vector<1536x768xf32>
        %dot_general3A_44 = arith.constant dense<0.000000e+00> : vector<128x768xf32>
        %dot_general3A_45 = tpu.matmul %max3A_38, %get3A_43, %dot_general3A_44 {dimension_numbers = #tpu.dot_dimension_numbers<[1], [0], [0], [1], [0, 0, 1, 1], [], []>, transpose_lhs_hint = false} : vector<128x1536xf32>, vector<1536x768xf32>, vector<128x768xf32> -> vector<128x768xf32>
        %mul3A_46 = arith.constant 128 : i32
        %mul3A_47 = arith.muli %while3A_19, %mul3A_46 : i32
        %swap3A = arith.index_cast %mul3A_47 : i32 to index
        %swap3A_48 = arith.constant 0 : index
        %swap3A_49 = vector.load %arg8[%swap3A, %swap3A_48] : memref<3072x768xf32, #tpu.memory_space<vmem>>, vector<128x768xf32>
        tpu.vector_store %arg8[%swap3A, %swap3A_48], %dot_general3A_45 {strides = array<i32>} : memref<3072x768xf32, #tpu.memory_space<vmem>>, vector<128x768xf32>,
      }
    } else {
    }
    %eq3A_6 = arith.constant 1 : i32
    %eq3A_7 = arith.cmpi eq, %arg1, %eq3A_6 : i32
    %convert_element_type3A_8 = arith.extui %eq3A_7 : i1 to i32
    %cond3A_9 = arith.constant 0 : i32
    %cond3A_10 = arith.cmpi ne, %convert_element_type3A_8, %cond3A_9 : i32
    scf.if %cond3A_10 {
      %while3A = arith.constant 0 : i32
      %while3A_11 = arith.subi %get3A_3, %get3A_0 : i32
      %while3A_12 = arith.addi %get3A_0, %while3A_11 : i32
      %while3A_13 = arith.constant 1 : i32
      %while3A_14 = arith.divsi %while3A_11, %while3A_13 : i32
      %while3A_15 = arith.muli %while3A_14, %while3A_13 : i32
      %while3A_16 = arith.addi %get3A_0, %while3A_15 : i32
      %while3A_17 = arith.constant 1 : i32
      scf.for %while3A_19 = %get3A_0 to %while3A_16 step %while3A_17  : i32 {
        %mul3A = arith.constant 128 : i32
        %mul3A_20 = arith.muli %while3A_19, %mul3A : i32
        %get3A_21 = arith.index_cast %mul3A_20 : i32 to index
        %get3A_22 = arith.constant 0 : index
        %get3A_23 = vector.load %arg3[%get3A_21, %get3A_22] : memref<3072x768xf32, #tpu.memory_space<vmem>>, vector<128x768xf32>
        %get3A_24 = arith.constant 0 : index
        %get3A_25 = arith.constant 0 : index
        %get3A_26 = arith.constant 0 : index
        %get3A_27 = vector.load %arg4[%get3A_24, %get3A_25, %get3A_26] : memref<1x768x1536xf32, #tpu.memory_space<vmem>>, vector<1x768x1536xf32>
        %get3A_28 = vector.shape_cast %get3A_27 : vector<1x768x1536xf32> to vector<768x1536xf32>
        %dot_general3A = arith.constant dense<0.000000e+00> : vector<128x1536xf32>
        %dot_general3A_29 = tpu.matmul %get3A_23, %get3A_28, %dot_general3A {dimension_numbers = #tpu.dot_dimension_numbers<[1], [0], [0], [1], [0, 0, 1, 1], [], []>, transpose_lhs_hint = false} : vector<128x768xf32>, vector<768x1536xf32>, vector<128x1536xf32> -> vector<128x1536xf32>
        %get3A_30 = arith.constant 0 : index
        %get3A_31 = arith.constant 0 : index
        %get3A_32 = arith.constant 0 : index
        %get3A_33 = vector.load %arg5[%get3A_30, %get3A_31, %get3A_32] : memref<1x1x1536xf32, #tpu.memory_space<vmem>>, vector<1x1x1536xf32>
        %get3A_34 = vector.shape_cast %get3A_33 : vector<1x1x1536xf32> to vector<1x1536xf32>
        %add3A_35 = vector.broadcast %get3A_34 : vector<1x1536xf32> to vector<128x1536xf32>
        %add3A_36 = arith.addf %dot_general3A_29, %add3A_35 : vector<128x1536xf32>
        %max3A = arith.constant 0.000000e+00 : f32
        %max3A_37 = vector.broadcast %max3A : f32 to vector<128x1536xf32>
        %max3A_38 = arith.maximumf %add3A_36, %max3A_37 : vector<128x1536xf32>
        %get3A_39 = arith.constant 0 : index
        %get3A_40 = arith.constant 0 : index
        %get3A_41 = arith.constant 0 : index
        %get3A_42 = vector.load %arg6[%get3A_39, %get3A_40, %get3A_41] : memref<1x1536x768xf32, #tpu.memory_space<vmem>>, vector<1x1536x768xf32>
        %get3A_43 = vector.shape_cast %get3A_42 : vector<1x1536x768xf32> to vector<1536x768xf32>
        %dot_general3A_44 = arith.constant dense<0.000000e+00> : vector<128x768xf32>
        %dot_general3A_45 = tpu.matmul %max3A_38, %get3A_43, %dot_general3A_44 {dimension_numbers = #tpu.dot_dimension_numbers<[1], [0], [0], [1], [0, 0, 1, 1], [], []>, transpose_lhs_hint = false} : vector<128x1536xf32>, vector<1536x768xf32>, vector<128x768xf32> -> vector<128x768xf32>
        %mul3A_46 = arith.constant 128 : i32
        %mul3A_47 = arith.muli %while3A_19, %mul3A_46 : i32
        %get3A_48 = arith.index_cast %mul3A_47 : i32 to index
        %get3A_49 = arith.constant 0 : index
        %get3A_50 = vector.load %arg8[%get3A_48, %get3A_49] : memref<3072x768xf32, #tpu.memory_space<vmem>>, vector<128x768xf32>
        %add3A_51 = arith.addf %get3A_50, %dot_general3A_45 : vector<128x768xf32>
        %get3A_52 = arith.constant 0 : index
        %get3A_53 = arith.constant 0 : index
        %get3A_54 = arith.constant 0 : index
        %get3A_55 = vector.load %arg7[%get3A_52, %get3A_53, %get3A_54] : memref<1x1x768xf32, #tpu.memory_space<vmem>>, vector<1x1x768xf32>
        %get3A_56 = vector.shape_cast %get3A_55 : vector<1x1x768xf32> to vector<1x768xf32>
        %add3A_57 = vector.broadcast %get3A_56 : vector<1x768xf32> to vector<128x768xf32>
        %add3A_58 = arith.addf %add3A_51, %add3A_57 : vector<128x768xf32>
        %mul3A_59 = arith.constant 128 : i32
        %mul3A_60 = arith.muli %while3A_19, %mul3A_59 : i32
        %swap3A = arith.index_cast %mul3A_60 : i32 to index
        %swap3A_61 = arith.constant 0 : index
        %swap3A_62 = vector.load %arg8[%swap3A, %swap3A_61] : memref<3072x768xf32, #tpu.memory_space<vmem>>, vector<128x768xf32>
        tpu.vector_store %arg8[%swap3A, %swap3A_61], %add3A_58 {strides = array<i32>} : memref<3072x768xf32, #tpu.memory_space<vmem>>, vector<128x768xf32>,
      }
      %while3A_18 = arith.constant 1 : i32
      scf.for %while3A_19 = %while3A_16 to %while3A_12 step %while3A_18  : i32 {
        %mul3A = arith.constant 128 : i32
        %mul3A_20 = arith.muli %while3A_19, %mul3A : i32
        %get3A_21 = arith.index_cast %mul3A_20 : i32 to index
        %get3A_22 = arith.constant 0 : index
        %get3A_23 = vector.load %arg3[%get3A_21, %get3A_22] : memref<3072x768xf32, #tpu.memory_space<vmem>>, vector<128x768xf32>
        %get3A_24 = arith.constant 0 : index
        %get3A_25 = arith.constant 0 : index
        %get3A_26 = arith.constant 0 : index
        %get3A_27 = vector.load %arg4[%get3A_24, %get3A_25, %get3A_26] : memref<1x768x1536xf32, #tpu.memory_space<vmem>>, vector<1x768x1536xf32>
        %get3A_28 = vector.shape_cast %get3A_27 : vector<1x768x1536xf32> to vector<768x1536xf32>
        %dot_general3A = arith.constant dense<0.000000e+00> : vector<128x1536xf32>
        %dot_general3A_29 = tpu.matmul %get3A_23, %get3A_28, %dot_general3A {dimension_numbers = #tpu.dot_dimension_numbers<[1], [0], [0], [1], [0, 0, 1, 1], [], []>, transpose_lhs_hint = false} : vector<128x768xf32>, vector<768x1536xf32>, vector<128x1536xf32> -> vector<128x1536xf32>
        %get3A_30 = arith.constant 0 : index
        %get3A_31 = arith.constant 0 : index
        %get3A_32 = arith.constant 0 : index
        %get3A_33 = vector.load %arg5[%get3A_30, %get3A_31, %get3A_32] : memref<1x1x1536xf32, #tpu.memory_space<vmem>>, vector<1x1x1536xf32>
        %get3A_34 = vector.shape_cast %get3A_33 : vector<1x1x1536xf32> to vector<1x1536xf32>
        %add3A_35 = vector.broadcast %get3A_34 : vector<1x1536xf32> to vector<128x1536xf32>
        %add3A_36 = arith.addf %dot_general3A_29, %add3A_35 : vector<128x1536xf32>
        %max3A = arith.constant 0.000000e+00 : f32
        %max3A_37 = vector.broadcast %max3A : f32 to vector<128x1536xf32>
        %max3A_38 = arith.maximumf %add3A_36, %max3A_37 : vector<128x1536xf32>
        %get3A_39 = arith.constant 0 : index
        %get3A_40 = arith.constant 0 : index
        %get3A_41 = arith.constant 0 : index
        %get3A_42 = vector.load %arg6[%get3A_39, %get3A_40, %get3A_41] : memref<1x1536x768xf32, #tpu.memory_space<vmem>>, vector<1x1536x768xf32>
        %get3A_43 = vector.shape_cast %get3A_42 : vector<1x1536x768xf32> to vector<1536x768xf32>
        %dot_general3A_44 = arith.constant dense<0.000000e+00> : vector<128x768xf32>
        %dot_general3A_45 = tpu.matmul %max3A_38, %get3A_43, %dot_general3A_44 {dimension_numbers = #tpu.dot_dimension_numbers<[1], [0], [0], [1], [0, 0, 1, 1], [], []>, transpose_lhs_hint = false} : vector<128x1536xf32>, vector<1536x768xf32>, vector<128x768xf32> -> vector<128x768xf32>
        %mul3A_46 = arith.constant 128 : i32
        %mul3A_47 = arith.muli %while3A_19, %mul3A_46 : i32
        %get3A_48 = arith.index_cast %mul3A_47 : i32 to index
        %get3A_49 = arith.constant 0 : index
        %get3A_50 = vector.load %arg8[%get3A_48, %get3A_49] : memref<3072x768xf32, #tpu.memory_space<vmem>>, vector<128x768xf32>
        %add3A_51 = arith.addf %get3A_50, %dot_general3A_45 : vector<128x768xf32>
        %get3A_52 = arith.constant 0 : index
        %get3A_53 = arith.constant 0 : index
        %get3A_54 = arith.constant 0 : index
        %get3A_55 = vector.load %arg7[%get3A_52, %get3A_53, %get3A_54] : memref<1x1x768xf32, #tpu.memory_space<vmem>>, vector<1x1x768xf32>
        %get3A_56 = vector.shape_cast %get3A_55 : vector<1x1x768xf32> to vector<1x768xf32>
        %add3A_57 = vector.broadcast %get3A_56 : vector<1x768xf32> to vector<128x768xf32>
        %add3A_58 = arith.addf %add3A_51, %add3A_57 : vector<128x768xf32>
        %mul3A_59 = arith.constant 128 : i32
        %mul3A_60 = arith.muli %while3A_19, %mul3A_59 : i32
        %swap3A = arith.index_cast %mul3A_60 : i32 to index
        %swap3A_61 = arith.constant 0 : index
        %swap3A_62 = vector.load %arg8[%swap3A, %swap3A_61] : memref<3072x768xf32, #tpu.memory_space<vmem>>, vector<128x768xf32>
        tpu.vector_store %arg8[%swap3A, %swap3A_61], %add3A_58 {strides = array<i32>} : memref<3072x768xf32, #tpu.memory_space<vmem>>, vector<128x768xf32>,
      }
    } else {
    }
    return
  }
  func.func @transform_0(%arg0: i32, %arg1: i32, %arg2: memref<16xi32, #tpu.memory_space<smem>>) -> (i32, i32) {
    %c0_i32 = arith.constant 0 : i32
    %c0_i32_0 = arith.constant 0 : i32
    %c0_i32_1 = arith.constant 0 : i32
    return %c0_i32, %c0_i32_0 : i32, i32
  }
  func.func @transform_1(%arg0: i32, %arg1: i32, %arg2: memref<16xi32, #tpu.memory_space<smem>>) -> (i32, i32, i32) {
    %c0_i32 = arith.constant 0 : i32
    %c0_i32_0 = arith.constant 0 : i32
    return %arg0, %c0_i32, %arg1 : i32, i32, i32
  }
  func.func @transform_2(%arg0: i32, %arg1: i32, %arg2: memref<16xi32, #tpu.memory_space<smem>>) -> (i32, i32, i32) {
    %c0_i32 = arith.constant 0 : i32
    %c0_i32_0 = arith.constant 0 : i32
    return %arg0, %c0_i32, %arg1 : i32, i32, i32
  }
  func.func @transform_3(%arg0: i32, %arg1: i32, %arg2: memref<16xi32, #tpu.memory_space<smem>>) -> (i32, i32, i32) {
    %c0_i32 = arith.constant 0 : i32
    %c0_i32_0 = arith.constant 0 : i32
    return %arg0, %arg1, %c0_i32 : i32, i32, i32
  }
  func.func @transform_4(%arg0: i32, %arg1: i32, %arg2: memref<16xi32, #tpu.memory_space<smem>>) -> (i32, i32, i32) {
    %c0_i32 = arith.constant 0 : i32
    %c0_i32_0 = arith.constant 0 : i32
    %c0_i32_1 = arith.constant 0 : i32
    return %arg0, %c0_i32, %c0_i32_0 : i32, i32, i32
  }
  func.func @transform_5(%arg0: i32, %arg1: i32, %arg2: memref<16xi32, #tpu.memory_space<smem>>) -> (i32, i32) {
    %c0_i32 = arith.constant 0 : i32
    %c0_i32_0 = arith.constant 0 : i32
    %c0_i32_1 = arith.constant 0 : i32
    return %c0_i32, %c0_i32_0 : i32, i32
  }
}

</mosaic_0001>

<sc_bundles>
// kernel: kernel.6.cloned.1.call-start
scs
__scs_entry_jumppad:
0x0: {  	(pc) =	sbr.rel $0x88, $3  }
0x1: {  	(tag) =	ssettag $0x0;
	lr =	simm.s32 $0x1  }
0x2: {  	[smem:$0x3F9B] =	sst lr;
	_ =	strace $0xD0000000  }
0x3: {  	_ = 	snop  }
0x4: {  	_ = 	snop  }
0x5: {  	_ = 	snop  }
0x6: {  	_ = 	snop  }
0x7: {  	_ = 	snop  }
__scs_overlays_trampoline_lowered:
0x8: {  	[smem:$0x3FAA] =	sst s0  }
0x9: {  	[smem:$0x3FAB] =	sst s1  }
0xa: {  	[smem:$0x3FAC] =	sst s2  }
0xb: {  	[smem:$0x3FAD] =	sst s3  }
0xc: {  	[smem:$0x3FAE] =	sst s4  }
0xd: {  	[smem:$0x3FAF] =	sst s5  }
0xe: {  	[smem:$0x3FB0] =	sst s6  }
0xf: {  	[smem:$0x3FB1] =	sst s7  }
0x10: {  	[smem:$0x3FB2] =	sst s8  }
0x11: {  	[smem:$0x3FB3] =	sst s9;
	s0 =	simm.s32 @!p0 $0x0  }
0x12: {  	s1 =	sld [smem:$0x3F99];
	s0 =	simm.s32 @p0 $0x1  }
0x13: {  	[smem:$0x3FB4] =	sst s0;
	s0 =	simm.s32 @!p1 $0x0  }
0x14: {  	s2 =	sld [smem:$0x3F98];
	s0 =	simm.s32 @p1 $0x1  }
0x15: {  	[smem:$0x3FB5] =	sst s0;
	s0 =	simm.s32 @!p2 $0x0  }
0x16: {  	s3 =	sld [smem:$0x3FDB];
	s0 =	simm.s32 @p2 $0x1  }
0x17: {  	s4 =	simm.s32 $0x1BF5;
	[smem:$0x3FB7] =	sst s0  }
0x18: {  	s0 =	sld [smem:$0x3F9A];
	_ =	swait.ge [sflag:s4], $0x0  }
0x19: {  	s7 =	sld [smem:$0x3F9B]  }
0x1a: {  	s8 =	sadd.s32 $0xFFFFE003, lr  }
0x1b: {  	s9 =	sadd.s32 $0xFFFFFEF7, lr;
	s5 =	simm.s32 $0xFFFFFFFF;
	p2 =	slt.u32 s8, $0xFFFFF086  }
0x1c: {  	p1 =	slt.u32 s9, $0xF7A;
	s5 =	simm.s32 @!p2 $0x0  }
0x1d: {  	s5 =	simm.s32 @p1 $0x1;
	p0 =	seq.s32 s7, s2  }
0x1e: {  	s7 =	smul.u32 @!p0 $0xF7A, s2;
	p2 =	seq.s32 @!p0 s5, $0x0  }
0x1f: {  	s9 =	smul.u32 $0xF7A, s1;
	s8 =	simm.s32 @!p0 $0x1BF5;
	p2 =	por !p2, p0  }
0x20: {  	[sflag:s8] =	ssyncset.s32 @!p0 $0xFFFFF086;
	s6 =	sadd.s32 @!p0 s3, s7;
	s7 =	simm.s32 @!p0 $0x108  }
0x21: {  	s3 =	sadd.s32 s3, s9;
	s6 =	sadd.s32 @!p0 $0x88, s6;
	s7 =	simm.s32 @p2 $0x1082  }
0x22: {  	[simem:s7], [sflag:s8] =	dma.local @!p0 [hbm:s6], $0xF7A  }
0x23: {  	s9 =	sor.u32 $0xD0000000, s2;
	s6 =	simm.s32 $0x108;
	_ =	swait.ge @!p0 [sflag:s8], $0x0  }
0x24: {  	s3 =	sadd.s32 $0x88, s3;
	s6 =	simm.s32 @!p1 $0x1082;
	[sflag:s4] =	ssyncset.s32 $0xFFFFF086  }
0x25: {  	[simem:s6], [sflag:s4] =	dma.local [hbm:s3], $0xF7A  }
0x26: {  	[smem:$0x3F9B] =	sst s1;
	(tag) =	ssettag s2;
	_ =	strace s9  }
0x27: {  	s1 =	sld [smem:$0x3FAB]  }
0x28: {  	s2 =	sld [smem:$0x3FAC]  }
0x29: {  	s4 =	sld [smem:$0x3FAE]  }
0x2a: {  	p0 =	seq.s32 s5, $0x0;
	s5 =	sld [smem:$0x3FAF]  }
0x2b: {  	s6 =	sld [smem:$0x3FB0]  }
0x2c: {  	s7 =	sld [smem:$0x3FB1]  }
0x2d: {  	s3 =	simm.s32 $0x108;
	s8 =	sld [smem:$0x3FB2]  }
0x2e: {  	s3 =	simm.s32 @!p0 $0x1082;
	s9 =	sld [smem:$0x3FB3]  }
0x2f: {  	lr =	sadd.s32 s0, s3;
	s0 =	sld [smem:$0x3FAA]  }
0x30: {  	s3 =	sld [smem:$0x3FAD]  }
0x31: {  	[smem:$0x3FB6] =	sst s10  }
0x32: {  	s10 =	sld [smem:$0x3FB4];
	_ =	sdelay $0x3  }
0x33: {  	p0 =	seq.s32 s10, $0x1;
	s10 =	sld [smem:$0x3FB6];
	_ =	sdelay $0x3  }
0x34: {  	[smem:$0x3FB6] =	sst s10  }
0x35: {  	s10 =	sld [smem:$0x3FB5];
	_ =	sdelay $0x3  }
0x36: {  	p1 =	seq.s32 s10, $0x1;
	s10 =	sld [smem:$0x3FB6];
	_ =	sdelay $0x3  }
0x37: {  	[smem:$0x3FB6] =	sst s10  }
0x38: {  	s10 =	sld [smem:$0x3FB7]  }
0x39: {  	_ = 	snop;
	(pc) =	sbr.ind lr, $3  }
0x3a: {  	_ = 	snop  }
0x3b: {  	_ = 	snop  }
0x3c: {  	p2 =	seq.s32 s10, $0x1;
	s10 =	sld [smem:$0x3FB6]  }
0x3d: {  	_ =	shalt  }
0x3e: {  	_ =	shalt  }
0x3f: {  	_ =	shalt  }
0x40: {  	_ =	shalt  }
0x41: {  	_ =	shalt  }
0x42: {  	_ =	shalt  }
0x43: {  	_ =	shalt  }
0x44: {  	_ =	shalt  }
0x45: {  	_ =	shalt  }
0x46: {  	_ =	shalt  }
0x47: {  	_ =	shalt  }
0x48: {  	_ =	shalt  }
0x49: {  	_ =	shalt  }
0x4a: {  	_ =	shalt  }
0x4b: {  	_ =	shalt  }
0x4c: {  	_ =	shalt  }
0x4d: {  	_ =	shalt  }
0x4e: {  	_ =	shalt  }
0x4f: {  	_ =	shalt  }
0x50: {  	_ =	shalt  }
0x51: {  	_ =	shalt  }
0x52: {  	_ =	shalt  }
0x53: {  	_ =	shalt  }
0x54: {  	_ =	shalt  }
0x55: {  	_ =	shalt  }
0x56: {  	_ =	shalt  }
0x57: {  	_ =	shalt  }
0x58: {  	_ =	shalt  }
0x59: {  	_ =	shalt  }
0x5a: {  	_ =	shalt  }
0x5b: {  	_ =	shalt  }
0x5c: {  	_ =	shalt  }
0x5d: {  	_ =	shalt  }
0x5e: {  	_ =	shalt  }
0x5f: {  	_ =	shalt  }
0x60: {  	_ =	shalt  }
0x61: {  	_ =	shalt  }
0x62: {  	_ =	shalt  }
0x63: {  	_ =	shalt  }
0x64: {  	_ =	shalt  }
0x65: {  	_ =	shalt  }
0x66: {  	_ =	shalt  }
0x67: {  	_ =	shalt  }
0x68: {  	_ =	shalt  }
0x69: {  	_ =	shalt  }
0x6a: {  	_ =	shalt  }
0x6b: {  	_ =	shalt  }
0x6c: {  	_ =	shalt  }
0x6d: {  	_ =	shalt  }
0x6e: {  	_ =	shalt  }
0x6f: {  	_ =	shalt  }
0x70: {  	_ =	shalt  }
0x71: {  	_ =	shalt  }
0x72: {  	_ =	shalt  }
0x73: {  	_ =	shalt  }
0x74: {  	_ =	shalt  }
0x75: {  	_ =	shalt  }
0x76: {  	_ =	shalt  }
0x77: {  	_ =	shalt  }
0x78: {  	_ =	shalt  }
0x79: {  	_ =	shalt  }
0x7a: {  	_ =	shalt  }
0x7b: {  	_ =	shalt  }
0x7c: {  	_ =	shalt  }
0x7d: {  	_ =	shalt  }
0x7e: {  	_ =	shalt  }
0x7f: {  	_ =	shalt  }
0x80: {  	_ =	shalt  }
0x81: {  	_ =	shalt  }
0x82: {  	_ =	shalt  }
0x83: {  	_ =	shalt  }
0x84: {  	_ =	shalt  }
0x85: {  	_ =	shalt  }
0x86: {  	_ =	shalt  }
0x87: {  	_ =	shalt  }
.Lfunc_end0:
.L_simem_size_0:
called_computation_lowered:
.L_overlay_start_0:
0x88: {  	s2 =	sld [smem:$0x3FD9]  }
0x89: {  	s3 =	sld [smem:$0x3FFE];
	_ =	sdelay $0x1  }
0x8a: {  	s1 =	srdreg.scid  }
0x8b: {  	s0 =	sand.u32 $0x1, s1  }
0x8c: {  	s14 =	sshll.u32 s0, $0xA;
	s2 =	sadd.s32 s3, s2  }
0x8d: {  	s2 =	sadd.s32 s2, s14  }
0x8e: {  	[smem:$0x3FC2] =	sst s2  }
0x8f: {  	_ = 	snop  }
0x90: {  	s2 =	sld [smem:$0x3FD0];
	_ =	sdelay $0x2  }
0x91: {  	s4 =	simm.s32 $0xA;
	s5 =	simm.s32 $0x10;
	s15 =	sld [smem:$0x3FC9]  }
0x92: {  	[smem:s5], [sflag:s4] =	dma.local [hbm:s2], $0x1  }
0x93: {  	_ =	swait.eq [sflag:s4], $0x1  }
0x94: {  	[sflag:s4] =	ssyncset.done $0x0  }
0x95: {  	[sflag:s4] =	ssyncadd.s32 $0xFFFFFFFF  }
0x96: {  	s16 =	sld [smem:$0x11];
	(tm) =	ssettm $0x1  }
0x97: {  	s17 =	sld [smem:$0x3FFB];
	_ =	sdelay $0x3  }
0x98: {  	_ =	strace s17  }
0x99: {  	s4 =	sld [smem:$0x3FFC];
	_ =	sdelay $0x3  }
0x9a: {  	_ =	strace s4  }
0x9b: {  	s4 =	sld [smem:$0x3FFD];
	_ =	sdelay $0x3  }
0x9c: {  	_ =	strace s4  }
0x9d: {  	_ =	strace $0x8FFFFFFF  }
0x9e: {  	s18 =	sld [smem:$0x3FDB];
	_ =	sdelay $0x1  }
0x9f: {  	s19 =	simm.s32 $_scs_section_size  }
0xa0: {  	s6 =	simm.s32 $_size__tile_overlayer_lowered;
	s7 =	simm.s32 $_tile_overlayer_lowered  }
0xa1: {  	s22 =	simm.s32 $0x1BFF;
	s21 =	sshll.u32 s7, $0x1;
	s4 =	sadd.s32 s19, s18  }
0xa2: {  	s8 =	simm.s32 $0x0;
	s20 =	sshll.u32 s6, $0x1;
	s6 =	sadd.s32 s21, s4  }
0xa3: {  	[timem:s8], [sflag:s22] =	dma.local [hbm:s6], s20  }
0xa4: {  	_ =	swait.ge [sflag:s22], s20  }
0xa5: {  	s5 =	ssub.s32 $0x0, s20;
	[sflag:s22] =	ssyncset.done $0x0  }
0xa6: {  	[sflag:s22] =	ssyncadd.s32 s5;
	_ =	sdelay $0x1  }
0xa7: {  	s23 =	simm.s32 $0x1B8B  }
0xa8: {  	_ =	swait.ge [sflag:s23], $0x1  }
0xa9: {  	[sflag:s23] =	ssyncset.done $0x0  }
0xaa: {  	s25 =	simm.s32 $0x1B8E;
	s24 =	sld [smem:$0x3FFE];
	[sflag:s23] =	ssyncadd.s32 $0xFFFFFFFF  }
0xab: {  	s26 =	simm.s32 $execute0_lowered;
	[smem:$0x3FD2] =	sst s25  }
0xac: {  	s6 =	sshll.u32 s26, $0x1;
	_ =	strace $0x80000046;
	[dreg:$0x1] =	wrdreg $0xFFFFFFFF  }
0xad: {  	s28 =	simm.s32 $_size_execute0_lowered;
	s4 =	sadd.s32 s4, s6;
	[dreg:$0x0] =	wrdreg $0x0  }
0xae: {  	s6 =	sshll.u32 s28, $0x1;
	[dreg:$0x2] =	wrdreg s4  }
0xaf: {  	[dreg:$0x3] =	wrdreg s6  }
0xb0: {  	[dreg:$0x4] =	wrdreg $0xC0  }
0xb1: {  	_ =	task [dreg:s8], $0x5FFFF  }
0xb2: {  	[dreg:$0x1] =	wrdreg $0xFFFFFFFF  }
0xb3: {  	[dreg:$0x0] =	wrdreg $0x60  }
0xb4: {  	[dreg:$0x2] =	wrdreg s15  }
0xb5: {  	[dreg:$0x3] =	wrdreg s16  }
0xb6: {  	[dreg:$0x4] =	wrdreg s24  }
0xb7: {  	[dreg:$0x5] =	wrdreg $0x9  }
0xb8: {  	_ =	task.clear_ibuf [dreg:s8], $0x6FFFF;
	_ =	strace $0x90000046  }
0xb9: {  	s29 =	simm.s32 $0x9;
	_ =	strace $0x80000048  }
0xba: {  	_ =	swait.ge [sflag:s29], $0x1  }
0xbb: {  	[sflag:s29] =	ssyncadd.s32 $0xFFFFFFFF  }
0xbc: {  	_ =	strace $0x90000048  }
0xbd: {  	_ =	sfence  }
0xbe: {  	s30 =	sld [smem:$0x0];
	_ =	sdelay $0x2  }
0xbf: {  	s31 =	sshll.u32 s1, $0xD;
	s1 =	sshrl.u32 s1, $0x2  }
0xc0: {  	s3 =	sand.u32 $0x4000, s31;
	s1 =	sadd.s32 s1, s30  }
0xc1: {  	s0 =	sor.u32 s3, s0;
	s1 =	sshll.u32 s1, $0x11  }
0xc2: {  	s0 =	sor.u32 s1, s0  }
0xc3: {  	s0 =	sadd.s32 $0x8F2B, s0  }
0xc4: {  	[sflag:s0] =	ssyncadd.remote.s32 $0x1  }
0xc5: {  	_ =	sfence.sel $0xFFFF  }
0xc6: {  	[dreg:$0x0] =	wrdreg $0xFFFFFFFF;
	(pc) =	sbr.abs _section_cstart, $3  }
0xc7: {  	[dreg:$0x1] =	wrdreg $0xFFFFFFFF  }
0xc8: {  	_ =	task.clear_ibuf [dreg:s8], $0x2FFFF;
	_ =	strace $0x9FFFFFFF  }
0xc9: {  	(tm) =	ssettm $0x7FFFFFFF  }
tec
execute0_lowered:
.L_overlay_start_1:
0x0: {  	(tag) =	ssettag $0x1  }
0x1: {  	s2 =	srdreg.scid  }
0x2: {  	s0 =	stileid.u32;
	s1 =	rddreg [dreg:$0x0]  }
0x3: {  	s4 =	rddreg [dreg:$0x1];
	s2 =	sand.u32 $0x1, s2;
	s3 =	sshll.u32 s0, $0x1  }
0x4: {  	s6 =	rddreg [dreg:$0x2];
	s5 =	sor.u32 s2, s3;
	s3 =	simm.s32 $0x0  }
0x5: {  	s13 =	simm.s32 $0x880;
	[smem:$0x7FF] =	sst s3  }
0x6: {  	s14 =	simm.s32 $0x1080;
	_ =	strace $0x80000047;
	[dreg:$0x6] =	wrdreg s13  }
0x7: {  	s15 =	simm.s32 $0x1880;
	s16 =	simm.s32 $0x2080;
	[dreg:$0x7] =	wrdreg s14  }
0x8: {  	s17 =	simm.s32 $0x2880;
	s18 =	simm.s32 $0x3080;
	[dreg:$0x8] =	wrdreg s15  }
0x9: {  	s20 =	simm.s32 $0x3880;
	s21 =	simm.s32 $0x4080;
	[dreg:$0x9] =	wrdreg s16  }
0xa: {  	s22 =	simm.s32 $0x4880;
	s23 =	simm.s32 $0x5080;
	[dreg:$0xa] =	wrdreg s17  }
0xb: {  	s24 =	simm.s32 $0x5880;
	s25 =	simm.s32 $0x6080;
	[dreg:$0xb] =	wrdreg s18  }
0xc: {  	s8 =	simm.s32 $0x80;
	s26 =	simm.s32 $0x6880;
	[dreg:$0xc] =	wrdreg s20  }
0xd: {  	s10 =	simm.s32 $0x7880;
	s11 =	simm.s32 $0x8080;
	[dreg:$0xd] =	wrdreg s21  }
0xe: {  	s28 =	simm.s32 $0x10080;
	s29 =	simm.s32 $0x10880;
	[dreg:$0xe] =	wrdreg s22  }
0xf: {  	s30 =	simm.s32 $0x11080;
	s31 =	simm.s32 $0x11880;
	[dreg:$0xf] =	wrdreg s23  }
0x10: {  	s2 =	ssub.s32 $0x2, s2;
	s7 =	smul.u32 $0x2400, s5;
	[dreg:$0x10] =	wrdreg s24  }
0x11: {  	s5 =	smul.u32 $0xC, s5;
	s19 =	sshrl.u32 s2, $0x1;
	[dreg:$0x11] =	wrdreg s25  }
0x12: {  	s2 =	ssub.s32 s2, s19;
	[dreg:$0x12] =	wrdreg s26;
	s13 =	simm.s32 $0x9080  }
0x13: {  	s14 =	simm.s32 $0x9880;
	s15 =	simm.s32 $0xA080;
	s16 =	simm.s32 $0xA880  }
0x14: {  	s17 =	simm.s32 $0xB080;
	s18 =	simm.s32 $0xB880;
	s19 =	simm.s32 $0xC080  }
0x15: {  	s20 =	simm.s32 $0xC880;
	s21 =	simm.s32 $0xD080;
	s22 =	simm.s32 $0xD880  }
0x16: {  	s23 =	simm.s32 $0xE080;
	s24 =	simm.s32 $0xE880;
	s25 =	simm.s32 $0xF080  }
0x17: {  	s26 =	simm.s32 $0xF880;
	s6 =	sadd.s32 s7, s6;
	s4 =	sadd.s32 s4, s5  }
0x18: {  	v2 =	vlaneseq.u32;
	s5 =	sadd.s32 $0x200, s1;
	s7 =	simm.s32 $0x2;
	[dreg:$0x4] =	wrdreg s4  }
0x19: {  	vm0 =	vmmov $0xffff;
	v1 =	vshrl.u32 v2, $0x3;
	s12 =	sadd.s32 $0x8E00, s6;
	s4 =	sadd.s32 $0x100, s1;
	s6 =	smax.u32 s2, $0x1  }
0x1a: {  	v0 =	vand.u32 $0x7, v2;
	v2 =	vor.u32 $0x8, v2;
	v1 =	vmul.u32 $0x8, v1;
	s2 =	simm.s32 $0x1;
	[dreg:$0x5] =	wrdreg s12;
	s12 =	simm.s32 $0x8880  }
.LBB2_1:
0x1b: {  	s0 =	rddreg [dreg:$0x4]  }
0x1c: {  	[tilespmem:s3], [sflag:$0x2] =	stream.linear.gather [hbm4b:s0+s3], $0x60, $0x38;
	[tilespmem:$0x12080] =	vst v63  }
0x1d: {  	_ =	swait.ge [sflag:s7], $0x60  }
0x1e: {  	[sflag:s7] =	ssyncset.done $0x0  }
0x1f: {  	[sflag:s7] =	ssyncadd.s32 $0xFFFFFFA0  }
0x20: {  	v3 =	vld [tilespmem:$0x0];
	_ =	sdelay $0x4  }
0x21: {  	v4 =	vshrl.u32 v3, $0x3  }
0x22: {  	v4 =	vmul.u32 $0x30, v4  }
0x23: {  	v3 =	vand.u32 $0x7, v3  }
0x24: {  	v3 =	vor.u32 v3, v4  }
0x25: {  	v4 =	vperm.xlane v3, v0;
	_ =	sdelay $0x1  }
0x26: {  	v4 =	vadd.s32 v1, v4;
	_ =	sdelay $0x3  }
0x27: {  	v3 =	vperm.xlane v3, v2  }
0x28: {  	[tilespmem:s8], [sflag:$0x1] =	stream.indirect_vreg.gather [hbm4b:s1+s3], $0x80, v4, vm0, $0xb8;
	[tilespmem:$0x12080] =	vst v63  }
0x29: {  	s0 =	rddreg [dreg:$0x6];
	v3 =	vadd.s32 v1, v3  }
0x2a: {  	[tilespmem:s0], [sflag:$0x1] =	stream.indirect_vreg.gather [hbm4b:s4+s3], $0x80, v4, vm0, $0xb8;
	[tilespmem:$0x12080] =	vst v63  }
0x2b: {  	s9 =	rddreg [dreg:$0x7]  }
0x2c: {  	[tilespmem:s9], [sflag:$0x1] =	stream.indirect_vreg.gather [hbm4b:s5+s3], $0x80, v4, vm0, $0xb8;
	[tilespmem:$0x12080] =	vst v63  }
0x2d: {  	s0 =	rddreg [dreg:$0x8]  }
0x2e: {  	[tilespmem:s0], [sflag:$0x1] =	stream.indirect_vreg.gather [hbm4b:s1+s3], $0x80, v3, vm0, $0xb8;
	[tilespmem:$0x12080] =	vst v63  }
0x2f: {  	s9 =	rddreg [dreg:$0x9]  }
0x30: {  	[tilespmem:s9], [sflag:$0x1] =	stream.indirect_vreg.gather [hbm4b:s4+s3], $0x80, v3, vm0, $0xb8;
	[tilespmem:$0x12080] =	vst v63  }
0x31: {  	s0 =	rddreg [dreg:$0xa]  }
0x32: {  	[tilespmem:s0], [sflag:$0x1] =	stream.indirect_vreg.gather [hbm4b:s5+s3], $0x80, v3, vm0, $0xb8;
	[tilespmem:$0x12080] =	vst v63  }
0x33: {  	v3 =	vld [tilespmem:$0x10];
	_ =	sdelay $0x4  }
0x34: {  	v59 =	vshrl.u32 v3, $0x3  }
0x35: {  	v4 =	vmul.u32 $0x30, v59  }
0x36: {  	v3 =	vand.u32 $0x7, v3  }
0x37: {  	v3 =	vor.u32 v3, v4  }
0x38: {  	v4 =	vperm.xlane v3, v0;
	_ =	sdelay $0x1  }
0x39: {  	v4 =	vadd.s32 v1, v4;
	_ =	sdelay $0x3  }
0x3a: {  	s0 =	rddreg [dreg:$0xb];
	v3 =	vperm.xlane v3, v2  }
0x3b: {  	[tilespmem:s0], [sflag:$0x1] =	stream.indirect_vreg.gather [hbm4b:s1+s3], $0x80, v4, vm0, $0xb8;
	[tilespmem:$0x12080] =	vst v63  }
0x3c: {  	s9 =	rddreg [dreg:$0xc];
	v3 =	vadd.s32 v1, v3  }
0x3d: {  	[tilespmem:s9], [sflag:$0x1] =	stream.indirect_vreg.gather [hbm4b:s4+s3], $0x80, v4, vm0, $0xb8;
	[tilespmem:$0x12080] =	vst v63  }
0x3e: {  	s0 =	rddreg [dreg:$0xd]  }
0x3f: {  	[tilespmem:s0], [sflag:$0x1] =	stream.indirect_vreg.gather [hbm4b:s5+s3], $0x80, v4, vm0, $0xb8;
	[tilespmem:$0x12080] =	vst v63  }
0x40: {  	s9 =	rddreg [dreg:$0xe]  }
0x41: {  	[tilespmem:s9], [sflag:$0x1] =	stream.indirect_vreg.gather [hbm4b:s1+s3], $0x80, v3, vm0, $0xb8;
	[tilespmem:$0x12080] =	vst v63  }
0x42: {  	s0 =	rddreg [dreg:$0xf]  }
0x43: {  	[tilespmem:s0], [sflag:$0x1] =	stream.indirect_vreg.gather [hbm4b:s4+s3], $0x80, v3, vm0, $0xb8;
	[tilespmem:$0x12080] =	vst v63  }
0x44: {  	s9 =	rddreg [dreg:$0x10]  }
0x45: {  	[tilespmem:s9], [sflag:$0x1] =	stream.indirect_vreg.gather [hbm4b:s5+s3], $0x80, v3, vm0, $0xb8;
	[tilespmem:$0x12080] =	vst v63  }
0x46: {  	v3 =	vld [tilespmem:$0x20];
	_ =	sdelay $0x4  }
0x47: {  	v60 =	vshrl.u32 v3, $0x3  }
0x48: {  	v4 =	vmul.u32 $0x30, v60  }
0x49: {  	v3 =	vand.u32 $0x7, v3  }
0x4a: {  	v3 =	vor.u32 v3, v4  }
0x4b: {  	v4 =	vperm.xlane v3, v0;
	_ =	sdelay $0x1  }
0x4c: {  	v4 =	vadd.s32 v1, v4;
	_ =	sdelay $0x3  }
0x4d: {  	s0 =	rddreg [dreg:$0x11];
	v3 =	vperm.xlane v3, v2  }
0x4e: {  	[tilespmem:s0], [sflag:$0x1] =	stream.indirect_vreg.gather [hbm4b:s1+s3], $0x80, v4, vm0, $0xb8;
	[tilespmem:$0x12080] =	vst v63  }
0x4f: {  	s9 =	rddreg [dreg:$0x12];
	v3 =	vadd.s32 v1, v3  }
0x50: {  	[tilespmem:s9], [sflag:$0x1] =	stream.indirect_vreg.gather [hbm4b:s4+s3], $0x80, v4, vm0, $0xb8;
	[tilespmem:$0x12080] =	vst v63  }
0x51: {  	s9 =	simm.s32 $0x7080  }
0x52: {  	[tilespmem:s9], [sflag:$0x1] =	stream.indirect_vreg.gather [hbm4b:s5+s3], $0x80, v4, vm0, $0xb8;
	[tilespmem:$0x12080] =	vst v63  }
0x53: {  	_ = 	snop  }
0x54: {  	[tilespmem:s10], [sflag:$0x1] =	stream.indirect_vreg.gather [hbm4b:s1+s3], $0x80, v3, vm0, $0xb8;
	[tilespmem:$0x12080] =	vst v63  }
0x55: {  	_ = 	snop  }
0x56: {  	[tilespmem:s11], [sflag:$0x1] =	stream.indirect_vreg.gather [hbm4b:s4+s3], $0x80, v3, vm0, $0xb8;
	[tilespmem:$0x12080] =	vst v63  }
0x57: {  	_ = 	snop  }
0x58: {  	[tilespmem:s12], [sflag:$0x1] =	stream.indirect_vreg.gather [hbm4b:s5+s3], $0x80, v3, vm0, $0xb8;
	[tilespmem:$0x12080] =	vst v63  }
0x59: {  	v3 =	vld [tilespmem:$0x30];
	_ =	sdelay $0x4  }
0x5a: {  	v61 =	vshrl.u32 v3, $0x3  }
0x5b: {  	v4 =	vmul.u32 $0x30, v61  }
0x5c: {  	v3 =	vand.u32 $0x7, v3  }
0x5d: {  	v3 =	vor.u32 v3, v4  }
0x5e: {  	v4 =	vperm.xlane v3, v0;
	_ =	sdelay $0x1  }
0x5f: {  	v4 =	vadd.s32 v1, v4;
	_ =	sdelay $0x3  }
0x60: {  	v3 =	vperm.xlane v3, v2  }
0x61: {  	[tilespmem:s13], [sflag:$0x1] =	stream.indirect_vreg.gather [hbm4b:s1+s3], $0x80, v4, vm0, $0xb8;
	[tilespmem:$0x12080] =	vst v63  }
0x62: {  	v3 =	vadd.s32 v1, v3  }
0x63: {  	[tilespmem:s14], [sflag:$0x1] =	stream.indirect_vreg.gather [hbm4b:s4+s3], $0x80, v4, vm0, $0xb8;
	[tilespmem:$0x12080] =	vst v63  }
0x64: {  	_ = 	snop  }
0x65: {  	[tilespmem:s15], [sflag:$0x1] =	stream.indirect_vreg.gather [hbm4b:s5+s3], $0x80, v4, vm0, $0xb8;
	[tilespmem:$0x12080] =	vst v63  }
0x66: {  	_ = 	snop  }
0x67: {  	[tilespmem:s16], [sflag:$0x1] =	stream.indirect_vreg.gather [hbm4b:s1+s3], $0x80, v3, vm0, $0xb8;
	[tilespmem:$0x12080] =	vst v63  }
0x68: {  	_ = 	snop  }
0x69: {  	[tilespmem:s17], [sflag:$0x1] =	stream.indirect_vreg.gather [hbm4b:s4+s3], $0x80, v3, vm0, $0xb8;
	[tilespmem:$0x12080] =	vst v63  }
0x6a: {  	_ = 	snop  }
0x6b: {  	[tilespmem:s18], [sflag:$0x1] =	stream.indirect_vreg.gather [hbm4b:s5+s3], $0x80, v3, vm0, $0xb8;
	[tilespmem:$0x12080] =	vst v63  }
0x6c: {  	v3 =	vld [tilespmem:$0x40];
	_ =	sdelay $0x4  }
0x6d: {  	v62 =	vshrl.u32 v3, $0x3  }
0x6e: {  	v4 =	vmul.u32 $0x30, v62  }
0x6f: {  	v3 =	vand.u32 $0x7, v3  }
0x70: {  	v3 =	vor.u32 v3, v4  }
0x71: {  	v4 =	vperm.xlane v3, v0;
	_ =	sdelay $0x1  }
0x72: {  	v4 =	vadd.s32 v1, v4;
	_ =	sdelay $0x3  }
0x73: {  	v3 =	vperm.xlane v3, v2  }
0x74: {  	[tilespmem:s19], [sflag:$0x1] =	stream.indirect_vreg.gather [hbm4b:s1+s3], $0x80, v4, vm0, $0xb8;
	[tilespmem:$0x12080] =	vst v63  }
0x75: {  	v3 =	vadd.s32 v1, v3  }
0x76: {  	[tilespmem:s20], [sflag:$0x1] =	stream.indirect_vreg.gather [hbm4b:s4+s3], $0x80, v4, vm0, $0xb8;
	[tilespmem:$0x12080] =	vst v63  }
0x77: {  	_ = 	snop  }
0x78: {  	[tilespmem:s21], [sflag:$0x1] =	stream.indirect_vreg.gather [hbm4b:s5+s3], $0x80, v4, vm0, $0xb8;
	[tilespmem:$0x12080] =	vst v63  }
0x79: {  	_ = 	snop  }
0x7a: {  	[tilespmem:s22], [sflag:$0x1] =	stream.indirect_vreg.gather [hbm4b:s1+s3], $0x80, v3, vm0, $0xb8;
	[tilespmem:$0x12080] =	vst v63  }
0x7b: {  	_ = 	snop  }
0x7c: {  	[tilespmem:s23], [sflag:$0x1] =	stream.indirect_vreg.gather [hbm4b:s4+s3], $0x80, v3, vm0, $0xb8;
	[tilespmem:$0x12080] =	vst v63  }
0x7d: {  	_ = 	snop  }
0x7e: {  	[tilespmem:s24], [sflag:$0x1] =	stream.indirect_vreg.gather [hbm4b:s5+s3], $0x80, v3, vm0, $0xb8;
	[tilespmem:$0x12080] =	vst v63  }
0x7f: {  	v3 =	vld [tilespmem:$0x50];
	_ =	sdelay $0x4  }
0x80: {  	v63 =	vshrl.u32 v3, $0x3  }
0x81: {  	v4 =	vmul.u32 $0x30, v63  }
0x82: {  	v3 =	vand.u32 $0x7, v3  }
0x83: {  	v3 =	vor.u32 v3, v4  }
0x84: {  	v4 =	vperm.xlane v3, v0;
	_ =	sdelay $0x1  }
0x85: {  	v4 =	vadd.s32 v1, v4;
	_ =	sdelay $0x3  }
0x86: {  	v3 =	vperm.xlane v3, v2  }
0x87: {  	[tilespmem:s25], [sflag:$0x1] =	stream.indirect_vreg.gather [hbm4b:s1+s3], $0x80, v4, vm0, $0xb8;
	[tilespmem:$0x12080] =	vst v63  }
0x88: {  	v3 =	vadd.s32 v1, v3  }
0x89: {  	[tilespmem:s26], [sflag:$0x1] =	stream.indirect_vreg.gather [hbm4b:s4+s3], $0x80, v4, vm0, $0xb8;
	[tilespmem:$0x12080] =	vst v63  }
0x8a: {  	_ = 	snop  }
0x8b: {  	[tilespmem:s28], [sflag:$0x1] =	stream.indirect_vreg.gather [hbm4b:s5+s3], $0x80, v4, vm0, $0xb8;
	[tilespmem:$0x12080] =	vst v63  }
0x8c: {  	_ = 	snop  }
0x8d: {  	[tilespmem:s29], [sflag:$0x1] =	stream.indirect_vreg.gather [hbm4b:s1+s3], $0x80, v3, vm0, $0xb8;
	[tilespmem:$0x12080] =	vst v63  }
0x8e: {  	_ = 	snop  }
0x8f: {  	[tilespmem:s30], [sflag:$0x1] =	stream.indirect_vreg.gather [hbm4b:s4+s3], $0x80, v3, vm0, $0xb8;
	[tilespmem:$0x12080] =	vst v63  }
0x90: {  	_ = 	snop  }
0x91: {  	[tilespmem:s31], [sflag:$0x1] =	stream.indirect_vreg.gather [hbm4b:s5+s3], $0x80, v3, vm0, $0xb8;
	[tilespmem:$0x12080] =	vst v63  }
0x92: {  	_ =	swait.ge [sflag:s2], $0x12000  }
0x93: {  	p0 =	sne.s32 s6, $0x1;
	[sflag:s2] =	ssyncset.done $0x0  }
.Ltmp0:
0x94: {  	s9 =	rddreg [dreg:$0x5];
	[sflag:s2] =	ssyncadd.s32 $0xFFFEE000;
	(pc) =	sbr.rel @p0 .LBB2_1-.Ltmp0, $4  }
0x95: {  	[hbm4b:s9+s3] =	stream.linear.scatter [tilespmem:s8], [sflag:$0x2], $0x12000, $0x38;
	[tilespmem:$0x12080] =	vst v63  }
0x96: {  	_ =	swait.ge [sflag:s7], $0x12000  }
0x97: {  	[sflag:s7] =	ssyncset.done $0x0  }
0x98: {  	s6 =	sadd.s32 $0xFFFFFFFF, s6;
	[sflag:s7] =	ssyncadd.s32 $0xFFFEE000  }
0x99: {  	_ =	sfence.sel $0x180000  }
0x9a: {  	[bflag:$0x0] =	sbarrier.arrive $0xFFFF  }
0x9b: {  	_ =	strace $0x90000047  }
0x9c: {  	s0 =	stileid.u32;
	[bflag:$0x2] =	sbarrier.arrive $0xFFFF  }
0x9d: {  	p0 =	sne.s32 s0, $0x0;
	s0 =	rddreg [dreg:$0x3]  }
0x9e: {  	s0 =	sadd.s32 @!p0 $0x100000, s0  }
0x9f: {  	[sflag:s0] =	ssyncadd.tile.s32 @!p0 $0x1;
	_ =	shalt  }
.Lfunc_end2:
_tile_overlayer_lowered:
.L_overlay_start_2:
0xa0: {  	(tag) =	ssettag $0x2  }
0xa1: {  	s0 =	rddreg [dreg:$0x0];
	s2 =	stileid.u32  }
0xa2: {  	s1 =	rddreg [dreg:$0x1];
	p0 =	sne.s32 s2, $0x0  }
0xa3: {  	s3 =	rddreg [dreg:$0x2];
	[bflag:$0x3] =	sbarrier.arrive $0xFFFF;
	s2 =	simm.s32 @!p0 $0x1C02  }
0xa4: {  	[timem:s3], [sflag:s2] =	dma.local @!p0 [hbm:s0], s1  }
0xa5: {  	s0 =	simm.s32 @!p0 $0x2  }
0xa6: {  	_ =	swait.ge @!p0 [sflag:s0], s1  }
0xa7: {  	s1 =	ssub.s32 @!p0 $0x0, s1;
	[sflag:s0] =	ssyncset.done @!p0 $0x0  }
0xa8: {  	[sflag:s0] =	ssyncadd.s32 @!p0 s1  }
0xa9: {  	[bflag:$0x3] =	sbarrier.arrive $0xFFFF  }
0xaa: {  	_ =	shalt  }

// kernel: kernel.9.cloned.1.call-start
scs
__scs_entry_jumppad:
0x0: {  	(pc) =	sbr.rel $0x88, $3  }
0x1: {  	(tag) =	ssettag $0x0;
	lr =	simm.s32 $0x1  }
0x2: {  	[smem:$0x3F9B] =	sst lr;
	_ =	strace $0xD0000000  }
0x3: {  	_ = 	snop  }
0x4: {  	_ = 	snop  }
0x5: {  	_ = 	snop  }
0x6: {  	_ = 	snop  }
0x7: {  	_ = 	snop  }
__scs_overlays_trampoline_lowered:
0x8: {  	[smem:$0x3FAA] =	sst s0  }
0x9: {  	[smem:$0x3FAB] =	sst s1  }
0xa: {  	[smem:$0x3FAC] =	sst s2  }
0xb: {  	[smem:$0x3FAD] =	sst s3  }
0xc: {  	[smem:$0x3FAE] =	sst s4  }
0xd: {  	[smem:$0x3FAF] =	sst s5  }
0xe: {  	[smem:$0x3FB0] =	sst s6  }
0xf: {  	[smem:$0x3FB1] =	sst s7  }
0x10: {  	[smem:$0x3FB2] =	sst s8  }
0x11: {  	[smem:$0x3FB3] =	sst s9;
	s0 =	simm.s32 @!p0 $0x0  }
0x12: {  	s1 =	sld [smem:$0x3F99];
	s0 =	simm.s32 @p0 $0x1  }
0x13: {  	[smem:$0x3FB4] =	sst s0;
	s0 =	simm.s32 @!p1 $0x0  }
0x14: {  	s2 =	sld [smem:$0x3F98];
	s0 =	simm.s32 @p1 $0x1  }
0x15: {  	[smem:$0x3FB5] =	sst s0;
	s0 =	simm.s32 @!p2 $0x0  }
0x16: {  	s3 =	sld [smem:$0x3FDB];
	s0 =	simm.s32 @p2 $0x1  }
0x17: {  	s4 =	simm.s32 $0x1BF5;
	[smem:$0x3FB7] =	sst s0  }
0x18: {  	s0 =	sld [smem:$0x3F9A];
	_ =	swait.ge [sflag:s4], $0x0  }
0x19: {  	s7 =	sld [smem:$0x3F9B]  }
0x1a: {  	s8 =	sadd.s32 $0xFFFFE003, lr  }
0x1b: {  	s9 =	sadd.s32 $0xFFFFFEF7, lr;
	s5 =	simm.s32 $0xFFFFFFFF;
	p2 =	slt.u32 s8, $0xFFFFF086  }
0x1c: {  	p1 =	slt.u32 s9, $0xF7A;
	s5 =	simm.s32 @!p2 $0x0  }
0x1d: {  	s5 =	simm.s32 @p1 $0x1;
	p0 =	seq.s32 s7, s2  }
0x1e: {  	s7 =	smul.u32 @!p0 $0xF7A, s2;
	p2 =	seq.s32 @!p0 s5, $0x0  }
0x1f: {  	s9 =	smul.u32 $0xF7A, s1;
	s8 =	simm.s32 @!p0 $0x1BF5;
	p2 =	por !p2, p0  }
0x20: {  	[sflag:s8] =	ssyncset.s32 @!p0 $0xFFFFF086;
	s6 =	sadd.s32 @!p0 s3, s7;
	s7 =	simm.s32 @!p0 $0x108  }
0x21: {  	s3 =	sadd.s32 s3, s9;
	s6 =	sadd.s32 @!p0 $0x88, s6;
	s7 =	simm.s32 @p2 $0x1082  }
0x22: {  	[simem:s7], [sflag:s8] =	dma.local @!p0 [hbm:s6], $0xF7A  }
0x23: {  	s9 =	sor.u32 $0xD0000000, s2;
	s6 =	simm.s32 $0x108;
	_ =	swait.ge @!p0 [sflag:s8], $0x0  }
0x24: {  	s3 =	sadd.s32 $0x88, s3;
	s6 =	simm.s32 @!p1 $0x1082;
	[sflag:s4] =	ssyncset.s32 $0xFFFFF086  }
0x25: {  	[simem:s6], [sflag:s4] =	dma.local [hbm:s3], $0xF7A  }
0x26: {  	[smem:$0x3F9B] =	sst s1;
	(tag) =	ssettag s2;
	_ =	strace s9  }
0x27: {  	s1 =	sld [smem:$0x3FAB]  }
0x28: {  	s2 =	sld [smem:$0x3FAC]  }
0x29: {  	s4 =	sld [smem:$0x3FAE]  }
0x2a: {  	p0 =	seq.s32 s5, $0x0;
	s5 =	sld [smem:$0x3FAF]  }
0x2b: {  	s6 =	sld [smem:$0x3FB0]  }
0x2c: {  	s7 =	sld [smem:$0x3FB1]  }
0x2d: {  	s3 =	simm.s32 $0x108;
	s8 =	sld [smem:$0x3FB2]  }
0x2e: {  	s3 =	simm.s32 @!p0 $0x1082;
	s9 =	sld [smem:$0x3FB3]  }
0x2f: {  	lr =	sadd.s32 s0, s3;
	s0 =	sld [smem:$0x3FAA]  }
0x30: {  	s3 =	sld [smem:$0x3FAD]  }
0x31: {  	[smem:$0x3FB6] =	sst s10  }
0x32: {  	s10 =	sld [smem:$0x3FB4];
	_ =	sdelay $0x3  }
0x33: {  	p0 =	seq.s32 s10, $0x1;
	s10 =	sld [smem:$0x3FB6];
	_ =	sdelay $0x3  }
0x34: {  	[smem:$0x3FB6] =	sst s10  }
0x35: {  	s10 =	sld [smem:$0x3FB5];
	_ =	sdelay $0x3  }
0x36: {  	p1 =	seq.s32 s10, $0x1;
	s10 =	sld [smem:$0x3FB6];
	_ =	sdelay $0x3  }
0x37: {  	[smem:$0x3FB6] =	sst s10  }
0x38: {  	s10 =	sld [smem:$0x3FB7]  }
0x39: {  	_ = 	snop;
	(pc) =	sbr.ind lr, $3  }
0x3a: {  	_ = 	snop  }
0x3b: {  	_ = 	snop  }
0x3c: {  	p2 =	seq.s32 s10, $0x1;
	s10 =	sld [smem:$0x3FB6]  }
0x3d: {  	_ =	shalt  }
0x3e: {  	_ =	shalt  }
0x3f: {  	_ =	shalt  }
0x40: {  	_ =	shalt  }
0x41: {  	_ =	shalt  }
0x42: {  	_ =	shalt  }
0x43: {  	_ =	shalt  }
0x44: {  	_ =	shalt  }
0x45: {  	_ =	shalt  }
0x46: {  	_ =	shalt  }
0x47: {  	_ =	shalt  }
0x48: {  	_ =	shalt  }
0x49: {  	_ =	shalt  }
0x4a: {  	_ =	shalt  }
0x4b: {  	_ =	shalt  }
0x4c: {  	_ =	shalt  }
0x4d: {  	_ =	shalt  }
0x4e: {  	_ =	shalt  }
0x4f: {  	_ =	shalt  }
0x50: {  	_ =	shalt  }
0x51: {  	_ =	shalt  }
0x52: {  	_ =	shalt  }
0x53: {  	_ =	shalt  }
0x54: {  	_ =	shalt  }
0x55: {  	_ =	shalt  }
0x56: {  	_ =	shalt  }
0x57: {  	_ =	shalt  }
0x58: {  	_ =	shalt  }
0x59: {  	_ =	shalt  }
0x5a: {  	_ =	shalt  }
0x5b: {  	_ =	shalt  }
0x5c: {  	_ =	shalt  }
0x5d: {  	_ =	shalt  }
0x5e: {  	_ =	shalt  }
0x5f: {  	_ =	shalt  }
0x60: {  	_ =	shalt  }
0x61: {  	_ =	shalt  }
0x62: {  	_ =	shalt  }
0x63: {  	_ =	shalt  }
0x64: {  	_ =	shalt  }
0x65: {  	_ =	shalt  }
0x66: {  	_ =	shalt  }
0x67: {  	_ =	shalt  }
0x68: {  	_ =	shalt  }
0x69: {  	_ =	shalt  }
0x6a: {  	_ =	shalt  }
0x6b: {  	_ =	shalt  }
0x6c: {  	_ =	shalt  }
0x6d: {  	_ =	shalt  }
0x6e: {  	_ =	shalt  }
0x6f: {  	_ =	shalt  }
0x70: {  	_ =	shalt  }
0x71: {  	_ =	shalt  }
0x72: {  	_ =	shalt  }
0x73: {  	_ =	shalt  }
0x74: {  	_ =	shalt  }
0x75: {  	_ =	shalt  }
0x76: {  	_ =	shalt  }
0x77: {  	_ =	shalt  }
0x78: {  	_ =	shalt  }
0x79: {  	_ =	shalt  }
0x7a: {  	_ =	shalt  }
0x7b: {  	_ =	shalt  }
0x7c: {  	_ =	shalt  }
0x7d: {  	_ =	shalt  }
0x7e: {  	_ =	shalt  }
0x7f: {  	_ =	shalt  }
0x80: {  	_ =	shalt  }
0x81: {  	_ =	shalt  }
0x82: {  	_ =	shalt  }
0x83: {  	_ =	shalt  }
0x84: {  	_ =	shalt  }
0x85: {  	_ =	shalt  }
0x86: {  	_ =	shalt  }
0x87: {  	_ =	shalt  }
.Lfunc_end0:
.L_simem_size_0:
called_computation.1_lowered:
.L_overlay_start_0:
0x88: {  	s2 =	sld [smem:$0x3FD9]  }
0x89: {  	s3 =	sld [smem:$0x3FFE];
	_ =	sdelay $0x1  }
0x8a: {  	s1 =	srdreg.scid  }
0x8b: {  	s0 =	sand.u32 $0x1, s1  }
0x8c: {  	s14 =	sshll.u32 s0, $0xA;
	s2 =	sadd.s32 s3, s2  }
0x8d: {  	s2 =	sadd.s32 s2, s14  }
0x8e: {  	[smem:$0x3FC2] =	sst s2  }
0x8f: {  	_ = 	snop  }
0x90: {  	s2 =	sld [smem:$0x3FD0];
	_ =	sdelay $0x2  }
0x91: {  	s15 =	simm.s32 $0xA;
	s4 =	simm.s32 $0x10  }
0x92: {  	[smem:s4], [sflag:s15] =	dma.local [hbm:s2], $0x1  }
0x93: {  	_ =	swait.eq [sflag:s15], $0x1  }
0x94: {  	[sflag:s15] =	ssyncset.done $0x0  }
0x95: {  	[sflag:s15] =	ssyncadd.s32 $0xFFFFFFFF  }
0x96: {  	s16 =	sld [smem:$0x10];
	(tm) =	ssettm $0x1  }
0x97: {  	s17 =	sld [smem:$0x3FFB];
	_ =	sdelay $0x3  }
0x98: {  	_ =	strace s17  }
0x99: {  	s3 =	sld [smem:$0x3FFC];
	_ =	sdelay $0x3  }
0x9a: {  	_ =	strace s3  }
0x9b: {  	s3 =	sld [smem:$0x3FFD];
	_ =	sdelay $0x3  }
0x9c: {  	_ =	strace s3  }
0x9d: {  	_ =	strace $0x8FFFFFFF  }
0x9e: {  	s18 =	sld [smem:$0x3FDB];
	_ =	sdelay $0x1  }
0x9f: {  	s19 =	simm.s32 $_scs_section_size  }
0xa0: {  	s5 =	simm.s32 $_size__tile_overlayer_lowered;
	s6 =	simm.s32 $_tile_overlayer_lowered  }
0xa1: {  	s22 =	simm.s32 $0x1BFF;
	s21 =	sshll.u32 s6, $0x1;
	s3 =	sadd.s32 s19, s18  }
0xa2: {  	s7 =	simm.s32 $0x0;
	s20 =	sshll.u32 s5, $0x1;
	s5 =	sadd.s32 s21, s3  }
0xa3: {  	[timem:s7], [sflag:s22] =	dma.local [hbm:s5], s20  }
0xa4: {  	_ =	swait.ge [sflag:s22], s20  }
0xa5: {  	s4 =	ssub.s32 $0x0, s20;
	[sflag:s22] =	ssyncset.done $0x0  }
0xa6: {  	[sflag:s22] =	ssyncadd.s32 s4;
	_ =	sdelay $0x1  }
0xa7: {  	s23 =	simm.s32 $0x1B8B  }
0xa8: {  	_ =	swait.ge [sflag:s23], $0x1  }
0xa9: {  	[sflag:s23] =	ssyncset.done $0x0  }
0xaa: {  	s25 =	simm.s32 $0x1B8E;
	s24 =	sld [smem:$0x3FFE];
	[sflag:s23] =	ssyncadd.s32 $0xFFFFFFFF  }
0xab: {  	s26 =	simm.s32 $execute0_lowered;
	[smem:$0x3FD2] =	sst s25  }
0xac: {  	s5 =	sshll.u32 s26, $0x1;
	_ =	strace $0x80000049;
	[dreg:$0x1] =	wrdreg $0xFFFFFFFF  }
0xad: {  	s28 =	simm.s32 $_size_execute0_lowered;
	s3 =	sadd.s32 s3, s5;
	[dreg:$0x0] =	wrdreg $0x0  }
0xae: {  	s5 =	sshll.u32 s28, $0x1;
	[dreg:$0x2] =	wrdreg s3  }
0xaf: {  	[dreg:$0x3] =	wrdreg s5  }
0xb0: {  	[dreg:$0x4] =	wrdreg $0xC0  }
0xb1: {  	_ =	task [dreg:s7], $0x5FFFF  }
0xb2: {  	[dreg:$0x1] =	wrdreg $0xFFFFFFFF  }
0xb3: {  	[dreg:$0x0] =	wrdreg $0x60  }
0xb4: {  	[dreg:$0x2] =	wrdreg s24  }
0xb5: {  	[dreg:$0x3] =	wrdreg s16  }
0xb6: {  	[dreg:$0x4] =	wrdreg $0x9  }
0xb7: {  	_ =	task.clear_ibuf [dreg:s7], $0x5FFFF;
	_ =	strace $0x90000049  }
0xb8: {  	s29 =	simm.s32 $0x9;
	_ =	strace $0x8000004B  }
0xb9: {  	_ =	swait.ge [sflag:s29], $0x1  }
0xba: {  	[sflag:s29] =	ssyncadd.s32 $0xFFFFFFFF  }
0xbb: {  	_ =	strace $0x9000004B  }
0xbc: {  	_ =	sfence  }
0xbd: {  	s30 =	sld [smem:$0x0];
	_ =	sdelay $0x2  }
0xbe: {  	s31 =	sshll.u32 s1, $0xD;
	s1 =	sshrl.u32 s1, $0x2  }
0xbf: {  	s3 =	sand.u32 $0x4000, s31;
	s1 =	sadd.s32 s1, s30  }
0xc0: {  	s0 =	sor.u32 s3, s0;
	s1 =	sshll.u32 s1, $0x11  }
0xc1: {  	s0 =	sor.u32 s1, s0  }
0xc2: {  	s0 =	sadd.s32 $0x8F2B, s0  }
0xc3: {  	[sflag:s0] =	ssyncadd.remote.s32 $0x1  }
0xc4: {  	_ =	sfence.sel $0xFFFF  }
0xc5: {  	[dreg:$0x0] =	wrdreg $0xFFFFFFFF;
	(pc) =	sbr.abs _section_cstart, $3  }
0xc6: {  	[dreg:$0x1] =	wrdreg $0xFFFFFFFF  }
0xc7: {  	_ =	task.clear_ibuf [dreg:s7], $0x2FFFF;
	_ =	strace $0x9FFFFFFF  }
0xc8: {  	(tm) =	ssettm $0x7FFFFFFF  }
0xc9: {  	_ =	shalt  }
tec
execute0_lowered:
.L_overlay_start_1:
0x0: {  	(tag) =	ssettag $0x1  }
0x1: {  	s0 =	rddreg [dreg:$0x0]  }
0x2: {  	s1 =	rddreg [dreg:$0x1]  }
0x3: {  	s3 =	srdreg.scid;
	s2 =	simm.s32 $0x0;
	s5 =	stileid.u32  }
0x4: {  	s10 =	simm.s32 $0x2;
	s11 =	simm.s32 $0x80;
	s21 =	simm.s32 $0x5080  }
0x5: {  	s22 =	simm.s32 $0x5880;
	s23 =	simm.s32 $0x6080;
	s28 =	simm.s32 $0x8080  }
0x6: {  	s29 =	simm.s32 $0x8880;
	s30 =	simm.s32 $0x9080;
	s31 =	simm.s32 $0x9880  }
0x7: {  	s12 =	simm.s32 $0xB080;
	s13 =	simm.s32 $0xB880;
	s14 =	simm.s32 $0x1  }
0x8: {  	s15 =	simm.s32 $0x0;
	s4 =	sand.u32 $0x1, s3;
	[smem:$0x7FF] =	sst s2  }
0x9: {  	s24 =	sshll.u32 s5, $0x7;
	s3 =	sadd.s32 $0x8E00, s0;
	s25 =	sshll.u32 s4, $0x6  }
0xa: {  	_ =	strace $0x8000004A;
	s4 =	ssub.s32 $0x2, s4;
	s5 =	sor.u32 s25, s24  }
0xb: {  	s8 =	sshrl.u32 s4, $0x1;
	s24 =	simm.s32 $0x6880;
	s25 =	simm.s32 $0x7080  }
0xc: {  	s6 =	sshrl.u32 s5, $0x3;
	s5 =	sshll.u32 s5, $0x4;
	s9 =	ssub.s32 s4, s8  }
0xd: {  	s7 =	sadd.s32 s6, s0;
	s5 =	sadd.s32 s5, s0;
	s26 =	smul.u32 $0x300, s6  }
0xe: {  	v2 =	vlaneseq.u32;
	s6 =	sadd.s32 $0x8F00, s0;
	s9 =	smax.u32 s9, $0x1;
	s4 =	sadd.s32 $0x50E00, s7  }
0xf: {  	vm0 =	vmmov $0xffff;
	v1 =	vshrl.u32 v2, $0x3;
	s5 =	sadd.s32 $0xE00, s5;
	s7 =	sadd.s32 $0x9000, s0;
	s0 =	simm.s32 $0xA080  }
0x10: {  	v0 =	vand.u32 $0x7, v2;
	v2 =	vor.u32 $0x8, v2;
	v1 =	vmul.u32 $0x8, v1;
	s8 =	sadd.s32 s1, s26;
	s26 =	simm.s32 $0x7880;
	s1 =	simm.s32 $0xA880  }
.LBB2_1:
0x11: {  	[tilespmem:s2], [sflag:$0x2] =	stream.linear.gather [hbm4b:s4+s2], $0x40, $0x38;
	[tilespmem:$0xE080] =	vst v63  }
0x12: {  	_ =	swait.ge [sflag:s10], $0x40  }
0x13: {  	[sflag:s10] =	ssyncset.done $0x0  }
0x14: {  	s16 =	simm.s32 $0xC080;
	[sflag:s10] =	ssyncadd.s32 $0xFFFFFFC0  }
0x15: {  	[tilespmem:s16], [sflag:$0x2] =	stream.linear.gather [hbm4b:s5+s2], $0x2000, $0x38;
	[tilespmem:$0xE080] =	vst v63  }
0x16: {  	_ =	swait.ge [sflag:s10], $0x2000  }
0x17: {  	[sflag:s10] =	ssyncset.done $0x0  }
0x18: {  	[sflag:s10] =	ssyncadd.s32 $0xFFFFE000  }
0x19: {  	v3 =	vld [tilespmem:$0x0];
	_ =	sdelay $0x4  }
0x1a: {  	v4 =	vshrl.u32 v3, $0x3  }
0x1b: {  	v4 =	vmul.u32 $0x30, v4  }
0x1c: {  	v3 =	vand.u32 $0x7, v3  }
0x1d: {  	v3 =	vor.u32 v3, v4  }
0x1e: {  	v4 =	vperm.xlane v3, v0;
	_ =	sdelay $0x1  }
0x1f: {  	v4 =	vadd.s32 v1, v4;
	_ =	sdelay $0x3  }
0x20: {  	v3 =	vperm.xlane v3, v2  }
0x21: {  	[tilespmem:s11], [sflag:$0x1] =	stream.indirect_vreg.gather [hbm4b:s3+s2], $0x80, v4, vm0, $0xb8;
	[tilespmem:$0xE080] =	vst v63  }
0x22: {  	s17 =	simm.s32 $0x880;
	v3 =	vadd.s32 v1, v3  }
0x23: {  	[tilespmem:s17], [sflag:$0x1] =	stream.indirect_vreg.gather [hbm4b:s6+s2], $0x80, v4, vm0, $0xb8;
	[tilespmem:$0xE080] =	vst v63  }
0x24: {  	s19 =	simm.s32 $0x1080  }
0x25: {  	[tilespmem:s19], [sflag:$0x1] =	stream.indirect_vreg.gather [hbm4b:s7+s2], $0x80, v4, vm0, $0xb8;
	[tilespmem:$0xE080] =	vst v63  }
0x26: {  	s20 =	simm.s32 $0x1880  }
0x27: {  	[tilespmem:s20], [sflag:$0x1] =	stream.indirect_vreg.gather [hbm4b:s3+s2], $0x80, v3, vm0, $0xb8;
	[tilespmem:$0xE080] =	vst v63  }
0x28: {  	s18 =	simm.s32 $0x2080  }
0x29: {  	[tilespmem:s18], [sflag:$0x1] =	stream.indirect_vreg.gather [hbm4b:s6+s2], $0x80, v3, vm0, $0xb8;
	[tilespmem:$0xE080] =	vst v63  }
0x2a: {  	s19 =	simm.s32 $0x2880  }
0x2b: {  	[tilespmem:s19], [sflag:$0x1] =	stream.indirect_vreg.gather [hbm4b:s7+s2], $0x80, v3, vm0, $0xb8;
	[tilespmem:$0xE080] =	vst v63  }
0x2c: {  	v3 =	vld [tilespmem:$0x10];
	_ =	sdelay $0x4  }
0x2d: {  	v61 =	vshrl.u32 v3, $0x3  }
0x2e: {  	v4 =	vmul.u32 $0x30, v61  }
0x2f: {  	v3 =	vand.u32 $0x7, v3  }
0x30: {  	v3 =	vor.u32 v3, v4  }
0x31: {  	v4 =	vperm.xlane v3, v0;
	_ =	sdelay $0x1  }
0x32: {  	v4 =	vadd.s32 v1, v4;
	_ =	sdelay $0x3  }
0x33: {  	s20 =	simm.s32 $0x3080;
	v3 =	vperm.xlane v3, v2  }
0x34: {  	[tilespmem:s20], [sflag:$0x1] =	stream.indirect_vreg.gather [hbm4b:s3+s2], $0x80, v4, vm0, $0xb8;
	[tilespmem:$0xE080] =	vst v63  }
0x35: {  	s18 =	simm.s32 $0x3880;
	v3 =	vadd.s32 v1, v3  }
0x36: {  	[tilespmem:s18], [sflag:$0x1] =	stream.indirect_vreg.gather [hbm4b:s6+s2], $0x80, v4, vm0, $0xb8;
	[tilespmem:$0xE080] =	vst v63  }
0x37: {  	s19 =	simm.s32 $0x4080  }
0x38: {  	[tilespmem:s19], [sflag:$0x1] =	stream.indirect_vreg.gather [hbm4b:s7+s2], $0x80, v4, vm0, $0xb8;
	[tilespmem:$0xE080] =	vst v63  }
0x39: {  	s20 =	simm.s32 $0x4880  }
0x3a: {  	[tilespmem:s20], [sflag:$0x1] =	stream.indirect_vreg.gather [hbm4b:s3+s2], $0x80, v3, vm0, $0xb8;
	[tilespmem:$0xE080] =	vst v63  }
0x3b: {  	_ = 	snop  }
0x3c: {  	[tilespmem:s21], [sflag:$0x1] =	stream.indirect_vreg.gather [hbm4b:s6+s2], $0x80, v3, vm0, $0xb8;
	[tilespmem:$0xE080] =	vst v63  }
0x3d: {  	_ = 	snop  }
0x3e: {  	[tilespmem:s22], [sflag:$0x1] =	stream.indirect_vreg.gather [hbm4b:s7+s2], $0x80, v3, vm0, $0xb8;
	[tilespmem:$0xE080] =	vst v63  }
0x3f: {  	v3 =	vld [tilespmem:$0x20];
	_ =	sdelay $0x4  }
0x40: {  	v62 =	vshrl.u32 v3, $0x3  }
0x41: {  	v4 =	vmul.u32 $0x30, v62  }
0x42: {  	v3 =	vand.u32 $0x7, v3  }
0x43: {  	v3 =	vor.u32 v3, v4  }
0x44: {  	v4 =	vperm.xlane v3, v0;
	_ =	sdelay $0x1  }
0x45: {  	v4 =	vadd.s32 v1, v4;
	_ =	sdelay $0x3  }
0x46: {  	v3 =	vperm.xlane v3, v2  }
0x47: {  	[tilespmem:s23], [sflag:$0x1] =	stream.indirect_vreg.gather [hbm4b:s3+s2], $0x80, v4, vm0, $0xb8;
	[tilespmem:$0xE080] =	vst v63  }
0x48: {  	v3 =	vadd.s32 v1, v3  }
0x49: {  	[tilespmem:s24], [sflag:$0x1] =	stream.indirect_vreg.gather [hbm4b:s6+s2], $0x80, v4, vm0, $0xb8;
	[tilespmem:$0xE080] =	vst v63  }
0x4a: {  	_ = 	snop  }
0x4b: {  	[tilespmem:s25], [sflag:$0x1] =	stream.indirect_vreg.gather [hbm4b:s7+s2], $0x80, v4, vm0, $0xb8;
	[tilespmem:$0xE080] =	vst v63  }
0x4c: {  	_ = 	snop  }
0x4d: {  	[tilespmem:s26], [sflag:$0x1] =	stream.indirect_vreg.gather [hbm4b:s3+s2], $0x80, v3, vm0, $0xb8;
	[tilespmem:$0xE080] =	vst v63  }
0x4e: {  	_ = 	snop  }
0x4f: {  	[tilespmem:s28], [sflag:$0x1] =	stream.indirect_vreg.gather [hbm4b:s6+s2], $0x80, v3, vm0, $0xb8;
	[tilespmem:$0xE080] =	vst v63  }
0x50: {  	_ = 	snop  }
0x51: {  	[tilespmem:s29], [sflag:$0x1] =	stream.indirect_vreg.gather [hbm4b:s7+s2], $0x80, v3, vm0, $0xb8;
	[tilespmem:$0xE080] =	vst v63  }
0x52: {  	v3 =	vld [tilespmem:$0x30];
	_ =	sdelay $0x4  }
0x53: {  	v63 =	vshrl.u32 v3, $0x3  }
0x54: {  	v4 =	vmul.u32 $0x30, v63  }
0x55: {  	v3 =	vand.u32 $0x7, v3  }
0x56: {  	v3 =	vor.u32 v3, v4  }
0x57: {  	v4 =	vperm.xlane v3, v0;
	_ =	sdelay $0x1  }
0x58: {  	v4 =	vadd.s32 v1, v4;
	_ =	sdelay $0x3  }
0x59: {  	v3 =	vperm.xlane v3, v2  }
0x5a: {  	[tilespmem:s30], [sflag:$0x1] =	stream.indirect_vreg.gather [hbm4b:s3+s2], $0x80, v4, vm0, $0xb8;
	[tilespmem:$0xE080] =	vst v63  }
0x5b: {  	v3 =	vadd.s32 v1, v3  }
0x5c: {  	[tilespmem:s31], [sflag:$0x1] =	stream.indirect_vreg.gather [hbm4b:s6+s2], $0x80, v4, vm0, $0xb8;
	[tilespmem:$0xE080] =	vst v63  }
0x5d: {  	_ = 	snop  }
0x5e: {  	[tilespmem:s0], [sflag:$0x1] =	stream.indirect_vreg.gather [hbm4b:s7+s2], $0x80, v4, vm0, $0xb8;
	[tilespmem:$0xE080] =	vst v63  }
0x5f: {  	_ = 	snop  }
0x60: {  	[tilespmem:s1], [sflag:$0x1] =	stream.indirect_vreg.gather [hbm4b:s3+s2], $0x80, v3, vm0, $0xb8;
	[tilespmem:$0xE080] =	vst v63  }
0x61: {  	_ = 	snop  }
0x62: {  	[tilespmem:s12], [sflag:$0x1] =	stream.indirect_vreg.gather [hbm4b:s6+s2], $0x80, v3, vm0, $0xb8;
	[tilespmem:$0xE080] =	vst v63  }
0x63: {  	_ = 	snop  }
0x64: {  	[tilespmem:s13], [sflag:$0x1] =	stream.indirect_vreg.gather [hbm4b:s7+s2], $0x80, v3, vm0, $0xb8;
	[tilespmem:$0xE080] =	vst v63  }
0x65: {  	_ =	swait.ge [sflag:s14], $0xC000  }
0x66: {  	[sflag:s14] =	ssyncset.done $0x0  }
0x67: {  	s17 =	simm.s32 $0x0;
	s18 =	simm.s32 $0x0;
	[sflag:s14] =	ssyncadd.s32 $0xFFFF4000  }
.LBB2_2:
0x68: {  	s19 =	sshrl.u32 s18, $0x3  }
0x69: {  	s19 =	smul.u32 $0x6000, s19;
	_ =	sdelay $0x1  }
0x6a: {  	s20 =	sand.u32 $0x380, s17;
	s19 =	sshra.s32 s19, $0x2  }
0x6b: {  	v3 =	vld [tilespmem:s16+$0x0];
	s19 =	sor.u32 s20, s19  }
0x6c: {  	v4 =	vld [tilespmem:s19+$0x80]  }
0x6d: {  	v5 =	vld [tilespmem:s19+$0x90]  }
0x6e: {  	v6 =	vld [tilespmem:s19+$0xA0]  }
0x6f: {  	v7 =	vld [tilespmem:s19+$0xB0]  }
0x70: {  	v8 =	vld [tilespmem:s19+$0xC0]  }
0x71: {  	v9 =	vld [tilespmem:s19+$0xD0];
	v4 =	vmul.f32 v4, v3  }
0x72: {  	v10 =	vld [tilespmem:s19+$0xE0];
	v5 =	vmul.f32 v5, v3  }
0x73: {  	v31 =	vld [tilespmem:s19+$0xF0];
	v30 =	vmul.f32 v6, v3;
	[tilespmem:s19+$0x80] =	vst v4  }
0x74: {  	v33 =	vld [tilespmem:s19+$0x480];
	v32 =	vmul.f32 v7, v3;
	[tilespmem:s19+$0x90] =	vst v5  }
0x75: {  	v35 =	vld [tilespmem:s19+$0x490];
	v34 =	vmul.f32 v8, v3;
	[tilespmem:s19+$0xA0] =	vst v30  }
0x76: {  	v37 =	vld [tilespmem:s19+$0x4A0];
	v36 =	vmul.f32 v9, v3;
	[tilespmem:s19+$0xB0] =	vst v32  }
0x77: {  	v39 =	vld [tilespmem:s19+$0x4B0];
	v38 =	vmul.f32 v10, v3;
	[tilespmem:s19+$0xC0] =	vst v34  }
0x78: {  	v41 =	vld [tilespmem:s19+$0x4C0];
	v40 =	vmul.f32 v31, v3;
	[tilespmem:s19+$0xD0] =	vst v36  }
0x79: {  	v43 =	vld [tilespmem:s19+$0x4D0];
	v42 =	vmul.f32 v33, v3;
	[tilespmem:s19+$0xE0] =	vst v38  }
0x7a: {  	v45 =	vld [tilespmem:s19+$0x4E0];
	v44 =	vmul.f32 v35, v3;
	[tilespmem:s19+$0xF0] =	vst v40  }
0x7b: {  	v47 =	vld [tilespmem:s19+$0x4F0];
	v46 =	vmul.f32 v37, v3;
	[tilespmem:s19+$0x480] =	vst v42  }
0x7c: {  	v49 =	vld [tilespmem:s19+$0x880];
	v48 =	vmul.f32 v39, v3;
	[tilespmem:s19+$0x490] =	vst v44  }
0x7d: {  	v51 =	vld [tilespmem:s19+$0x890];
	v50 =	vmul.f32 v41, v3;
	[tilespmem:s19+$0x4A0] =	vst v46  }
0x7e: {  	v53 =	vld [tilespmem:s19+$0x8A0];
	v52 =	vmul.f32 v43, v3;
	[tilespmem:s19+$0x4B0] =	vst v48  }
0x7f: {  	v55 =	vld [tilespmem:s19+$0x8B0];
	v54 =	vmul.f32 v45, v3;
	[tilespmem:s19+$0x4C0] =	vst v50  }
0x80: {  	v57 =	vld [tilespmem:s19+$0x8C0];
	v56 =	vmul.f32 v47, v3;
	[tilespmem:s19+$0x4D0] =	vst v52  }
0x81: {  	v59 =	vld [tilespmem:s19+$0x8D0];
	v58 =	vmul.f32 v49, v3;
	[tilespmem:s19+$0x4E0] =	vst v54  }
0x82: {  	v61 =	vld [tilespmem:s19+$0x8E0];
	v60 =	vmul.f32 v51, v3;
	[tilespmem:s19+$0x4F0] =	vst v56  }
0x83: {  	v63 =	vld [tilespmem:s19+$0x8F0];
	v62 =	vmul.f32 v53, v3;
	[tilespmem:s19+$0x880] =	vst v58  }
0x84: {  	v13 =	vld [tilespmem:s19+$0xC80];
	v12 =	vmul.f32 v55, v3;
	[tilespmem:s19+$0x890] =	vst v60  }
0x85: {  	v15 =	vld [tilespmem:s19+$0xC90];
	v14 =	vmul.f32 v57, v3;
	[tilespmem:s19+$0x8A0] =	vst v62  }
0x86: {  	v17 =	vld [tilespmem:s19+$0xCA0];
	v16 =	vmul.f32 v59, v3;
	[tilespmem:s19+$0x8B0] =	vst v12  }
0x87: {  	v19 =	vld [tilespmem:s19+$0xCB0];
	v18 =	vmul.f32 v61, v3;
	[tilespmem:s19+$0x8C0] =	vst v14  }
0x88: {  	v21 =	vld [tilespmem:s19+$0xCC0];
	v20 =	vmul.f32 v63, v3;
	[tilespmem:s19+$0x8D0] =	vst v16  }
0x89: {  	v23 =	vld [tilespmem:s19+$0xCD0];
	v22 =	vmul.f32 v13, v3;
	[tilespmem:s19+$0x8E0] =	vst v18  }
0x8a: {  	v25 =	vld [tilespmem:s19+$0xCE0];
	v24 =	vmul.f32 v15, v3;
	[tilespmem:s19+$0x8F0] =	vst v20  }
0x8b: {  	v27 =	vld [tilespmem:s19+$0xCF0];
	v26 =	vmul.f32 v17, v3;
	[tilespmem:s19+$0xC80] =	vst v22  }
0x8c: {  	v29 =	vld [tilespmem:s19+$0x1080];
	v28 =	vmul.f32 v19, v3;
	[tilespmem:s19+$0xC90] =	vst v24  }
0x8d: {  	v31 =	vld [tilespmem:s19+$0x1090];
	[tilespmem:s19+$0xCA0] =	vst v26;
	v30 =	vmul.f32 v21, v3  }
0x8e: {  	v33 =	vld [tilespmem:s19+$0x10A0];
	[tilespmem:s19+$0xCB0] =	vst v28;
	v32 =	vmul.f32 v23, v3  }
0x8f: {  	v35 =	vld [tilespmem:s19+$0x10B0];
	v34 =	vmul.f32 v25, v3;
	[tilespmem:s19+$0xCC0] =	vst v30  }
0x90: {  	v37 =	vld [tilespmem:s19+$0x10C0];
	v36 =	vmul.f32 v27, v3;
	[tilespmem:s19+$0xCD0] =	vst v32  }
0x91: {  	v39 =	vld [tilespmem:s19+$0x10D0];
	v38 =	vmul.f32 v29, v3;
	[tilespmem:s19+$0xCE0] =	vst v34  }
0x92: {  	v41 =	vld [tilespmem:s19+$0x10E0];
	[tilespmem:s19+$0xCF0] =	vst v36;
	v40 =	vmul.f32 v31, v3  }
0x93: {  	v43 =	vld [tilespmem:s19+$0x10F0];
	[tilespmem:s19+$0x1080] =	vst v38;
	v42 =	vmul.f32 v33, v3  }
0x94: {  	v45 =	vld [tilespmem:s19+$0x1480];
	v44 =	vmul.f32 v35, v3;
	[tilespmem:s19+$0x1090] =	vst v40  }
0x95: {  	v47 =	vld [tilespmem:s19+$0x1490];
	v46 =	vmul.f32 v37, v3;
	[tilespmem:s19+$0x10A0] =	vst v42  }
0x96: {  	v49 =	vld [tilespmem:s19+$0x14A0];
	v48 =	vmul.f32 v39, v3;
	[tilespmem:s19+$0x10B0] =	vst v44  }
0x97: {  	v51 =	vld [tilespmem:s19+$0x14B0];
	v50 =	vmul.f32 v41, v3;
	[tilespmem:s19+$0x10C0] =	vst v46  }
0x98: {  	v53 =	vld [tilespmem:s19+$0x14C0];
	v52 =	vmul.f32 v43, v3;
	[tilespmem:s19+$0x10D0] =	vst v48  }
0x99: {  	v55 =	vld [tilespmem:s19+$0x14D0];
	v54 =	vmul.f32 v45, v3;
	[tilespmem:s19+$0x10E0] =	vst v50  }
0x9a: {  	v57 =	vld [tilespmem:s19+$0x14E0];
	v56 =	vmul.f32 v47, v3;
	[tilespmem:s19+$0x10F0] =	vst v52  }
0x9b: {  	v59 =	vld [tilespmem:s19+$0x14F0];
	v58 =	vmul.f32 v49, v3;
	[tilespmem:s19+$0x1480] =	vst v54  }
0x9c: {  	v60 =	vmul.f32 v51, v3;
	[tilespmem:s19+$0x1490] =	vst v56  }
0x9d: {  	p0 =	sne.s32 s18, $0x3F;
	v61 =	vmul.f32 v53, v3;
	[tilespmem:s19+$0x14A0] =	vst v58  }
.Ltmp0:
0x9e: {  	v62 =	vmul.f32 v55, v3;
	[tilespmem:s19+$0x14B0] =	vst v60;
	(pc) =	sbr.rel @p0 .LBB2_2-.Ltmp0, $4  }
0x9f: {  	v63 =	vmul.f32 v57, v3;
	[tilespmem:s19+$0x14C0] =	vst v61  }
0xa0: {  	v3 =	vmul.f32 v59, v3;
	[tilespmem:s19+$0x14D0] =	vst v62  }
0xa1: {  	[tilespmem:s19+$0x14E0] =	vst v63  }
0xa2: {  	s17 =	sadd.s32 $0x80, s17;
	s16 =	sadd.s32 $0x80, s16;
	s18 =	sadd.s32 $0x1, s18;
	[tilespmem:s19+$0x14F0] =	vst v3  }
0xa3: {  	s15 =	sadd.s32 $0x1, s15  }
0xa4: {  	p0 =	sne.s32 s15, s9  }
.Ltmp1:
0xa5: {  	_ = 	snop;
	(pc) =	sbr.rel @p0 .LBB2_1-.Ltmp1, $4  }
0xa6: {  	[hbm4b:s8+s2] =	stream.linear.scatter [tilespmem:s11], [sflag:$0x2], $0xC000, $0x38;
	[tilespmem:$0xE080] =	vst v63  }
0xa7: {  	_ =	swait.ge [sflag:s10], $0xC000  }
0xa8: {  	[sflag:s10] =	ssyncset.done $0x0  }
0xa9: {  	[sflag:s10] =	ssyncadd.s32 $0xFFFF4000  }
0xaa: {  	_ =	sfence.sel $0x180000  }
0xab: {  	[bflag:$0x0] =	sbarrier.arrive $0xFFFF  }
0xac: {  	_ =	strace $0x9000004A  }
0xad: {  	s0 =	stileid.u32;
	[bflag:$0x2] =	sbarrier.arrive $0xFFFF  }
0xae: {  	p0 =	sne.s32 s0, $0x0;
	s0 =	rddreg [dreg:$0x2]  }
0xaf: {  	s0 =	sadd.s32 @!p0 $0x100000, s0  }
0xb0: {  	[sflag:s0] =	ssyncadd.tile.s32 @!p0 $0x1;
	_ =	shalt  }
.Lfunc_end2:
_tile_overlayer_lowered:
.L_overlay_start_2:
0xb1: {  	(tag) =	ssettag $0x2  }
0xb2: {  	s0 =	rddreg [dreg:$0x0];
	s2 =	stileid.u32  }
0xb3: {  	s1 =	rddreg [dreg:$0x1];
	p0 =	sne.s32 s2, $0x0  }
0xb4: {  	s3 =	rddreg [dreg:$0x2];
	[bflag:$0x3] =	sbarrier.arrive $0xFFFF;
	s2 =	simm.s32 @!p0 $0x1C02  }
0xb5: {  	[timem:s3], [sflag:s2] =	dma.local @!p0 [hbm:s0], s1  }
0xb6: {  	s0 =	simm.s32 @!p0 $0x2  }
0xb7: {  	_ =	swait.ge @!p0 [sflag:s0], s1  }
0xb8: {  	s1 =	ssub.s32 @!p0 $0x0, s1;
	[sflag:s0] =	ssyncset.done @!p0 $0x0  }
0xb9: {  	[sflag:s0] =	ssyncadd.s32 @!p0 s1  }
0xba: {  	[bflag:$0x3] =	sbarrier.arrive $0xFFFF  }
0xbb: {  	_ =	shalt  }

</sc_bundles>
